<compile_context>
chip_gen: v7x
topology: tpu7x:2x2x1
jax: 0.10.2.dev20260603
libtpu: 0.0.44.dev20260713+nightly
codegen_flags: <defaults>
</compile_context>

<pallas_src>
import functools

import jax
import jax.numpy as jnp
from jax import lax
from jax.experimental import pallas as pl
from jax.experimental.pallas import tpu as pltpu
from jax.experimental.pallas import tpu_sc as plsc

N_NODES = 10000
D_SIG = 128
N_QUERY = 8192
NC, NS = 2, 16
NW = NC * NS
NPAD = 10112
ROWS_PER_TILE = NPAD // NS
NROW2 = NPAD // 128
CHUNK = 128
FCH = 64
JUNK = N_NODES


def _mesh():
    return plsc.VectorSubcoreMesh(
        core_axis_name="c", subcore_axis_name="s", num_cores=NC, num_subcores=NS
    )


_SC_PARAMS = pltpu.CompilerParams(needs_layout_passes=False)


def _wid():
    return lax.axis_index("s") * NC + lax.axis_index("c")


def _zero_2d(ref):
    def z(i, c):
        for k in range(8):
            ref[i, pl.ds(k * 16, 16)] = jnp.zeros((16,), jnp.float32)
        return c
    lax.fori_loop(0, NROW2, z, 0)


@functools.lru_cache(None)
def _vec_scatter_kernel(e_pad, ntab):
    e_per_w = e_pad // NW

    def body(*refs):
        tabs = refs[:ntab]
        rows, cols = refs[ntab], refs[ntab + 1]
        outs = refs[ntab + 2:ntab + 2 + ntab]
        scratch = refs[ntab + 2 + ntab:]
        tab_vs = scratch[:ntab]
        acc_vs = scratch[ntab:2 * ntab]
        row_v, col_v = scratch[2 * ntab], scratch[2 * ntab + 1]
        wid = _wid()
        for t in range(ntab):
            pltpu.sync_copy(tabs[t], tab_vs[t])
            _zero_2d(acc_vs[t])
        pltpu.sync_copy(rows.at[wid], row_v)
        pltpu.sync_copy(cols.at[wid], col_v)

        def step(i, c):
            r = row_v[pl.ds(i * 16, 16)]
            cc = col_v[pl.ds(i * 16, 16)]
            for t in range(ntab):
                v = plsc.load_gather(tab_vs[t], [r >> 7, r & 127])
                plsc.addupdate_scatter(acc_vs[t], [cc >> 7, cc & 127], v)
            return c

        lax.fori_loop(0, e_per_w // 16, step, 0)
        for t in range(ntab):
            pltpu.sync_copy(acc_vs[t], outs[t].at[wid])

    return pl.kernel(
        body,
        out_type=tuple(
            jax.ShapeDtypeStruct((NW, NROW2, 128), jnp.float32)
            for _ in range(ntab)
        ),
        mesh=_mesh(),
        compiler_params=_SC_PARAMS,
        scratch_types=[pltpu.VMEM((NROW2, 128), jnp.float32)] * (2 * ntab)
        + [
            pltpu.VMEM((e_per_w,), jnp.int32),
            pltpu.VMEM((e_per_w,), jnp.int32),
        ],
    )


@functools.lru_cache(None)
def _spmm_kernel(e_tot):
    e_per_w = e_tot // NW
    BLK = 2048
    SCH = 128
    nblk = e_per_w // BLK
    cpb = BLK // SCH
    nch = e_per_w // SCH

    def body(table, rows, cols, zrows, out, row_v, col_v, buf, acc, sem):
        cid = lax.axis_index("c")
        sid = lax.axis_index("s")
        wid = sid * NC + cid
        pltpu.sync_copy(zrows, acc.at[pl.ds(sid * ROWS_PER_TILE, ROWS_PER_TILE)])
        pltpu.sync_copy(cols.at[wid], col_v)
        plsc.subcore_barrier()

        def block_step(b, carry):
            pltpu.sync_copy(rows.at[wid, pl.ds(b * BLK, BLK)], row_v)

            def step(j, c):
                pltpu.async_copy(
                    table.at[row_v.at[pl.ds(j * SCH, SCH)]], buf, sem
                ).wait()
                pltpu.sync_copy(buf, acc.at[col_v.at[b * cpb + j]], add=True)
                return c

            lax.fori_loop(0, cpb, step, 0)
            return carry

        lax.fori_loop(0, nblk, block_step, 0)
        plsc.subcore_barrier()
        pltpu.sync_copy(
            acc.at[pl.ds(sid * ROWS_PER_TILE, ROWS_PER_TILE)],
            out.at[cid, pl.ds(sid * ROWS_PER_TILE, ROWS_PER_TILE)],
        )

    return pl.kernel(
        body,
        out_type=jax.ShapeDtypeStruct((NC, NPAD, D_SIG), jnp.float32),
        mesh=_mesh(),
        compiler_params=_SC_PARAMS,
        scratch_types=[
            pltpu.VMEM((BLK,), jnp.int32),
            pltpu.VMEM((nch, SCH), jnp.int32),
            pltpu.VMEM((SCH, D_SIG), jnp.float32),
            pltpu.VMEM_SHARED((NPAD, D_SIG), jnp.float32),
            pltpu.SemaphoreType.DMA,
        ],
    )


@functools.lru_cache(None)
def _deg_kernel(e_pad):
    e_per_w = e_pad // NW

    def body(s_t, rows, cols, out, rows_m, tab_v, acc_v, row_v, col_v):
        wid = _wid()
        pltpu.sync_copy(s_t, tab_v)
        _zero_2d(acc_v)
        pltpu.sync_copy(rows.at[wid], row_v)
        pltpu.sync_copy(cols.at[wid], col_v)

        def step(i, c):
            r = row_v[pl.ds(i * 16, 16)]
            cc = col_v[pl.ds(i * 16, 16)]
            v = plsc.load_gather(tab_v, [r >> 7, r & 127])
            plsc.addupdate_scatter(acc_v, [cc >> 7, cc & 127], v)
            row_v[pl.ds(i * 16, 16)] = jnp.where(v > 0.0, r, JUNK + (r & 63))
            return c

        lax.fori_loop(0, e_per_w // 16, step, 0)
        pltpu.sync_copy(acc_v, out.at[wid])
        pltpu.sync_copy(row_v, rows_m.at[wid])

    return pl.kernel(
        body,
        out_type=(
            jax.ShapeDtypeStruct((NW, NROW2, 128), jnp.float32),
            jax.ShapeDtypeStruct((NW, e_per_w), jnp.int32),
        ),
        mesh=_mesh(),
        compiler_params=_SC_PARAMS,
        scratch_types=[
            pltpu.VMEM((NROW2, 128), jnp.float32),
            pltpu.VMEM((NROW2, 128), jnp.float32),
            pltpu.VMEM((e_per_w,), jnp.int32),
            pltpu.VMEM((e_per_w,), jnp.int32),
        ],
    )


@functools.lru_cache(None)
def _final_kernel():
    e_per_w = N_QUERY // NW
    nch = e_per_w // FCH

    def body(a_t, t_t, x_t, deg, e0s, e1s,
             o11, o12, o21, o22, os12, os21, od0, od1,
             e0_v, e1_v, deg_v, a0b, a1b, t0b, t1b, x0b, x1b,
             v11b, v12b, v21b, v22b, vs12b, vs21b, vd0b, vd1b, sem):
        wid = _wid()
        pltpu.sync_copy(e0s.at[wid], e0_v)
        pltpu.sync_copy(e1s.at[wid], e1_v)
        pltpu.sync_copy(deg, deg_v)

        def chunk_step(j, carry):
            sj = pl.ds(j * FCH, FCH)
            pltpu.async_copy(a_t.at[e0_v.at[sj]], a0b, sem).wait()
            pltpu.async_copy(a_t.at[e1_v.at[sj]], a1b, sem).wait()
            pltpu.async_copy(t_t.at[e0_v.at[sj]], t0b, sem).wait()
            pltpu.async_copy(t_t.at[e1_v.at[sj]], t1b, sem).wait()
            pltpu.async_copy(x_t.at[e0_v.at[sj]], x0b, sem).wait()
            pltpu.async_copy(x_t.at[e1_v.at[sj]], x1b, sem).wait()

            def group_step(g, c2):
                i0 = jnp.arange(16, dtype=jnp.int32) + g * 16
                e0g = e0_v[pl.ds(j * FCH + g * 16, 16)]
                e1g = e1_v[pl.ds(j * FCH + g * 16, 16)]
                d0 = plsc.load_gather(deg_v, [e0g >> 7, e0g & 127])
                d1 = plsc.load_gather(deg_v, [e1g >> 7, e1g & 127])
                z = jnp.zeros((16,), jnp.float32)

                def feat_step(k, vs):
                    v11, v12, v21, v22, vs12, vs21 = vs
                    ck = jnp.zeros((16,), jnp.int32) + k
                    a0 = plsc.load_gather(a0b, [i0, ck])
                    a1 = plsc.load_gather(a1b, [i0, ck])
                    t0 = plsc.load_gather(t0b, [i0, ck])
                    t1 = plsc.load_gather(t1b, [i0, ck])
                    u0 = t0 - d0 * plsc.load_gather(x0b, [i0, ck])
                    u1 = t1 - d1 * plsc.load_gather(x1b, [i0, ck])
                    return (v11 + a0 * a1, v12 + a0 * t1, v21 + t0 * a1,
                            v22 + u0 * u1, vs12 + a0 * t0, vs21 + a1 * t1)

                v11, v12, v21, v22, vs12, vs21 = lax.fori_loop(
                    0, D_SIG, feat_step, (z, z, z, z, z, z))
                sl = pl.ds(g * 16, 16)
                v11b[sl] = v11
                v12b[sl] = v12
                v21b[sl] = v21
                v22b[sl] = v22
                vs12b[sl] = vs12
                vs21b[sl] = vs21
                vd0b[sl] = d0
                vd1b[sl] = d1
                return c2

            lax.fori_loop(0, FCH // 16, group_step, 0)
            base = wid * e_per_w + j * FCH
            pltpu.sync_copy(v11b, o11.at[pl.ds(base, FCH)])
            pltpu.sync_copy(v12b, o12.at[pl.ds(base, FCH)])
            pltpu.sync_copy(v21b, o21.at[pl.ds(base, FCH)])
            pltpu.sync_copy(v22b, o22.at[pl.ds(base, FCH)])
            pltpu.sync_copy(vs12b, os12.at[pl.ds(base, FCH)])
            pltpu.sync_copy(vs21b, os21.at[pl.ds(base, FCH)])
            pltpu.sync_copy(vd0b, od0.at[pl.ds(base, FCH)])
            pltpu.sync_copy(vd1b, od1.at[pl.ds(base, FCH)])
            return carry

        lax.fori_loop(0, nch, chunk_step, 0)

    q = jax.ShapeDtypeStruct((N_QUERY,), jnp.float32)
    return pl.kernel(
        body,
        out_type=(q,) * 8,
        mesh=_mesh(),
        compiler_params=_SC_PARAMS,
        scratch_types=[
            pltpu.VMEM((e_per_w,), jnp.int32),
            pltpu.VMEM((e_per_w,), jnp.int32),
            pltpu.VMEM((NROW2, 128), jnp.float32),
        ]
        + [pltpu.VMEM((FCH, D_SIG), jnp.float32)] * 6
        + [pltpu.VMEM((FCH,), jnp.float32)] * 8
        + [pltpu.SemaphoreType.DMA],
    )



def _norm_body(x_ref, o_ref):
    x = x_ref[:, :]
    n = jnp.sqrt(jnp.sum(x * x, axis=1, keepdims=True))
    o_ref[:, :] = x / jnp.clip(n, 1e-12)


def _mask_body(p_ref, o_ref):
    o_ref[...] = (jnp.sum(p_ref[...], axis=0) > 0).astype(jnp.float32)


def _bfs_merge_body(p_ref, s_ref, cur_ref, snew_ref):
    r = (jnp.sum(p_ref[...], axis=0) > 0).astype(jnp.float32)
    cur_ref[...] = r
    snew_ref[...] = ((s_ref[...] + r) > 0).astype(jnp.float32)


def _final_merge_body(p_ref, pd_ref, s_ref, s2_ref, deg_ref):
    r = (jnp.sum(p_ref[...], axis=0) > 0).astype(jnp.float32)
    s2_ref[...] = ((s_ref[...] + r) > 0).astype(jnp.float32)
    deg_ref[...] = jnp.sum(pd_ref[...], axis=0)


def _merge2_body(p_ref, o_ref):
    o_ref[:, :] = p_ref[0] + p_ref[1]


def _tc(body, out_shape, *args):
    return pl.pallas_call(body, out_shape=out_shape)(*args)



def _pad_pair(idx_g, idx_s, e_pad):
    pad = e_pad - idx_g.shape[0]
    if pad:
        fill = JUNK + (jnp.arange(pad, dtype=jnp.int32) % 112)
        idx_g = jnp.concatenate([idx_g, fill])
        idx_s = jnp.concatenate([idx_s, fill])
    return idx_g.reshape(NW, -1), idx_s.reshape(NW, -1)


def kernel(edges, edge_index, node_sig):
    col = edge_index[0]
    row = edge_index[1]
    e_pad = ((edge_index.shape[1] + NW * 2048 - 1) // (NW * 2048)) * (NW * 2048)
    rows_g, cols_s = _pad_pair(row, col, e_pad)

    f32 = jnp.float32
    zrows = jnp.zeros((ROWS_PER_TILE, D_SIG), f32)
    npad_shape = jax.ShapeDtypeStruct((NROW2, 128), f32)

    x_pad = jnp.zeros((NPAD, D_SIG), f32).at[:N_NODES].set(node_sig)
    x_n = _tc(_norm_body, jax.ShapeDtypeStruct((NPAD, D_SIG), f32), x_pad)

    nodes = jnp.concatenate([edges[0], edges[1]]).astype(jnp.int32)
    ones_t = jnp.ones((NROW2, 128), f32)
    qg, qs = _pad_pair(jnp.zeros_like(nodes), nodes, nodes.shape[0])
    (q_parts,) = _vec_scatter_kernel(nodes.shape[0], 1)(ones_t, qg, qs)
    q_t = _tc(_mask_body, npad_shape, q_parts)

    (r1_parts,) = _vec_scatter_kernel(e_pad, 1)(q_t, rows_g, cols_s)
    cur1_t, s1_t = _tc(_bfs_merge_body, (npad_shape,) * 2, r1_parts, q_t)
    (r2_parts,) = _vec_scatter_kernel(e_pad, 1)(cur1_t, rows_g, cols_s)
    _, s_t = _tc(_bfs_merge_body, (npad_shape,) * 2, r2_parts, s1_t)
    deg_parts, rows_m = _deg_kernel(e_pad)(s_t, rows_g, cols_s)
    deg_t = _tc(_mask_sum_body, npad_shape, deg_parts)

    BLK = 2048
    junk = JUNK + (jnp.arange(2 * BLK, dtype=jnp.int32) % 112)
    junk = jnp.broadcast_to(junk, (NW, 2 * BLK))
    rows_mt = jnp.concatenate([rows_m, junk], axis=1)
    cols_t = jnp.concatenate([cols_s, junk], axis=1)
    e_tot = e_pad + NW * 2 * BLK
    cols_t3 = cols_t.reshape(NW, e_tot // NW // 128, 128)

    a_parts = _spmm_kernel(e_tot)(x_n, rows_mt, cols_t3, zrows)
    a_t = _tc(_merge2_body, jax.ShapeDtypeStruct((NPAD, D_SIG), f32), a_parts)

    t_parts = _spmm_kernel(e_tot)(a_t, rows_mt, cols_t3, zrows)
    t_t = _tc(_merge2_body, jax.ShapeDtypeStruct((NPAD, D_SIG), f32), t_parts)

    nq = edges.shape[1]
    e0s = edges[0].astype(jnp.int32).reshape(NW, nq // NW)
    e1s = edges[1].astype(jnp.int32).reshape(NW, nq // NW)
    return _final_kernel()(a_t, t_t, x_n, deg_t, e0s, e1s)


def _mask_sum_body(p_ref, o_ref):
    o_ref[...] = jnp.sum(p_ref[...], axis=0)

# --- scband reference (transcript-rebuilt; emitter-appended) ---
"""Pipeline reference for scband-node-label-34866544508928 (READ-ONLY COPY).

The authoritative reference and input builder live on the scoring server;
editing this copy changes nothing except your own understanding.
"""

import jax, jax.numpy as jnp
import numpy as np

DIM = 128
NUM_NODES = 10000
NUM_EDGES = 640000
NUM_QUERY = 8192


def setup_inputs(seed: int = 0) -> dict:
    key = jax.random.key(seed)
    k1, k2, k3 = jax.random.split(key, 3)
    edge_index = jax.random.randint(k1, (2, NUM_EDGES), 0, NUM_NODES, dtype=jnp.int32)
    edges = jax.random.randint(k2, (2, NUM_QUERY), 0, NUM_NODES, dtype=jnp.int32)
    # random gaussian node signatures (module draws these internally; materialized here as a param)
    node_sig = jax.random.normal(k3, (NUM_NODES, DIM), dtype=jnp.float32)
    return {"edges": edges, "edge_index": edge_index, "node_sig": node_sig}


def _k_hop_subgraph(node_idx, num_hops, edge_index, num_nodes):
    # faithful numpy port of pyg k_hop_subgraph (flow='source_to_target', relabel_nodes=True)
    col, row = edge_index[0], edge_index[1]
    node_mask = np.zeros(num_nodes, dtype=bool)
    subsets = [node_idx]
    for _ in range(num_hops):
        node_mask[:] = False
        node_mask[subsets[-1]] = True
        subsets.append(col[node_mask[row]])
    allc = np.concatenate(subsets)
    subset, inv_all = np.unique(allc, return_inverse=True)
    inv = inv_all[: node_idx.size]
    node_mask[:] = False
    node_mask[subset] = True
    edge_mask = node_mask[row] & node_mask[col]
    ei = edge_index[:, edge_mask]
    mapping = np.full(num_nodes, -1, dtype=np.int64)
    mapping[subset] = np.arange(subset.size)
    ei = mapping[ei]
    return subset, ei, inv, edge_mask


def reference(edges, edge_index, node_sig):
    col, row = edge_index[0], edge_index[1]
    nodes = jnp.concatenate([edges[0], edges[1]])
    # k_hop_subgraph in global node coordinates (flow='source_to_target', 2 hops)
    query_mask = jnp.zeros((NUM_NODES,), bool).at[nodes].set(True)
    subset_mask = query_mask
    cur = query_mask
    for _ in range(2):
        reached = jnp.zeros((NUM_NODES,), jnp.int32).at[col].add(cur[row].astype(jnp.int32)) > 0
        subset_mask = subset_mask | reached
        cur = reached
    em = subset_mask[row] & subset_mask[col]
    # gaussian signatures: F.normalize(randn) on the subgraph nodes
    x = node_sig / jnp.clip(jnp.linalg.norm(node_sig, axis=1, keepdims=True), 1e-12)
    # one_hop = adj_t @ x  (scatter-add over subgraph edges)
    one_hop = jnp.zeros((NUM_NODES, DIM), jnp.float32).at[col].add(
        jnp.where(em[:, None], x[row], 0.0)
    )
    # two_hop = (adj_t restricted to query rows) @ one_hop, read at query nodes
    em2 = em & query_mask[col]
    two_hop = jnp.zeros((NUM_NODES, DIM), jnp.float32).at[col].add(
        jnp.where(em2[:, None], one_hop[row], 0.0)
    )
    degree = jnp.zeros((NUM_NODES,), jnp.float32).at[col].add(jnp.where(em, 1.0, 0.0))
    B = edges.shape[1]
    one_hop_x = one_hop[nodes].reshape(2, B, DIM)
    two_hop_x = two_hop[nodes].reshape(2, B, DIM)
    e0 = edges[0]
    e1 = edges[1]
    dot = lambda a, b: (a * b).sum(-1)
    count_1_1 = dot(one_hop_x[0], one_hop_x[1])
    count_1_2 = dot(one_hop_x[0], two_hop_x[1])
    count_2_1 = dot(two_hop_x[0], one_hop_x[1])
    count_2_2 = dot(two_hop_x[0] - degree[e0][:, None] * x[e0], two_hop_x[1] - degree[e1][:, None] * x[e1])
    count_self_1_2 = dot(one_hop_x[0], two_hop_x[0])
    count_self_2_1 = dot(one_hop_x[1], two_hop_x[1])
    return (count_1_1, count_1_2, count_2_1, count_2_2, count_self_1_2, count_self_2_1, degree[e0], degree[e1])

if __name__ == "__main__":
    import jax
    _d = setup_inputs()
    print(jax.jit(kernel)(*tuple(_d.values())))

</pallas_src>

<mosaic_0001>
#map = affine_map<(d0, d1) -> (0, 0)>
#map1 = affine_map<(d0, d1) -> (0, 0, 0)>
module attributes {stable_mosaic.version = 14 : i64} {
  func.func @body(%arg0: i32, %arg1: i32, %arg2: memref<79x128xf32, #tpu.memory_space<hbm>>, %arg3: memref<32x512xi32, #tpu.memory_space<hbm>>, %arg4: memref<32x512xi32, #tpu.memory_space<hbm>>, %arg5: memref<32x79x128xf32, #tpu.memory_space<hbm>>, %arg6: memref<79x128xf32, #tpu.memory_space<vmem>>, %arg7: memref<79x128xf32, #tpu.memory_space<vmem>>, %arg8: memref<512xi32, #tpu.memory_space<vmem>>, %arg9: memref<512xi32, #tpu.memory_space<vmem>>) attributes {dimension_semantics = [#tpu.dimension_semantics<core_parallel>, #tpu.dimension_semantics<subcore_parallel>], iteration_bounds = array<i64: 2, 16>, scalar_prefetch = 0 : i64, scratch_operands = 4 : i64, tpu.core_type = #tpu.core_type<sc_vector_subcore>, window_params = [{transform_indices = #map}, {transform_indices = #map}, {transform_indices = #map}, {transform_indices = #map1}]} {
    %mul3A = arith.constant 2 : i32
    %mul3A_0 = arith.muli %arg1, %mul3A : i32
    %add3A = arith.addi %mul3A_0, %arg0 : i32
    "tpu.region"() ({
      %run_scoped3A = tpu.sem_alloc : memref<!tpu.dma_semaphore, #tpu.memory_space<semaphore_mem>>
      tpu.enqueue_dma source(%arg2 : memref<79x128xf32, #tpu.memory_space<hbm>>) target(%arg6 : memref<79x128xf32, #tpu.memory_space<vmem>>) target_semaphore(%run_scoped3A : memref<!tpu.dma_semaphore, #tpu.memory_space<semaphore_mem>>)
      tpu.wait_dma2 semaphore(%run_scoped3A : memref<!tpu.dma_semaphore, #tpu.memory_space<semaphore_mem>>) src(%arg2 : memref<79x128xf32, #tpu.memory_space<hbm>>) dst(%arg6 : memref<79x128xf32, #tpu.memory_space<vmem>>)
      tpu.yield
    }) : () -> ()
    %scan3A = arith.constant 0 : i32
    %scan3A_1 = arith.constant 0 : i32
    %scan3A_2 = arith.constant 79 : i32
    %scan3A_3 = arith.addi %scan3A_1, %scan3A_2 : i32
    %scan3A_4 = arith.constant 1 : i32
    scf.for %scan3A_12 = %scan3A_1 to %scan3A_3 step %scan3A_4  : i32 {
      %broadcast_in_dim3A = arith.constant 0.000000e+00 : f32
      %broadcast_in_dim3A_13 = vector.broadcast %broadcast_in_dim3A : f32 to vector<16xf32>
      %swap3A = arith.index_cast %scan3A_12 : i32 to index
      %swap3A_14 = arith.constant 0 : index
      %swap3A_15 = tpu.vector_load %arg7[%swap3A, %swap3A_14] {strides = array<i32>} : memref<79x128xf32, #tpu.memory_space<vmem>>, vector<16xf32>,
      tpu.vector_store %arg7[%swap3A, %swap3A_14], %broadcast_in_dim3A_13 {strides = array<i32>} : memref<79x128xf32, #tpu.memory_space<vmem>>, vector<16xf32>,
      %broadcast_in_dim3A_16 = arith.constant 0.000000e+00 : f32
      %broadcast_in_dim3A_17 = vector.broadcast %broadcast_in_dim3A_16 : f32 to vector<16xf32>
      %swap3A_18 = arith.index_cast %scan3A_12 : i32 to index
      %swap3A_19 = arith.constant 16 : index
      %swap3A_20 = tpu.vector_load %arg7[%swap3A_18, %swap3A_19] {strides = array<i32>} : memref<79x128xf32, #tpu.memory_space<vmem>>, vector<16xf32>,
      tpu.vector_store %arg7[%swap3A_18, %swap3A_19], %broadcast_in_dim3A_17 {strides = array<i32>} : memref<79x128xf32, #tpu.memory_space<vmem>>, vector<16xf32>,
      %broadcast_in_dim3A_21 = arith.constant 0.000000e+00 : f32
      %broadcast_in_dim3A_22 = vector.broadcast %broadcast_in_dim3A_21 : f32 to vector<16xf32>
      %swap3A_23 = arith.index_cast %scan3A_12 : i32 to index
      %swap3A_24 = arith.constant 32 : index
      %swap3A_25 = tpu.vector_load %arg7[%swap3A_23, %swap3A_24] {strides = array<i32>} : memref<79x128xf32, #tpu.memory_space<vmem>>, vector<16xf32>,
      tpu.vector_store %arg7[%swap3A_23, %swap3A_24], %broadcast_in_dim3A_22 {strides = array<i32>} : memref<79x128xf32, #tpu.memory_space<vmem>>, vector<16xf32>,
      %broadcast_in_dim3A_26 = arith.constant 0.000000e+00 : f32
      %broadcast_in_dim3A_27 = vector.broadcast %broadcast_in_dim3A_26 : f32 to vector<16xf32>
      %swap3A_28 = arith.index_cast %scan3A_12 : i32 to index
      %swap3A_29 = arith.constant 48 : index
      %swap3A_30 = tpu.vector_load %arg7[%swap3A_28, %swap3A_29] {strides = array<i32>} : memref<79x128xf32, #tpu.memory_space<vmem>>, vector<16xf32>,
      tpu.vector_store %arg7[%swap3A_28, %swap3A_29], %broadcast_in_dim3A_27 {strides = array<i32>} : memref<79x128xf32, #tpu.memory_space<vmem>>, vector<16xf32>,
      %broadcast_in_dim3A_31 = arith.constant 0.000000e+00 : f32
      %broadcast_in_dim3A_32 = vector.broadcast %broadcast_in_dim3A_31 : f32 to vector<16xf32>
      %swap3A_33 = arith.index_cast %scan3A_12 : i32 to index
      %swap3A_34 = arith.constant 64 : index
      %swap3A_35 = tpu.vector_load %arg7[%swap3A_33, %swap3A_34] {strides = array<i32>} : memref<79x128xf32, #tpu.memory_space<vmem>>, vector<16xf32>,
      tpu.vector_store %arg7[%swap3A_33, %swap3A_34], %broadcast_in_dim3A_32 {strides = array<i32>} : memref<79x128xf32, #tpu.memory_space<vmem>>, vector<16xf32>,
      %broadcast_in_dim3A_36 = arith.constant 0.000000e+00 : f32
      %broadcast_in_dim3A_37 = vector.broadcast %broadcast_in_dim3A_36 : f32 to vector<16xf32>
      %swap3A_38 = arith.index_cast %scan3A_12 : i32 to index
      %swap3A_39 = arith.constant 80 : index
      %swap3A_40 = tpu.vector_load %arg7[%swap3A_38, %swap3A_39] {strides = array<i32>} : memref<79x128xf32, #tpu.memory_space<vmem>>, vector<16xf32>,
      tpu.vector_store %arg7[%swap3A_38, %swap3A_39], %broadcast_in_dim3A_37 {strides = array<i32>} : memref<79x128xf32, #tpu.memory_space<vmem>>, vector<16xf32>,
      %broadcast_in_dim3A_41 = arith.constant 0.000000e+00 : f32
      %broadcast_in_dim3A_42 = vector.broadcast %broadcast_in_dim3A_41 : f32 to vector<16xf32>
      %swap3A_43 = arith.index_cast %scan3A_12 : i32 to index
      %swap3A_44 = arith.constant 96 : index
      %swap3A_45 = tpu.vector_load %arg7[%swap3A_43, %swap3A_44] {strides = array<i32>} : memref<79x128xf32, #tpu.memory_space<vmem>>, vector<16xf32>,
      tpu.vector_store %arg7[%swap3A_43, %swap3A_44], %broadcast_in_dim3A_42 {strides = array<i32>} : memref<79x128xf32, #tpu.memory_space<vmem>>, vector<16xf32>,
      %broadcast_in_dim3A_46 = arith.constant 0.000000e+00 : f32
      %broadcast_in_dim3A_47 = vector.broadcast %broadcast_in_dim3A_46 : f32 to vector<16xf32>
      %swap3A_48 = arith.index_cast %scan3A_12 : i32 to index
      %swap3A_49 = arith.constant 112 : index
      %swap3A_50 = tpu.vector_load %arg7[%swap3A_48, %swap3A_49] {strides = array<i32>} : memref<79x128xf32, #tpu.memory_space<vmem>>, vector<16xf32>,
      tpu.vector_store %arg7[%swap3A_48, %swap3A_49], %broadcast_in_dim3A_47 {strides = array<i32>} : memref<79x128xf32, #tpu.memory_space<vmem>>, vector<16xf32>,
    }
    %scan3A_5 = arith.constant 79 : i32
    "tpu.region"() ({
      %run_scoped3A = tpu.sem_alloc : memref<!tpu.dma_semaphore, #tpu.memory_space<semaphore_mem>>
      %dma_start3A = arith.constant 0 : i32
      %dma_start3A_12 = tpu.memref_slice %arg3[%add3A, %dma_start3A] : memref<32x512xi32, #tpu.memory_space<hbm>> -> memref<1x512xi32, #tpu.memory_space<hbm>>
      %dma_start3A_13 = tpu.memref_squeeze %dma_start3A_12 : memref<1x512xi32, #tpu.memory_space<hbm>> -> memref<512xi32, #tpu.memory_space<hbm>>
      %dma_start3A_14 = arith.constant 0 : i32
      %dma_start3A_15 = tpu.memref_slice %arg3[%add3A, %dma_start3A_14] : memref<32x512xi32, #tpu.memory_space<hbm>> -> memref<1x512xi32, #tpu.memory_space<hbm>>
      %dma_start3A_16 = tpu.memref_squeeze %dma_start3A_15 : memref<1x512xi32, #tpu.memory_space<hbm>> -> memref<512xi32, #tpu.memory_space<hbm>>
      tpu.enqueue_dma source(%dma_start3A_16 : memref<512xi32, #tpu.memory_space<hbm>>) target(%arg8 : memref<512xi32, #tpu.memory_space<vmem>>) target_semaphore(%run_scoped3A : memref<!tpu.dma_semaphore, #tpu.memory_space<semaphore_mem>>)
      %dma_wait3A = arith.constant 0 : i32
      %dma_wait3A_17 = tpu.memref_slice %arg3[%add3A, %dma_wait3A] : memref<32x512xi32, #tpu.memory_space<hbm>> -> memref<1x512xi32, #tpu.memory_space<hbm>>
      %dma_wait3A_18 = tpu.memref_squeeze %dma_wait3A_17 : memref<1x512xi32, #tpu.memory_space<hbm>> -> memref<512xi32, #tpu.memory_space<hbm>>
      %dma_wait3A_19 = arith.constant 0 : i32
      %dma_wait3A_20 = tpu.memref_slice %arg3[%add3A, %dma_wait3A_19] : memref<32x512xi32, #tpu.memory_space<hbm>> -> memref<1x512xi32, #tpu.memory_space<hbm>>
      %dma_wait3A_21 = tpu.memref_squeeze %dma_wait3A_20 : memref<1x512xi32, #tpu.memory_space<hbm>> -> memref<512xi32, #tpu.memory_space<hbm>>
      tpu.wait_dma2 semaphore(%run_scoped3A : memref<!tpu.dma_semaphore, #tpu.memory_space<semaphore_mem>>) src(%dma_wait3A_21 : memref<512xi32, #tpu.memory_space<hbm>>) dst(%arg8 : memref<512xi32, #tpu.memory_space<vmem>>)
      tpu.yield
    }) : () -> ()
    "tpu.region"() ({
      %run_scoped3A = tpu.sem_alloc : memref<!tpu.dma_semaphore, #tpu.memory_space<semaphore_mem>>
      %dma_start3A = arith.constant 0 : i32
      %dma_start3A_12 = tpu.memref_slice %arg4[%add3A, %dma_start3A] : memref<32x512xi32, #tpu.memory_space<hbm>> -> memref<1x512xi32, #tpu.memory_space<hbm>>
      %dma_start3A_13 = tpu.memref_squeeze %dma_start3A_12 : memref<1x512xi32, #tpu.memory_space<hbm>> -> memref<512xi32, #tpu.memory_space<hbm>>
      %dma_start3A_14 = arith.constant 0 : i32
      %dma_start3A_15 = tpu.memref_slice %arg4[%add3A, %dma_start3A_14] : memref<32x512xi32, #tpu.memory_space<hbm>> -> memref<1x512xi32, #tpu.memory_space<hbm>>
      %dma_start3A_16 = tpu.memref_squeeze %dma_start3A_15 : memref<1x512xi32, #tpu.memory_space<hbm>> -> memref<512xi32, #tpu.memory_space<hbm>>
      tpu.enqueue_dma source(%dma_start3A_16 : memref<512xi32, #tpu.memory_space<hbm>>) target(%arg9 : memref<512xi32, #tpu.memory_space<vmem>>) target_semaphore(%run_scoped3A : memref<!tpu.dma_semaphore, #tpu.memory_space<semaphore_mem>>)
      %dma_wait3A = arith.constant 0 : i32
      %dma_wait3A_17 = tpu.memref_slice %arg4[%add3A, %dma_wait3A] : memref<32x512xi32, #tpu.memory_space<hbm>> -> memref<1x512xi32, #tpu.memory_space<hbm>>
      %dma_wait3A_18 = tpu.memref_squeeze %dma_wait3A_17 : memref<1x512xi32, #tpu.memory_space<hbm>> -> memref<512xi32, #tpu.memory_space<hbm>>
      %dma_wait3A_19 = arith.constant 0 : i32
      %dma_wait3A_20 = tpu.memref_slice %arg4[%add3A, %dma_wait3A_19] : memref<32x512xi32, #tpu.memory_space<hbm>> -> memref<1x512xi32, #tpu.memory_space<hbm>>
      %dma_wait3A_21 = tpu.memref_squeeze %dma_wait3A_20 : memref<1x512xi32, #tpu.memory_space<hbm>> -> memref<512xi32, #tpu.memory_space<hbm>>
      tpu.wait_dma2 semaphore(%run_scoped3A : memref<!tpu.dma_semaphore, #tpu.memory_space<semaphore_mem>>) src(%dma_wait3A_21 : memref<512xi32, #tpu.memory_space<hbm>>) dst(%arg9 : memref<512xi32, #tpu.memory_space<vmem>>)
      tpu.yield
    }) : () -> ()
    %scan3A_6 = arith.constant 0 : i32
    %scan3A_7 = arith.constant 0 : i32
    %scan3A_8 = arith.constant 32 : i32
    %scan3A_9 = arith.addi %scan3A_7, %scan3A_8 : i32
    %scan3A_10 = arith.constant 1 : i32
    scf.for %scan3A_12 = %scan3A_7 to %scan3A_9 step %scan3A_10  : i32 {
      %mul3A_13 = arith.constant 16 : i32
      %mul3A_14 = arith.muli %scan3A_12, %mul3A_13 : i32
      %get3A = arith.index_cast %mul3A_14 : i32 to index
      %get3A_15 = tpu.vector_load %arg8[%get3A] {strides = array<i32>} : memref<512xi32, #tpu.memory_space<vmem>>, vector<16xi32>,
      %mul3A_16 = arith.constant 16 : i32
      %mul3A_17 = arith.muli %scan3A_12, %mul3A_16 : i32
      %get3A_18 = arith.index_cast %mul3A_17 : i32 to index
      %get3A_19 = tpu.vector_load %arg9[%get3A_18] {strides = array<i32>} : memref<512xi32, #tpu.memory_space<vmem>>, vector<16xi32>,
      %shift_right_arithmetic3A = arith.constant 7 : i32
      %shift_right_arithmetic3A_20 = vector.broadcast %shift_right_arithmetic3A : i32 to vector<16xi32>
      %shift_right_arithmetic3A_21 = arith.shrsi %get3A_15, %shift_right_arithmetic3A_20 : vector<16xi32>
      %and3A = arith.constant 127 : i32
      %and3A_22 = vector.broadcast %and3A : i32 to vector<16xi32>
      %and3A_23 = arith.andi %get3A_15, %and3A_22 : vector<16xi32>
      %gather3A = tpu.vector_load_idx %arg6[%shift_right_arithmetic3A_21, %and3A_23] : memref<79x128xf32, #tpu.memory_space<vmem>>[vector<16xi32>, vector<16xi32>], vector<16xf32>,
      %shift_right_arithmetic3A_24 = arith.constant 7 : i32
      %shift_right_arithmetic3A_25 = vector.broadcast %shift_right_arithmetic3A_24 : i32 to vector<16xi32>
      %shift_right_arithmetic3A_26 = arith.shrsi %get3A_19, %shift_right_arithmetic3A_25 : vector<16xi32>
      %and3A_27 = arith.constant 127 : i32
      %and3A_28 = vector.broadcast %and3A_27 : i32 to vector<16xi32>
      %and3A_29 = arith.andi %get3A_19, %and3A_28 : vector<16xi32>
      tpu.vector_store_idx %arg7[%shift_right_arithmetic3A_26, %and3A_29], %gather3A {add = true} : memref<79x128xf32, #tpu.memory_space<vmem>>[vector<16xi32>, vector<16xi32>], vector<16xf32>,
    }
    %scan3A_11 = arith.constant 32 : i32
    "tpu.region"() ({
      %run_scoped3A = tpu.sem_alloc : memref<!tpu.dma_semaphore, #tpu.memory_space<semaphore_mem>>
      %dma_start3A = arith.constant 0 : i32
      %dma_start3A_12 = arith.constant 0 : i32
      %dma_start3A_13 = tpu.memref_slice %arg5[%add3A, %dma_start3A, %dma_start3A_12] : memref<32x79x128xf32, #tpu.memory_space<hbm>> -> memref<1x79x128xf32, #tpu.memory_space<hbm>>
      %dma_start3A_14 = tpu.memref_squeeze %dma_start3A_13 : memref<1x79x128xf32, #tpu.memory_space<hbm>> -> memref<79x128xf32, #tpu.memory_space<hbm>>
      %dma_start3A_15 = arith.constant 0 : i32
      %dma_start3A_16 = arith.constant 0 : i32
      %dma_start3A_17 = tpu.memref_slice %arg5[%add3A, %dma_start3A_15, %dma_start3A_16] : memref<32x79x128xf32, #tpu.memory_space<hbm>> -> memref<1x79x128xf32, #tpu.memory_space<hbm>>
      %dma_start3A_18 = tpu.memref_squeeze %dma_start3A_17 : memref<1x79x128xf32, #tpu.memory_space<hbm>> -> memref<79x128xf32, #tpu.memory_space<hbm>>
      tpu.enqueue_dma source(%arg7 : memref<79x128xf32, #tpu.memory_space<vmem>>) target(%dma_start3A_18 : memref<79x128xf32, #tpu.memory_space<hbm>>) target_semaphore(%run_scoped3A : memref<!tpu.dma_semaphore, #tpu.memory_space<semaphore_mem>>)
      %dma_wait3A = arith.constant 0 : i32
      %dma_wait3A_19 = arith.constant 0 : i32
      %dma_wait3A_20 = tpu.memref_slice %arg5[%add3A, %dma_wait3A, %dma_wait3A_19] : memref<32x79x128xf32, #tpu.memory_space<hbm>> -> memref<1x79x128xf32, #tpu.memory_space<hbm>>
      %dma_wait3A_21 = tpu.memref_squeeze %dma_wait3A_20 : memref<1x79x128xf32, #tpu.memory_space<hbm>> -> memref<79x128xf32, #tpu.memory_space<hbm>>
      %dma_wait3A_22 = arith.constant 0 : i32
      %dma_wait3A_23 = arith.constant 0 : i32
      %dma_wait3A_24 = tpu.memref_slice %arg5[%add3A, %dma_wait3A_22, %dma_wait3A_23] : memref<32x79x128xf32, #tpu.memory_space<hbm>> -> memref<1x79x128xf32, #tpu.memory_space<hbm>>
      %dma_wait3A_25 = tpu.memref_squeeze %dma_wait3A_24 : memref<1x79x128xf32, #tpu.memory_space<hbm>> -> memref<79x128xf32, #tpu.memory_space<hbm>>
      tpu.wait_dma2 semaphore(%run_scoped3A : memref<!tpu.dma_semaphore, #tpu.memory_space<semaphore_mem>>) src(%arg7 : memref<79x128xf32, #tpu.memory_space<vmem>>) dst(%dma_wait3A_25 : memref<79x128xf32, #tpu.memory_space<hbm>>)
      tpu.yield
    }) : () -> ()
    return
  }
}

#map = affine_map<(d0, d1) -> (0, 0)>
#map1 = affine_map<(d0, d1) -> (0, 0, 0)>
module attributes {stable_mosaic.version = 14 : i64} {
  func.func @body(%arg0: i32, %arg1: i32, %arg2: memref<79x128xf32, #tpu.memory_space<hbm>>, %arg3: memref<32x20480xi32, #tpu.memory_space<hbm>>, %arg4: memref<32x20480xi32, #tpu.memory_space<hbm>>, %arg5: memref<32x79x128xf32, #tpu.memory_space<hbm>>, %arg6: memref<79x128xf32, #tpu.memory_space<vmem>>, %arg7: memref<79x128xf32, #tpu.memory_space<vmem>>, %arg8: memref<20480xi32, #tpu.memory_space<vmem>>, %arg9: memref<20480xi32, #tpu.memory_space<vmem>>) attributes {dimension_semantics = [#tpu.dimension_semantics<core_parallel>, #tpu.dimension_semantics<subcore_parallel>], iteration_bounds = array<i64: 2, 16>, scalar_prefetch = 0 : i64, scratch_operands = 4 : i64, tpu.core_type = #tpu.core_type<sc_vector_subcore>, window_params = [{transform_indices = #map}, {transform_indices = #map}, {transform_indices = #map}, {transform_indices = #map1}]} {
    %mul3A = arith.constant 2 : i32
    %mul3A_0 = arith.muli %arg1, %mul3A : i32
    %add3A = arith.addi %mul3A_0, %arg0 : i32
    "tpu.region"() ({
      %run_scoped3A = tpu.sem_alloc : memref<!tpu.dma_semaphore, #tpu.memory_space<semaphore_mem>>
      tpu.enqueue_dma source(%arg2 : memref<79x128xf32, #tpu.memory_space<hbm>>) target(%arg6 : memref<79x128xf32, #tpu.memory_space<vmem>>) target_semaphore(%run_scoped3A : memref<!tpu.dma_semaphore, #tpu.memory_space<semaphore_mem>>)
      tpu.wait_dma2 semaphore(%run_scoped3A : memref<!tpu.dma_semaphore, #tpu.memory_space<semaphore_mem>>) src(%arg2 : memref<79x128xf32, #tpu.memory_space<hbm>>) dst(%arg6 : memref<79x128xf32, #tpu.memory_space<vmem>>)
      tpu.yield
    }) : () -> ()
    %scan3A = arith.constant 0 : i32
    %scan3A_1 = arith.constant 0 : i32
    %scan3A_2 = arith.constant 79 : i32
    %scan3A_3 = arith.addi %scan3A_1, %scan3A_2 : i32
    %scan3A_4 = arith.constant 1 : i32
    scf.for %scan3A_12 = %scan3A_1 to %scan3A_3 step %scan3A_4  : i32 {
      %broadcast_in_dim3A = arith.constant 0.000000e+00 : f32
      %broadcast_in_dim3A_13 = vector.broadcast %broadcast_in_dim3A : f32 to vector<16xf32>
      %swap3A = arith.index_cast %scan3A_12 : i32 to index
      %swap3A_14 = arith.constant 0 : index
      %swap3A_15 = tpu.vector_load %arg7[%swap3A, %swap3A_14] {strides = array<i32>} : memref<79x128xf32, #tpu.memory_space<vmem>>, vector<16xf32>,
      tpu.vector_store %arg7[%swap3A, %swap3A_14], %broadcast_in_dim3A_13 {strides = array<i32>} : memref<79x128xf32, #tpu.memory_space<vmem>>, vector<16xf32>,
      %broadcast_in_dim3A_16 = arith.constant 0.000000e+00 : f32
      %broadcast_in_dim3A_17 = vector.broadcast %broadcast_in_dim3A_16 : f32 to vector<16xf32>
      %swap3A_18 = arith.index_cast %scan3A_12 : i32 to index
      %swap3A_19 = arith.constant 16 : index
      %swap3A_20 = tpu.vector_load %arg7[%swap3A_18, %swap3A_19] {strides = array<i32>} : memref<79x128xf32, #tpu.memory_space<vmem>>, vector<16xf32>,
      tpu.vector_store %arg7[%swap3A_18, %swap3A_19], %broadcast_in_dim3A_17 {strides = array<i32>} : memref<79x128xf32, #tpu.memory_space<vmem>>, vector<16xf32>,
      %broadcast_in_dim3A_21 = arith.constant 0.000000e+00 : f32
      %broadcast_in_dim3A_22 = vector.broadcast %broadcast_in_dim3A_21 : f32 to vector<16xf32>
      %swap3A_23 = arith.index_cast %scan3A_12 : i32 to index
      %swap3A_24 = arith.constant 32 : index
      %swap3A_25 = tpu.vector_load %arg7[%swap3A_23, %swap3A_24] {strides = array<i32>} : memref<79x128xf32, #tpu.memory_space<vmem>>, vector<16xf32>,
      tpu.vector_store %arg7[%swap3A_23, %swap3A_24], %broadcast_in_dim3A_22 {strides = array<i32>} : memref<79x128xf32, #tpu.memory_space<vmem>>, vector<16xf32>,
      %broadcast_in_dim3A_26 = arith.constant 0.000000e+00 : f32
      %broadcast_in_dim3A_27 = vector.broadcast %broadcast_in_dim3A_26 : f32 to vector<16xf32>
      %swap3A_28 = arith.index_cast %scan3A_12 : i32 to index
      %swap3A_29 = arith.constant 48 : index
      %swap3A_30 = tpu.vector_load %arg7[%swap3A_28, %swap3A_29] {strides = array<i32>} : memref<79x128xf32, #tpu.memory_space<vmem>>, vector<16xf32>,
      tpu.vector_store %arg7[%swap3A_28, %swap3A_29], %broadcast_in_dim3A_27 {strides = array<i32>} : memref<79x128xf32, #tpu.memory_space<vmem>>, vector<16xf32>,
      %broadcast_in_dim3A_31 = arith.constant 0.000000e+00 : f32
      %broadcast_in_dim3A_32 = vector.broadcast %broadcast_in_dim3A_31 : f32 to vector<16xf32>
      %swap3A_33 = arith.index_cast %scan3A_12 : i32 to index
      %swap3A_34 = arith.constant 64 : index
      %swap3A_35 = tpu.vector_load %arg7[%swap3A_33, %swap3A_34] {strides = array<i32>} : memref<79x128xf32, #tpu.memory_space<vmem>>, vector<16xf32>,
      tpu.vector_store %arg7[%swap3A_33, %swap3A_34], %broadcast_in_dim3A_32 {strides = array<i32>} : memref<79x128xf32, #tpu.memory_space<vmem>>, vector<16xf32>,
      %broadcast_in_dim3A_36 = arith.constant 0.000000e+00 : f32
      %broadcast_in_dim3A_37 = vector.broadcast %broadcast_in_dim3A_36 : f32 to vector<16xf32>
      %swap3A_38 = arith.index_cast %scan3A_12 : i32 to index
      %swap3A_39 = arith.constant 80 : index
      %swap3A_40 = tpu.vector_load %arg7[%swap3A_38, %swap3A_39] {strides = array<i32>} : memref<79x128xf32, #tpu.memory_space<vmem>>, vector<16xf32>,
      tpu.vector_store %arg7[%swap3A_38, %swap3A_39], %broadcast_in_dim3A_37 {strides = array<i32>} : memref<79x128xf32, #tpu.memory_space<vmem>>, vector<16xf32>,
      %broadcast_in_dim3A_41 = arith.constant 0.000000e+00 : f32
      %broadcast_in_dim3A_42 = vector.broadcast %broadcast_in_dim3A_41 : f32 to vector<16xf32>
      %swap3A_43 = arith.index_cast %scan3A_12 : i32 to index
      %swap3A_44 = arith.constant 96 : index
      %swap3A_45 = tpu.vector_load %arg7[%swap3A_43, %swap3A_44] {strides = array<i32>} : memref<79x128xf32, #tpu.memory_space<vmem>>, vector<16xf32>,
      tpu.vector_store %arg7[%swap3A_43, %swap3A_44], %broadcast_in_dim3A_42 {strides = array<i32>} : memref<79x128xf32, #tpu.memory_space<vmem>>, vector<16xf32>,
      %broadcast_in_dim3A_46 = arith.constant 0.000000e+00 : f32
      %broadcast_in_dim3A_47 = vector.broadcast %broadcast_in_dim3A_46 : f32 to vector<16xf32>
      %swap3A_48 = arith.index_cast %scan3A_12 : i32 to index
      %swap3A_49 = arith.constant 112 : index
      %swap3A_50 = tpu.vector_load %arg7[%swap3A_48, %swap3A_49] {strides = array<i32>} : memref<79x128xf32, #tpu.memory_space<vmem>>, vector<16xf32>,
      tpu.vector_store %arg7[%swap3A_48, %swap3A_49], %broadcast_in_dim3A_47 {strides = array<i32>} : memref<79x128xf32, #tpu.memory_space<vmem>>, vector<16xf32>,
    }
    %scan3A_5 = arith.constant 79 : i32
    "tpu.region"() ({
      %run_scoped3A = tpu.sem_alloc : memref<!tpu.dma_semaphore, #tpu.memory_space<semaphore_mem>>
      %dma_start3A = arith.constant 0 : i32
      %dma_start3A_12 = tpu.memref_slice %arg3[%add3A, %dma_start3A] : memref<32x20480xi32, #tpu.memory_space<hbm>> -> memref<1x20480xi32, #tpu.memory_space<hbm>>
      %dma_start3A_13 = tpu.memref_squeeze %dma_start3A_12 : memref<1x20480xi32, #tpu.memory_space<hbm>> -> memref<20480xi32, #tpu.memory_space<hbm>>
      %dma_start3A_14 = arith.constant 0 : i32
      %dma_start3A_15 = tpu.memref_slice %arg3[%add3A, %dma_start3A_14] : memref<32x20480xi32, #tpu.memory_space<hbm>> -> memref<1x20480xi32, #tpu.memory_space<hbm>>
      %dma_start3A_16 = tpu.memref_squeeze %dma_start3A_15 : memref<1x20480xi32, #tpu.memory_space<hbm>> -> memref<20480xi32, #tpu.memory_space<hbm>>
      tpu.enqueue_dma source(%dma_start3A_16 : memref<20480xi32, #tpu.memory_space<hbm>>) target(%arg8 : memref<20480xi32, #tpu.memory_space<vmem>>) target_semaphore(%run_scoped3A : memref<!tpu.dma_semaphore, #tpu.memory_space<semaphore_mem>>)
      %dma_wait3A = arith.constant 0 : i32
      %dma_wait3A_17 = tpu.memref_slice %arg3[%add3A, %dma_wait3A] : memref<32x20480xi32, #tpu.memory_space<hbm>> -> memref<1x20480xi32, #tpu.memory_space<hbm>>
      %dma_wait3A_18 = tpu.memref_squeeze %dma_wait3A_17 : memref<1x20480xi32, #tpu.memory_space<hbm>> -> memref<20480xi32, #tpu.memory_space<hbm>>
      %dma_wait3A_19 = arith.constant 0 : i32
      %dma_wait3A_20 = tpu.memref_slice %arg3[%add3A, %dma_wait3A_19] : memref<32x20480xi32, #tpu.memory_space<hbm>> -> memref<1x20480xi32, #tpu.memory_space<hbm>>
      %dma_wait3A_21 = tpu.memref_squeeze %dma_wait3A_20 : memref<1x20480xi32, #tpu.memory_space<hbm>> -> memref<20480xi32, #tpu.memory_space<hbm>>
      tpu.wait_dma2 semaphore(%run_scoped3A : memref<!tpu.dma_semaphore, #tpu.memory_space<semaphore_mem>>) src(%dma_wait3A_21 : memref<20480xi32, #tpu.memory_space<hbm>>) dst(%arg8 : memref<20480xi32, #tpu.memory_space<vmem>>)
      tpu.yield
    }) : () -> ()
    "tpu.region"() ({
      %run_scoped3A = tpu.sem_alloc : memref<!tpu.dma_semaphore, #tpu.memory_space<semaphore_mem>>
      %dma_start3A = arith.constant 0 : i32
      %dma_start3A_12 = tpu.memref_slice %arg4[%add3A, %dma_start3A] : memref<32x20480xi32, #tpu.memory_space<hbm>> -> memref<1x20480xi32, #tpu.memory_space<hbm>>
      %dma_start3A_13 = tpu.memref_squeeze %dma_start3A_12 : memref<1x20480xi32, #tpu.memory_space<hbm>> -> memref<20480xi32, #tpu.memory_space<hbm>>
      %dma_start3A_14 = arith.constant 0 : i32
      %dma_start3A_15 = tpu.memref_slice %arg4[%add3A, %dma_start3A_14] : memref<32x20480xi32, #tpu.memory_space<hbm>> -> memref<1x20480xi32, #tpu.memory_space<hbm>>
      %dma_start3A_16 = tpu.memref_squeeze %dma_start3A_15 : memref<1x20480xi32, #tpu.memory_space<hbm>> -> memref<20480xi32, #tpu.memory_space<hbm>>
      tpu.enqueue_dma source(%dma_start3A_16 : memref<20480xi32, #tpu.memory_space<hbm>>) target(%arg9 : memref<20480xi32, #tpu.memory_space<vmem>>) target_semaphore(%run_scoped3A : memref<!tpu.dma_semaphore, #tpu.memory_space<semaphore_mem>>)
      %dma_wait3A = arith.constant 0 : i32
      %dma_wait3A_17 = tpu.memref_slice %arg4[%add3A, %dma_wait3A] : memref<32x20480xi32, #tpu.memory_space<hbm>> -> memref<1x20480xi32, #tpu.memory_space<hbm>>
      %dma_wait3A_18 = tpu.memref_squeeze %dma_wait3A_17 : memref<1x20480xi32, #tpu.memory_space<hbm>> -> memref<20480xi32, #tpu.memory_space<hbm>>
      %dma_wait3A_19 = arith.constant 0 : i32
      %dma_wait3A_20 = tpu.memref_slice %arg4[%add3A, %dma_wait3A_19] : memref<32x20480xi32, #tpu.memory_space<hbm>> -> memref<1x20480xi32, #tpu.memory_space<hbm>>
      %dma_wait3A_21 = tpu.memref_squeeze %dma_wait3A_20 : memref<1x20480xi32, #tpu.memory_space<hbm>> -> memref<20480xi32, #tpu.memory_space<hbm>>
      tpu.wait_dma2 semaphore(%run_scoped3A : memref<!tpu.dma_semaphore, #tpu.memory_space<semaphore_mem>>) src(%dma_wait3A_21 : memref<20480xi32, #tpu.memory_space<hbm>>) dst(%arg9 : memref<20480xi32, #tpu.memory_space<vmem>>)
      tpu.yield
    }) : () -> ()
    %scan3A_6 = arith.constant 0 : i32
    %scan3A_7 = arith.constant 0 : i32
    %scan3A_8 = arith.constant 1280 : i32
    %scan3A_9 = arith.addi %scan3A_7, %scan3A_8 : i32
    %scan3A_10 = arith.constant 1 : i32
    scf.for %scan3A_12 = %scan3A_7 to %scan3A_9 step %scan3A_10  : i32 {
      %mul3A_13 = arith.constant 16 : i32
      %mul3A_14 = arith.muli %scan3A_12, %mul3A_13 : i32
      %get3A = arith.index_cast %mul3A_14 : i32 to index
      %get3A_15 = tpu.vector_load %arg8[%get3A] {strides = array<i32>} : memref<20480xi32, #tpu.memory_space<vmem>>, vector<16xi32>,
      %mul3A_16 = arith.constant 16 : i32
      %mul3A_17 = arith.muli %scan3A_12, %mul3A_16 : i32
      %get3A_18 = arith.index_cast %mul3A_17 : i32 to index
      %get3A_19 = tpu.vector_load %arg9[%get3A_18] {strides = array<i32>} : memref<20480xi32, #tpu.memory_space<vmem>>, vector<16xi32>,
      %shift_right_arithmetic3A = arith.constant 7 : i32
      %shift_right_arithmetic3A_20 = vector.broadcast %shift_right_arithmetic3A : i32 to vector<16xi32>
      %shift_right_arithmetic3A_21 = arith.shrsi %get3A_15, %shift_right_arithmetic3A_20 : vector<16xi32>
      %and3A = arith.constant 127 : i32
      %and3A_22 = vector.broadcast %and3A : i32 to vector<16xi32>
      %and3A_23 = arith.andi %get3A_15, %and3A_22 : vector<16xi32>
      %gather3A = tpu.vector_load_idx %arg6[%shift_right_arithmetic3A_21, %and3A_23] : memref<79x128xf32, #tpu.memory_space<vmem>>[vector<16xi32>, vector<16xi32>], vector<16xf32>,
      %shift_right_arithmetic3A_24 = arith.constant 7 : i32
      %shift_right_arithmetic3A_25 = vector.broadcast %shift_right_arithmetic3A_24 : i32 to vector<16xi32>
      %shift_right_arithmetic3A_26 = arith.shrsi %get3A_19, %shift_right_arithmetic3A_25 : vector<16xi32>
      %and3A_27 = arith.constant 127 : i32
      %and3A_28 = vector.broadcast %and3A_27 : i32 to vector<16xi32>
      %and3A_29 = arith.andi %get3A_19, %and3A_28 : vector<16xi32>
      tpu.vector_store_idx %arg7[%shift_right_arithmetic3A_26, %and3A_29], %gather3A {add = true} : memref<79x128xf32, #tpu.memory_space<vmem>>[vector<16xi32>, vector<16xi32>], vector<16xf32>,
    }
    %scan3A_11 = arith.constant 1280 : i32
    "tpu.region"() ({
      %run_scoped3A = tpu.sem_alloc : memref<!tpu.dma_semaphore, #tpu.memory_space<semaphore_mem>>
      %dma_start3A = arith.constant 0 : i32
      %dma_start3A_12 = arith.constant 0 : i32
      %dma_start3A_13 = tpu.memref_slice %arg5[%add3A, %dma_start3A, %dma_start3A_12] : memref<32x79x128xf32, #tpu.memory_space<hbm>> -> memref<1x79x128xf32, #tpu.memory_space<hbm>>
      %dma_start3A_14 = tpu.memref_squeeze %dma_start3A_13 : memref<1x79x128xf32, #tpu.memory_space<hbm>> -> memref<79x128xf32, #tpu.memory_space<hbm>>
      %dma_start3A_15 = arith.constant 0 : i32
      %dma_start3A_16 = arith.constant 0 : i32
      %dma_start3A_17 = tpu.memref_slice %arg5[%add3A, %dma_start3A_15, %dma_start3A_16] : memref<32x79x128xf32, #tpu.memory_space<hbm>> -> memref<1x79x128xf32, #tpu.memory_space<hbm>>
      %dma_start3A_18 = tpu.memref_squeeze %dma_start3A_17 : memref<1x79x128xf32, #tpu.memory_space<hbm>> -> memref<79x128xf32, #tpu.memory_space<hbm>>
      tpu.enqueue_dma source(%arg7 : memref<79x128xf32, #tpu.memory_space<vmem>>) target(%dma_start3A_18 : memref<79x128xf32, #tpu.memory_space<hbm>>) target_semaphore(%run_scoped3A : memref<!tpu.dma_semaphore, #tpu.memory_space<semaphore_mem>>)
      %dma_wait3A = arith.constant 0 : i32
      %dma_wait3A_19 = arith.constant 0 : i32
      %dma_wait3A_20 = tpu.memref_slice %arg5[%add3A, %dma_wait3A, %dma_wait3A_19] : memref<32x79x128xf32, #tpu.memory_space<hbm>> -> memref<1x79x128xf32, #tpu.memory_space<hbm>>
      %dma_wait3A_21 = tpu.memref_squeeze %dma_wait3A_20 : memref<1x79x128xf32, #tpu.memory_space<hbm>> -> memref<79x128xf32, #tpu.memory_space<hbm>>
      %dma_wait3A_22 = arith.constant 0 : i32
      %dma_wait3A_23 = arith.constant 0 : i32
      %dma_wait3A_24 = tpu.memref_slice %arg5[%add3A, %dma_wait3A_22, %dma_wait3A_23] : memref<32x79x128xf32, #tpu.memory_space<hbm>> -> memref<1x79x128xf32, #tpu.memory_space<hbm>>
      %dma_wait3A_25 = tpu.memref_squeeze %dma_wait3A_24 : memref<1x79x128xf32, #tpu.memory_space<hbm>> -> memref<79x128xf32, #tpu.memory_space<hbm>>
      tpu.wait_dma2 semaphore(%run_scoped3A : memref<!tpu.dma_semaphore, #tpu.memory_space<semaphore_mem>>) src(%arg7 : memref<79x128xf32, #tpu.memory_space<vmem>>) dst(%dma_wait3A_25 : memref<79x128xf32, #tpu.memory_space<hbm>>)
      tpu.yield
    }) : () -> ()
    return
  }
}

#map = affine_map<(d0, d1) -> (0, 0)>
#map1 = affine_map<(d0, d1) -> (0, 0, 0)>
module attributes {stable_mosaic.version = 14 : i64} {
  func.func @body(%arg0: i32, %arg1: i32, %arg2: memref<79x128xf32, #tpu.memory_space<hbm>>, %arg3: memref<32x20480xi32, #tpu.memory_space<hbm>>, %arg4: memref<32x20480xi32, #tpu.memory_space<hbm>>, %arg5: memref<32x79x128xf32, #tpu.memory_space<hbm>>, %arg6: memref<32x20480xi32, #tpu.memory_space<hbm>>, %arg7: memref<79x128xf32, #tpu.memory_space<vmem>>, %arg8: memref<79x128xf32, #tpu.memory_space<vmem>>, %arg9: memref<20480xi32, #tpu.memory_space<vmem>>, %arg10: memref<20480xi32, #tpu.memory_space<vmem>>) attributes {dimension_semantics = [#tpu.dimension_semantics<core_parallel>, #tpu.dimension_semantics<subcore_parallel>], iteration_bounds = array<i64: 2, 16>, scalar_prefetch = 0 : i64, scratch_operands = 4 : i64, tpu.core_type = #tpu.core_type<sc_vector_subcore>, window_params = [{transform_indices = #map}, {transform_indices = #map}, {transform_indices = #map}, {transform_indices = #map1}, {transform_indices = #map}]} {
    %mul3A = arith.constant 2 : i32
    %mul3A_0 = arith.muli %arg1, %mul3A : i32
    %add3A = arith.addi %mul3A_0, %arg0 : i32
    "tpu.region"() ({
      %run_scoped3A = tpu.sem_alloc : memref<!tpu.dma_semaphore, #tpu.memory_space<semaphore_mem>>
      tpu.enqueue_dma source(%arg2 : memref<79x128xf32, #tpu.memory_space<hbm>>) target(%arg7 : memref<79x128xf32, #tpu.memory_space<vmem>>) target_semaphore(%run_scoped3A : memref<!tpu.dma_semaphore, #tpu.memory_space<semaphore_mem>>)
      tpu.wait_dma2 semaphore(%run_scoped3A : memref<!tpu.dma_semaphore, #tpu.memory_space<semaphore_mem>>) src(%arg2 : memref<79x128xf32, #tpu.memory_space<hbm>>) dst(%arg7 : memref<79x128xf32, #tpu.memory_space<vmem>>)
      tpu.yield
    }) : () -> ()
    %scan3A = arith.constant 0 : i32
    %scan3A_1 = arith.constant 0 : i32
    %scan3A_2 = arith.constant 79 : i32
    %scan3A_3 = arith.addi %scan3A_1, %scan3A_2 : i32
    %scan3A_4 = arith.constant 1 : i32
    scf.for %scan3A_12 = %scan3A_1 to %scan3A_3 step %scan3A_4  : i32 {
      %broadcast_in_dim3A = arith.constant 0.000000e+00 : f32
      %broadcast_in_dim3A_13 = vector.broadcast %broadcast_in_dim3A : f32 to vector<16xf32>
      %swap3A = arith.index_cast %scan3A_12 : i32 to index
      %swap3A_14 = arith.constant 0 : index
      %swap3A_15 = tpu.vector_load %arg8[%swap3A, %swap3A_14] {strides = array<i32>} : memref<79x128xf32, #tpu.memory_space<vmem>>, vector<16xf32>,
      tpu.vector_store %arg8[%swap3A, %swap3A_14], %broadcast_in_dim3A_13 {strides = array<i32>} : memref<79x128xf32, #tpu.memory_space<vmem>>, vector<16xf32>,
      %broadcast_in_dim3A_16 = arith.constant 0.000000e+00 : f32
      %broadcast_in_dim3A_17 = vector.broadcast %broadcast_in_dim3A_16 : f32 to vector<16xf32>
      %swap3A_18 = arith.index_cast %scan3A_12 : i32 to index
      %swap3A_19 = arith.constant 16 : index
      %swap3A_20 = tpu.vector_load %arg8[%swap3A_18, %swap3A_19] {strides = array<i32>} : memref<79x128xf32, #tpu.memory_space<vmem>>, vector<16xf32>,
      tpu.vector_store %arg8[%swap3A_18, %swap3A_19], %broadcast_in_dim3A_17 {strides = array<i32>} : memref<79x128xf32, #tpu.memory_space<vmem>>, vector<16xf32>,
      %broadcast_in_dim3A_21 = arith.constant 0.000000e+00 : f32
      %broadcast_in_dim3A_22 = vector.broadcast %broadcast_in_dim3A_21 : f32 to vector<16xf32>
      %swap3A_23 = arith.index_cast %scan3A_12 : i32 to index
      %swap3A_24 = arith.constant 32 : index
      %swap3A_25 = tpu.vector_load %arg8[%swap3A_23, %swap3A_24] {strides = array<i32>} : memref<79x128xf32, #tpu.memory_space<vmem>>, vector<16xf32>,
      tpu.vector_store %arg8[%swap3A_23, %swap3A_24], %broadcast_in_dim3A_22 {strides = array<i32>} : memref<79x128xf32, #tpu.memory_space<vmem>>, vector<16xf32>,
      %broadcast_in_dim3A_26 = arith.constant 0.000000e+00 : f32
      %broadcast_in_dim3A_27 = vector.broadcast %broadcast_in_dim3A_26 : f32 to vector<16xf32>
      %swap3A_28 = arith.index_cast %scan3A_12 : i32 to index
      %swap3A_29 = arith.constant 48 : index
      %swap3A_30 = tpu.vector_load %arg8[%swap3A_28, %swap3A_29] {strides = array<i32>} : memref<79x128xf32, #tpu.memory_space<vmem>>, vector<16xf32>,
      tpu.vector_store %arg8[%swap3A_28, %swap3A_29], %broadcast_in_dim3A_27 {strides = array<i32>} : memref<79x128xf32, #tpu.memory_space<vmem>>, vector<16xf32>,
      %broadcast_in_dim3A_31 = arith.constant 0.000000e+00 : f32
      %broadcast_in_dim3A_32 = vector.broadcast %broadcast_in_dim3A_31 : f32 to vector<16xf32>
      %swap3A_33 = arith.index_cast %scan3A_12 : i32 to index
      %swap3A_34 = arith.constant 64 : index
      %swap3A_35 = tpu.vector_load %arg8[%swap3A_33, %swap3A_34] {strides = array<i32>} : memref<79x128xf32, #tpu.memory_space<vmem>>, vector<16xf32>,
      tpu.vector_store %arg8[%swap3A_33, %swap3A_34], %broadcast_in_dim3A_32 {strides = array<i32>} : memref<79x128xf32, #tpu.memory_space<vmem>>, vector<16xf32>,
      %broadcast_in_dim3A_36 = arith.constant 0.000000e+00 : f32
      %broadcast_in_dim3A_37 = vector.broadcast %broadcast_in_dim3A_36 : f32 to vector<16xf32>
      %swap3A_38 = arith.index_cast %scan3A_12 : i32 to index
      %swap3A_39 = arith.constant 80 : index
      %swap3A_40 = tpu.vector_load %arg8[%swap3A_38, %swap3A_39] {strides = array<i32>} : memref<79x128xf32, #tpu.memory_space<vmem>>, vector<16xf32>,
      tpu.vector_store %arg8[%swap3A_38, %swap3A_39], %broadcast_in_dim3A_37 {strides = array<i32>} : memref<79x128xf32, #tpu.memory_space<vmem>>, vector<16xf32>,
      %broadcast_in_dim3A_41 = arith.constant 0.000000e+00 : f32
      %broadcast_in_dim3A_42 = vector.broadcast %broadcast_in_dim3A_41 : f32 to vector<16xf32>
      %swap3A_43 = arith.index_cast %scan3A_12 : i32 to index
      %swap3A_44 = arith.constant 96 : index
      %swap3A_45 = tpu.vector_load %arg8[%swap3A_43, %swap3A_44] {strides = array<i32>} : memref<79x128xf32, #tpu.memory_space<vmem>>, vector<16xf32>,
      tpu.vector_store %arg8[%swap3A_43, %swap3A_44], %broadcast_in_dim3A_42 {strides = array<i32>} : memref<79x128xf32, #tpu.memory_space<vmem>>, vector<16xf32>,
      %broadcast_in_dim3A_46 = arith.constant 0.000000e+00 : f32
      %broadcast_in_dim3A_47 = vector.broadcast %broadcast_in_dim3A_46 : f32 to vector<16xf32>
      %swap3A_48 = arith.index_cast %scan3A_12 : i32 to index
      %swap3A_49 = arith.constant 112 : index
      %swap3A_50 = tpu.vector_load %arg8[%swap3A_48, %swap3A_49] {strides = array<i32>} : memref<79x128xf32, #tpu.memory_space<vmem>>, vector<16xf32>,
      tpu.vector_store %arg8[%swap3A_48, %swap3A_49], %broadcast_in_dim3A_47 {strides = array<i32>} : memref<79x128xf32, #tpu.memory_space<vmem>>, vector<16xf32>,
    }
    %scan3A_5 = arith.constant 79 : i32
    "tpu.region"() ({
      %run_scoped3A = tpu.sem_alloc : memref<!tpu.dma_semaphore, #tpu.memory_space<semaphore_mem>>
      %dma_start3A = arith.constant 0 : i32
      %dma_start3A_12 = tpu.memref_slice %arg3[%add3A, %dma_start3A] : memref<32x20480xi32, #tpu.memory_space<hbm>> -> memref<1x20480xi32, #tpu.memory_space<hbm>>
      %dma_start3A_13 = tpu.memref_squeeze %dma_start3A_12 : memref<1x20480xi32, #tpu.memory_space<hbm>> -> memref<20480xi32, #tpu.memory_space<hbm>>
      %dma_start3A_14 = arith.constant 0 : i32
      %dma_start3A_15 = tpu.memref_slice %arg3[%add3A, %dma_start3A_14] : memref<32x20480xi32, #tpu.memory_space<hbm>> -> memref<1x20480xi32, #tpu.memory_space<hbm>>
      %dma_start3A_16 = tpu.memref_squeeze %dma_start3A_15 : memref<1x20480xi32, #tpu.memory_space<hbm>> -> memref<20480xi32, #tpu.memory_space<hbm>>
      tpu.enqueue_dma source(%dma_start3A_16 : memref<20480xi32, #tpu.memory_space<hbm>>) target(%arg9 : memref<20480xi32, #tpu.memory_space<vmem>>) target_semaphore(%run_scoped3A : memref<!tpu.dma_semaphore, #tpu.memory_space<semaphore_mem>>)
      %dma_wait3A = arith.constant 0 : i32
      %dma_wait3A_17 = tpu.memref_slice %arg3[%add3A, %dma_wait3A] : memref<32x20480xi32, #tpu.memory_space<hbm>> -> memref<1x20480xi32, #tpu.memory_space<hbm>>
      %dma_wait3A_18 = tpu.memref_squeeze %dma_wait3A_17 : memref<1x20480xi32, #tpu.memory_space<hbm>> -> memref<20480xi32, #tpu.memory_space<hbm>>
      %dma_wait3A_19 = arith.constant 0 : i32
      %dma_wait3A_20 = tpu.memref_slice %arg3[%add3A, %dma_wait3A_19] : memref<32x20480xi32, #tpu.memory_space<hbm>> -> memref<1x20480xi32, #tpu.memory_space<hbm>>
      %dma_wait3A_21 = tpu.memref_squeeze %dma_wait3A_20 : memref<1x20480xi32, #tpu.memory_space<hbm>> -> memref<20480xi32, #tpu.memory_space<hbm>>
      tpu.wait_dma2 semaphore(%run_scoped3A : memref<!tpu.dma_semaphore, #tpu.memory_space<semaphore_mem>>) src(%dma_wait3A_21 : memref<20480xi32, #tpu.memory_space<hbm>>) dst(%arg9 : memref<20480xi32, #tpu.memory_space<vmem>>)
      tpu.yield
    }) : () -> ()
    "tpu.region"() ({
      %run_scoped3A = tpu.sem_alloc : memref<!tpu.dma_semaphore, #tpu.memory_space<semaphore_mem>>
      %dma_start3A = arith.constant 0 : i32
      %dma_start3A_12 = tpu.memref_slice %arg4[%add3A, %dma_start3A] : memref<32x20480xi32, #tpu.memory_space<hbm>> -> memref<1x20480xi32, #tpu.memory_space<hbm>>
      %dma_start3A_13 = tpu.memref_squeeze %dma_start3A_12 : memref<1x20480xi32, #tpu.memory_space<hbm>> -> memref<20480xi32, #tpu.memory_space<hbm>>
      %dma_start3A_14 = arith.constant 0 : i32
      %dma_start3A_15 = tpu.memref_slice %arg4[%add3A, %dma_start3A_14] : memref<32x20480xi32, #tpu.memory_space<hbm>> -> memref<1x20480xi32, #tpu.memory_space<hbm>>
      %dma_start3A_16 = tpu.memref_squeeze %dma_start3A_15 : memref<1x20480xi32, #tpu.memory_space<hbm>> -> memref<20480xi32, #tpu.memory_space<hbm>>
      tpu.enqueue_dma source(%dma_start3A_16 : memref<20480xi32, #tpu.memory_space<hbm>>) target(%arg10 : memref<20480xi32, #tpu.memory_space<vmem>>) target_semaphore(%run_scoped3A : memref<!tpu.dma_semaphore, #tpu.memory_space<semaphore_mem>>)
      %dma_wait3A = arith.constant 0 : i32
      %dma_wait3A_17 = tpu.memref_slice %arg4[%add3A, %dma_wait3A] : memref<32x20480xi32, #tpu.memory_space<hbm>> -> memref<1x20480xi32, #tpu.memory_space<hbm>>
      %dma_wait3A_18 = tpu.memref_squeeze %dma_wait3A_17 : memref<1x20480xi32, #tpu.memory_space<hbm>> -> memref<20480xi32, #tpu.memory_space<hbm>>
      %dma_wait3A_19 = arith.constant 0 : i32
      %dma_wait3A_20 = tpu.memref_slice %arg4[%add3A, %dma_wait3A_19] : memref<32x20480xi32, #tpu.memory_space<hbm>> -> memref<1x20480xi32, #tpu.memory_space<hbm>>
      %dma_wait3A_21 = tpu.memref_squeeze %dma_wait3A_20 : memref<1x20480xi32, #tpu.memory_space<hbm>> -> memref<20480xi32, #tpu.memory_space<hbm>>
      tpu.wait_dma2 semaphore(%run_scoped3A : memref<!tpu.dma_semaphore, #tpu.memory_space<semaphore_mem>>) src(%dma_wait3A_21 : memref<20480xi32, #tpu.memory_space<hbm>>) dst(%arg10 : memref<20480xi32, #tpu.memory_space<vmem>>)
      tpu.yield
    }) : () -> ()
    %scan3A_6 = arith.constant 0 : i32
    %scan3A_7 = arith.constant 0 : i32
    %scan3A_8 = arith.constant 1280 : i32
    %scan3A_9 = arith.addi %scan3A_7, %scan3A_8 : i32
    %scan3A_10 = arith.constant 1 : i32
    scf.for %scan3A_12 = %scan3A_7 to %scan3A_9 step %scan3A_10  : i32 {
      %mul3A_13 = arith.constant 16 : i32
      %mul3A_14 = arith.muli %scan3A_12, %mul3A_13 : i32
      %get3A = arith.index_cast %mul3A_14 : i32 to index
      %get3A_15 = tpu.vector_load %arg9[%get3A] {strides = array<i32>} : memref<20480xi32, #tpu.memory_space<vmem>>, vector<16xi32>,
      %mul3A_16 = arith.constant 16 : i32
      %mul3A_17 = arith.muli %scan3A_12, %mul3A_16 : i32
      %get3A_18 = arith.index_cast %mul3A_17 : i32 to index
      %get3A_19 = tpu.vector_load %arg10[%get3A_18] {strides = array<i32>} : memref<20480xi32, #tpu.memory_space<vmem>>, vector<16xi32>,
      %shift_right_arithmetic3A = arith.constant 7 : i32
      %shift_right_arithmetic3A_20 = vector.broadcast %shift_right_arithmetic3A : i32 to vector<16xi32>
      %shift_right_arithmetic3A_21 = arith.shrsi %get3A_15, %shift_right_arithmetic3A_20 : vector<16xi32>
      %and3A = arith.constant 127 : i32
      %and3A_22 = vector.broadcast %and3A : i32 to vector<16xi32>
      %and3A_23 = arith.andi %get3A_15, %and3A_22 : vector<16xi32>
      %gather3A = tpu.vector_load_idx %arg7[%shift_right_arithmetic3A_21, %and3A_23] : memref<79x128xf32, #tpu.memory_space<vmem>>[vector<16xi32>, vector<16xi32>], vector<16xf32>,
      %shift_right_arithmetic3A_24 = arith.constant 7 : i32
      %shift_right_arithmetic3A_25 = vector.broadcast %shift_right_arithmetic3A_24 : i32 to vector<16xi32>
      %shift_right_arithmetic3A_26 = arith.shrsi %get3A_19, %shift_right_arithmetic3A_25 : vector<16xi32>
      %and3A_27 = arith.constant 127 : i32
      %and3A_28 = vector.broadcast %and3A_27 : i32 to vector<16xi32>
      %and3A_29 = arith.andi %get3A_19, %and3A_28 : vector<16xi32>
      tpu.vector_store_idx %arg8[%shift_right_arithmetic3A_26, %and3A_29], %gather3A {add = true} : memref<79x128xf32, #tpu.memory_space<vmem>>[vector<16xi32>, vector<16xi32>], vector<16xf32>,
      %gt3A = arith.constant 0.000000e+00 : f32
      %gt3A_30 = vector.broadcast %gt3A : f32 to vector<16xf32>
      %gt3A_31 = arith.cmpf ogt, %gather3A, %gt3A_30 : vector<16xf32>
      %and3A_32 = arith.constant 63 : i32
      %and3A_33 = vector.broadcast %and3A_32 : i32 to vector<16xi32>
      %and3A_34 = arith.andi %get3A_15, %and3A_33 : vector<16xi32>
      %add3A_35 = arith.constant 10000 : i32
      %add3A_36 = vector.broadcast %add3A_35 : i32 to vector<16xi32>
      %add3A_37 = arith.addi %add3A_36, %and3A_34 : vector<16xi32>
      %select_n3A = arith.select %gt3A_31, %get3A_15, %add3A_37 : vector<16xi1>, vector<16xi32>
      %mul3A_38 = arith.constant 16 : i32
      %mul3A_39 = arith.muli %scan3A_12, %mul3A_38 : i32
      %swap3A = arith.index_cast %mul3A_39 : i32 to index
      %swap3A_40 = tpu.vector_load %arg9[%swap3A] {strides = array<i32>} : memref<20480xi32, #tpu.memory_space<vmem>>, vector<16xi32>,
      tpu.vector_store %arg9[%swap3A], %select_n3A {strides = array<i32>} : memref<20480xi32, #tpu.memory_space<vmem>>, vector<16xi32>,
    }
    %scan3A_11 = arith.constant 1280 : i32
    "tpu.region"() ({
      %run_scoped3A = tpu.sem_alloc : memref<!tpu.dma_semaphore, #tpu.memory_space<semaphore_mem>>
      %dma_start3A = arith.constant 0 : i32
      %dma_start3A_12 = arith.constant 0 : i32
      %dma_start3A_13 = tpu.memref_slice %arg5[%add3A, %dma_start3A, %dma_start3A_12] : memref<32x79x128xf32, #tpu.memory_space<hbm>> -> memref<1x79x128xf32, #tpu.memory_space<hbm>>
      %dma_start3A_14 = tpu.memref_squeeze %dma_start3A_13 : memref<1x79x128xf32, #tpu.memory_space<hbm>> -> memref<79x128xf32, #tpu.memory_space<hbm>>
      %dma_start3A_15 = arith.constant 0 : i32
      %dma_start3A_16 = arith.constant 0 : i32
      %dma_start3A_17 = tpu.memref_slice %arg5[%add3A, %dma_start3A_15, %dma_start3A_16] : memref<32x79x128xf32, #tpu.memory_space<hbm>> -> memref<1x79x128xf32, #tpu.memory_space<hbm>>
      %dma_start3A_18 = tpu.memref_squeeze %dma_start3A_17 : memref<1x79x128xf32, #tpu.memory_space<hbm>> -> memref<79x128xf32, #tpu.memory_space<hbm>>
      tpu.enqueue_dma source(%arg8 : memref<79x128xf32, #tpu.memory_space<vmem>>) target(%dma_start3A_18 : memref<79x128xf32, #tpu.memory_space<hbm>>) target_semaphore(%run_scoped3A : memref<!tpu.dma_semaphore, #tpu.memory_space<semaphore_mem>>)
      %dma_wait3A = arith.constant 0 : i32
      %dma_wait3A_19 = arith.constant 0 : i32
      %dma_wait3A_20 = tpu.memref_slice %arg5[%add3A, %dma_wait3A, %dma_wait3A_19] : memref<32x79x128xf32, #tpu.memory_space<hbm>> -> memref<1x79x128xf32, #tpu.memory_space<hbm>>
      %dma_wait3A_21 = tpu.memref_squeeze %dma_wait3A_20 : memref<1x79x128xf32, #tpu.memory_space<hbm>> -> memref<79x128xf32, #tpu.memory_space<hbm>>
      %dma_wait3A_22 = arith.constant 0 : i32
      %dma_wait3A_23 = arith.constant 0 : i32
      %dma_wait3A_24 = tpu.memref_slice %arg5[%add3A, %dma_wait3A_22, %dma_wait3A_23] : memref<32x79x128xf32, #tpu.memory_space<hbm>> -> memref<1x79x128xf32, #tpu.memory_space<hbm>>
      %dma_wait3A_25 = tpu.memref_squeeze %dma_wait3A_24 : memref<1x79x128xf32, #tpu.memory_space<hbm>> -> memref<79x128xf32, #tpu.memory_space<hbm>>
      tpu.wait_dma2 semaphore(%run_scoped3A : memref<!tpu.dma_semaphore, #tpu.memory_space<semaphore_mem>>) src(%arg8 : memref<79x128xf32, #tpu.memory_space<vmem>>) dst(%dma_wait3A_25 : memref<79x128xf32, #tpu.memory_space<hbm>>)
      tpu.yield
    }) : () -> ()
    "tpu.region"() ({
      %run_scoped3A = tpu.sem_alloc : memref<!tpu.dma_semaphore, #tpu.memory_space<semaphore_mem>>
      %dma_start3A = arith.constant 0 : i32
      %dma_start3A_12 = tpu.memref_slice %arg6[%add3A, %dma_start3A] : memref<32x20480xi32, #tpu.memory_space<hbm>> -> memref<1x20480xi32, #tpu.memory_space<hbm>>
      %dma_start3A_13 = tpu.memref_squeeze %dma_start3A_12 : memref<1x20480xi32, #tpu.memory_space<hbm>> -> memref<20480xi32, #tpu.memory_space<hbm>>
      %dma_start3A_14 = arith.constant 0 : i32
      %dma_start3A_15 = tpu.memref_slice %arg6[%add3A, %dma_start3A_14] : memref<32x20480xi32, #tpu.memory_space<hbm>> -> memref<1x20480xi32, #tpu.memory_space<hbm>>
      %dma_start3A_16 = tpu.memref_squeeze %dma_start3A_15 : memref<1x20480xi32, #tpu.memory_space<hbm>> -> memref<20480xi32, #tpu.memory_space<hbm>>
      tpu.enqueue_dma source(%arg9 : memref<20480xi32, #tpu.memory_space<vmem>>) target(%dma_start3A_16 : memref<20480xi32, #tpu.memory_space<hbm>>) target_semaphore(%run_scoped3A : memref<!tpu.dma_semaphore, #tpu.memory_space<semaphore_mem>>)
      %dma_wait3A = arith.constant 0 : i32
      %dma_wait3A_17 = tpu.memref_slice %arg6[%add3A, %dma_wait3A] : memref<32x20480xi32, #tpu.memory_space<hbm>> -> memref<1x20480xi32, #tpu.memory_space<hbm>>
      %dma_wait3A_18 = tpu.memref_squeeze %dma_wait3A_17 : memref<1x20480xi32, #tpu.memory_space<hbm>> -> memref<20480xi32, #tpu.memory_space<hbm>>
      %dma_wait3A_19 = arith.constant 0 : i32
      %dma_wait3A_20 = tpu.memref_slice %arg6[%add3A, %dma_wait3A_19] : memref<32x20480xi32, #tpu.memory_space<hbm>> -> memref<1x20480xi32, #tpu.memory_space<hbm>>
      %dma_wait3A_21 = tpu.memref_squeeze %dma_wait3A_20 : memref<1x20480xi32, #tpu.memory_space<hbm>> -> memref<20480xi32, #tpu.memory_space<hbm>>
      tpu.wait_dma2 semaphore(%run_scoped3A : memref<!tpu.dma_semaphore, #tpu.memory_space<semaphore_mem>>) src(%arg9 : memref<20480xi32, #tpu.memory_space<vmem>>) dst(%dma_wait3A_21 : memref<20480xi32, #tpu.memory_space<hbm>>)
      tpu.yield
    }) : () -> ()
    return
  }
}

#map = affine_map<(d0, d1) -> (0, 0)>
#map1 = affine_map<(d0, d1) -> (0, 0, 0)>
module attributes {stable_mosaic.version = 14 : i64} {
  func.func @body(%arg0: i32, %arg1: i32, %arg2: memref<79x128xf32, #tpu.memory_space<hbm>>, %arg3: memref<32x20480xi32, #tpu.memory_space<hbm>>, %arg4: memref<32x20480xi32, #tpu.memory_space<hbm>>, %arg5: memref<32x79x128xf32, #tpu.memory_space<hbm>>, %arg6: memref<79x128xf32, #tpu.memory_space<vmem>>, %arg7: memref<79x128xf32, #tpu.memory_space<vmem>>, %arg8: memref<20480xi32, #tpu.memory_space<vmem>>, %arg9: memref<20480xi32, #tpu.memory_space<vmem>>) attributes {dimension_semantics = [#tpu.dimension_semantics<core_parallel>, #tpu.dimension_semantics<subcore_parallel>], iteration_bounds = array<i64: 2, 16>, scalar_prefetch = 0 : i64, scratch_operands = 4 : i64, tpu.core_type = #tpu.core_type<sc_vector_subcore>, window_params = [{transform_indices = #map}, {transform_indices = #map}, {transform_indices = #map}, {transform_indices = #map1}]} {
    %mul3A = arith.constant 2 : i32
    %mul3A_0 = arith.muli %arg1, %mul3A : i32
    %add3A = arith.addi %mul3A_0, %arg0 : i32
    "tpu.region"() ({
      %run_scoped3A = tpu.sem_alloc : memref<!tpu.dma_semaphore, #tpu.memory_space<semaphore_mem>>
      tpu.enqueue_dma source(%arg2 : memref<79x128xf32, #tpu.memory_space<hbm>>) target(%arg6 : memref<79x128xf32, #tpu.memory_space<vmem>>) target_semaphore(%run_scoped3A : memref<!tpu.dma_semaphore, #tpu.memory_space<semaphore_mem>>)
      tpu.wait_dma2 semaphore(%run_scoped3A : memref<!tpu.dma_semaphore, #tpu.memory_space<semaphore_mem>>) src(%arg2 : memref<79x128xf32, #tpu.memory_space<hbm>>) dst(%arg6 : memref<79x128xf32, #tpu.memory_space<vmem>>)
      tpu.yield
    }) : () -> ()
    %scan3A = arith.constant 0 : i32
    %scan3A_1 = arith.constant 0 : i32
    %scan3A_2 = arith.constant 79 : i32
    %scan3A_3 = arith.addi %scan3A_1, %scan3A_2 : i32
    %scan3A_4 = arith.constant 1 : i32
    scf.for %scan3A_12 = %scan3A_1 to %scan3A_3 step %scan3A_4  : i32 {
      %broadcast_in_dim3A = arith.constant 0.000000e+00 : f32
      %broadcast_in_dim3A_13 = vector.broadcast %broadcast_in_dim3A : f32 to vector<16xf32>
      %swap3A = arith.index_cast %scan3A_12 : i32 to index
      %swap3A_14 = arith.constant 0 : index
      %swap3A_15 = tpu.vector_load %arg7[%swap3A, %swap3A_14] {strides = array<i32>} : memref<79x128xf32, #tpu.memory_space<vmem>>, vector<16xf32>,
      tpu.vector_store %arg7[%swap3A, %swap3A_14], %broadcast_in_dim3A_13 {strides = array<i32>} : memref<79x128xf32, #tpu.memory_space<vmem>>, vector<16xf32>,
      %broadcast_in_dim3A_16 = arith.constant 0.000000e+00 : f32
      %broadcast_in_dim3A_17 = vector.broadcast %broadcast_in_dim3A_16 : f32 to vector<16xf32>
      %swap3A_18 = arith.index_cast %scan3A_12 : i32 to index
      %swap3A_19 = arith.constant 16 : index
      %swap3A_20 = tpu.vector_load %arg7[%swap3A_18, %swap3A_19] {strides = array<i32>} : memref<79x128xf32, #tpu.memory_space<vmem>>, vector<16xf32>,
      tpu.vector_store %arg7[%swap3A_18, %swap3A_19], %broadcast_in_dim3A_17 {strides = array<i32>} : memref<79x128xf32, #tpu.memory_space<vmem>>, vector<16xf32>,
      %broadcast_in_dim3A_21 = arith.constant 0.000000e+00 : f32
      %broadcast_in_dim3A_22 = vector.broadcast %broadcast_in_dim3A_21 : f32 to vector<16xf32>
      %swap3A_23 = arith.index_cast %scan3A_12 : i32 to index
      %swap3A_24 = arith.constant 32 : index
      %swap3A_25 = tpu.vector_load %arg7[%swap3A_23, %swap3A_24] {strides = array<i32>} : memref<79x128xf32, #tpu.memory_space<vmem>>, vector<16xf32>,
      tpu.vector_store %arg7[%swap3A_23, %swap3A_24], %broadcast_in_dim3A_22 {strides = array<i32>} : memref<79x128xf32, #tpu.memory_space<vmem>>, vector<16xf32>,
      %broadcast_in_dim3A_26 = arith.constant 0.000000e+00 : f32
      %broadcast_in_dim3A_27 = vector.broadcast %broadcast_in_dim3A_26 : f32 to vector<16xf32>
      %swap3A_28 = arith.index_cast %scan3A_12 : i32 to index
      %swap3A_29 = arith.constant 48 : index
      %swap3A_30 = tpu.vector_load %arg7[%swap3A_28, %swap3A_29] {strides = array<i32>} : memref<79x128xf32, #tpu.memory_space<vmem>>, vector<16xf32>,
      tpu.vector_store %arg7[%swap3A_28, %swap3A_29], %broadcast_in_dim3A_27 {strides = array<i32>} : memref<79x128xf32, #tpu.memory_space<vmem>>, vector<16xf32>,
      %broadcast_in_dim3A_31 = arith.constant 0.000000e+00 : f32
      %broadcast_in_dim3A_32 = vector.broadcast %broadcast_in_dim3A_31 : f32 to vector<16xf32>
      %swap3A_33 = arith.index_cast %scan3A_12 : i32 to index
      %swap3A_34 = arith.constant 64 : index
      %swap3A_35 = tpu.vector_load %arg7[%swap3A_33, %swap3A_34] {strides = array<i32>} : memref<79x128xf32, #tpu.memory_space<vmem>>, vector<16xf32>,
      tpu.vector_store %arg7[%swap3A_33, %swap3A_34], %broadcast_in_dim3A_32 {strides = array<i32>} : memref<79x128xf32, #tpu.memory_space<vmem>>, vector<16xf32>,
      %broadcast_in_dim3A_36 = arith.constant 0.000000e+00 : f32
      %broadcast_in_dim3A_37 = vector.broadcast %broadcast_in_dim3A_36 : f32 to vector<16xf32>
      %swap3A_38 = arith.index_cast %scan3A_12 : i32 to index
      %swap3A_39 = arith.constant 80 : index
      %swap3A_40 = tpu.vector_load %arg7[%swap3A_38, %swap3A_39] {strides = array<i32>} : memref<79x128xf32, #tpu.memory_space<vmem>>, vector<16xf32>,
      tpu.vector_store %arg7[%swap3A_38, %swap3A_39], %broadcast_in_dim3A_37 {strides = array<i32>} : memref<79x128xf32, #tpu.memory_space<vmem>>, vector<16xf32>,
      %broadcast_in_dim3A_41 = arith.constant 0.000000e+00 : f32
      %broadcast_in_dim3A_42 = vector.broadcast %broadcast_in_dim3A_41 : f32 to vector<16xf32>
      %swap3A_43 = arith.index_cast %scan3A_12 : i32 to index
      %swap3A_44 = arith.constant 96 : index
      %swap3A_45 = tpu.vector_load %arg7[%swap3A_43, %swap3A_44] {strides = array<i32>} : memref<79x128xf32, #tpu.memory_space<vmem>>, vector<16xf32>,
      tpu.vector_store %arg7[%swap3A_43, %swap3A_44], %broadcast_in_dim3A_42 {strides = array<i32>} : memref<79x128xf32, #tpu.memory_space<vmem>>, vector<16xf32>,
      %broadcast_in_dim3A_46 = arith.constant 0.000000e+00 : f32
      %broadcast_in_dim3A_47 = vector.broadcast %broadcast_in_dim3A_46 : f32 to vector<16xf32>
      %swap3A_48 = arith.index_cast %scan3A_12 : i32 to index
      %swap3A_49 = arith.constant 112 : index
      %swap3A_50 = tpu.vector_load %arg7[%swap3A_48, %swap3A_49] {strides = array<i32>} : memref<79x128xf32, #tpu.memory_space<vmem>>, vector<16xf32>,
      tpu.vector_store %arg7[%swap3A_48, %swap3A_49], %broadcast_in_dim3A_47 {strides = array<i32>} : memref<79x128xf32, #tpu.memory_space<vmem>>, vector<16xf32>,
    }
    %scan3A_5 = arith.constant 79 : i32
    "tpu.region"() ({
      %run_scoped3A = tpu.sem_alloc : memref<!tpu.dma_semaphore, #tpu.memory_space<semaphore_mem>>
      %dma_start3A = arith.constant 0 : i32
      %dma_start3A_12 = tpu.memref_slice %arg3[%add3A, %dma_start3A] : memref<32x20480xi32, #tpu.memory_space<hbm>> -> memref<1x20480xi32, #tpu.memory_space<hbm>>
      %dma_start3A_13 = tpu.memref_squeeze %dma_start3A_12 : memref<1x20480xi32, #tpu.memory_space<hbm>> -> memref<20480xi32, #tpu.memory_space<hbm>>
      %dma_start3A_14 = arith.constant 0 : i32
      %dma_start3A_15 = tpu.memref_slice %arg3[%add3A, %dma_start3A_14] : memref<32x20480xi32, #tpu.memory_space<hbm>> -> memref<1x20480xi32, #tpu.memory_space<hbm>>
      %dma_start3A_16 = tpu.memref_squeeze %dma_start3A_15 : memref<1x20480xi32, #tpu.memory_space<hbm>> -> memref<20480xi32, #tpu.memory_space<hbm>>
      tpu.enqueue_dma source(%dma_start3A_16 : memref<20480xi32, #tpu.memory_space<hbm>>) target(%arg8 : memref<20480xi32, #tpu.memory_space<vmem>>) target_semaphore(%run_scoped3A : memref<!tpu.dma_semaphore, #tpu.memory_space<semaphore_mem>>)
      %dma_wait3A = arith.constant 0 : i32
      %dma_wait3A_17 = tpu.memref_slice %arg3[%add3A, %dma_wait3A] : memref<32x20480xi32, #tpu.memory_space<hbm>> -> memref<1x20480xi32, #tpu.memory_space<hbm>>
      %dma_wait3A_18 = tpu.memref_squeeze %dma_wait3A_17 : memref<1x20480xi32, #tpu.memory_space<hbm>> -> memref<20480xi32, #tpu.memory_space<hbm>>
      %dma_wait3A_19 = arith.constant 0 : i32
      %dma_wait3A_20 = tpu.memref_slice %arg3[%add3A, %dma_wait3A_19] : memref<32x20480xi32, #tpu.memory_space<hbm>> -> memref<1x20480xi32, #tpu.memory_space<hbm>>
      %dma_wait3A_21 = tpu.memref_squeeze %dma_wait3A_20 : memref<1x20480xi32, #tpu.memory_space<hbm>> -> memref<20480xi32, #tpu.memory_space<hbm>>
      tpu.wait_dma2 semaphore(%run_scoped3A : memref<!tpu.dma_semaphore, #tpu.memory_space<semaphore_mem>>) src(%dma_wait3A_21 : memref<20480xi32, #tpu.memory_space<hbm>>) dst(%arg8 : memref<20480xi32, #tpu.memory_space<vmem>>)
      tpu.yield
    }) : () -> ()
    "tpu.region"() ({
      %run_scoped3A = tpu.sem_alloc : memref<!tpu.dma_semaphore, #tpu.memory_space<semaphore_mem>>
      %dma_start3A = arith.constant 0 : i32
      %dma_start3A_12 = tpu.memref_slice %arg4[%add3A, %dma_start3A] : memref<32x20480xi32, #tpu.memory_space<hbm>> -> memref<1x20480xi32, #tpu.memory_space<hbm>>
      %dma_start3A_13 = tpu.memref_squeeze %dma_start3A_12 : memref<1x20480xi32, #tpu.memory_space<hbm>> -> memref<20480xi32, #tpu.memory_space<hbm>>
      %dma_start3A_14 = arith.constant 0 : i32
      %dma_start3A_15 = tpu.memref_slice %arg4[%add3A, %dma_start3A_14] : memref<32x20480xi32, #tpu.memory_space<hbm>> -> memref<1x20480xi32, #tpu.memory_space<hbm>>
      %dma_start3A_16 = tpu.memref_squeeze %dma_start3A_15 : memref<1x20480xi32, #tpu.memory_space<hbm>> -> memref<20480xi32, #tpu.memory_space<hbm>>
      tpu.enqueue_dma source(%dma_start3A_16 : memref<20480xi32, #tpu.memory_space<hbm>>) target(%arg9 : memref<20480xi32, #tpu.memory_space<vmem>>) target_semaphore(%run_scoped3A : memref<!tpu.dma_semaphore, #tpu.memory_space<semaphore_mem>>)
      %dma_wait3A = arith.constant 0 : i32
      %dma_wait3A_17 = tpu.memref_slice %arg4[%add3A, %dma_wait3A] : memref<32x20480xi32, #tpu.memory_space<hbm>> -> memref<1x20480xi32, #tpu.memory_space<hbm>>
      %dma_wait3A_18 = tpu.memref_squeeze %dma_wait3A_17 : memref<1x20480xi32, #tpu.memory_space<hbm>> -> memref<20480xi32, #tpu.memory_space<hbm>>
      %dma_wait3A_19 = arith.constant 0 : i32
      %dma_wait3A_20 = tpu.memref_slice %arg4[%add3A, %dma_wait3A_19] : memref<32x20480xi32, #tpu.memory_space<hbm>> -> memref<1x20480xi32, #tpu.memory_space<hbm>>
      %dma_wait3A_21 = tpu.memref_squeeze %dma_wait3A_20 : memref<1x20480xi32, #tpu.memory_space<hbm>> -> memref<20480xi32, #tpu.memory_space<hbm>>
      tpu.wait_dma2 semaphore(%run_scoped3A : memref<!tpu.dma_semaphore, #tpu.memory_space<semaphore_mem>>) src(%dma_wait3A_21 : memref<20480xi32, #tpu.memory_space<hbm>>) dst(%arg9 : memref<20480xi32, #tpu.memory_space<vmem>>)
      tpu.yield
    }) : () -> ()
    %scan3A_6 = arith.constant 0 : i32
    %scan3A_7 = arith.constant 0 : i32
    %scan3A_8 = arith.constant 1280 : i32
    %scan3A_9 = arith.addi %scan3A_7, %scan3A_8 : i32
    %scan3A_10 = arith.constant 1 : i32
    scf.for %scan3A_12 = %scan3A_7 to %scan3A_9 step %scan3A_10  : i32 {
      %mul3A_13 = arith.constant 16 : i32
      %mul3A_14 = arith.muli %scan3A_12, %mul3A_13 : i32
      %get3A = arith.index_cast %mul3A_14 : i32 to index
      %get3A_15 = tpu.vector_load %arg8[%get3A] {strides = array<i32>} : memref<20480xi32, #tpu.memory_space<vmem>>, vector<16xi32>,
      %mul3A_16 = arith.constant 16 : i32
      %mul3A_17 = arith.muli %scan3A_12, %mul3A_16 : i32
      %get3A_18 = arith.index_cast %mul3A_17 : i32 to index
      %get3A_19 = tpu.vector_load %arg9[%get3A_18] {strides = array<i32>} : memref<20480xi32, #tpu.memory_space<vmem>>, vector<16xi32>,
      %shift_right_arithmetic3A = arith.constant 7 : i32
      %shift_right_arithmetic3A_20 = vector.broadcast %shift_right_arithmetic3A : i32 to vector<16xi32>
      %shift_right_arithmetic3A_21 = arith.shrsi %get3A_15, %shift_right_arithmetic3A_20 : vector<16xi32>
      %and3A = arith.constant 127 : i32
      %and3A_22 = vector.broadcast %and3A : i32 to vector<16xi32>
      %and3A_23 = arith.andi %get3A_15, %and3A_22 : vector<16xi32>
      %gather3A = tpu.vector_load_idx %arg6[%shift_right_arithmetic3A_21, %and3A_23] : memref<79x128xf32, #tpu.memory_space<vmem>>[vector<16xi32>, vector<16xi32>], vector<16xf32>,
      %shift_right_arithmetic3A_24 = arith.constant 7 : i32
      %shift_right_arithmetic3A_25 = vector.broadcast %shift_right_arithmetic3A_24 : i32 to vector<16xi32>
      %shift_right_arithmetic3A_26 = arith.shrsi %get3A_19, %shift_right_arithmetic3A_25 : vector<16xi32>
      %and3A_27 = arith.constant 127 : i32
      %and3A_28 = vector.broadcast %and3A_27 : i32 to vector<16xi32>
      %and3A_29 = arith.andi %get3A_19, %and3A_28 : vector<16xi32>
      tpu.vector_store_idx %arg7[%shift_right_arithmetic3A_26, %and3A_29], %gather3A {add = true} : memref<79x128xf32, #tpu.memory_space<vmem>>[vector<16xi32>, vector<16xi32>], vector<16xf32>,
    }
    %scan3A_11 = arith.constant 1280 : i32
    "tpu.region"() ({
      %run_scoped3A = tpu.sem_alloc : memref<!tpu.dma_semaphore, #tpu.memory_space<semaphore_mem>>
      %dma_start3A = arith.constant 0 : i32
      %dma_start3A_12 = arith.constant 0 : i32
      %dma_start3A_13 = tpu.memref_slice %arg5[%add3A, %dma_start3A, %dma_start3A_12] : memref<32x79x128xf32, #tpu.memory_space<hbm>> -> memref<1x79x128xf32, #tpu.memory_space<hbm>>
      %dma_start3A_14 = tpu.memref_squeeze %dma_start3A_13 : memref<1x79x128xf32, #tpu.memory_space<hbm>> -> memref<79x128xf32, #tpu.memory_space<hbm>>
      %dma_start3A_15 = arith.constant 0 : i32
      %dma_start3A_16 = arith.constant 0 : i32
      %dma_start3A_17 = tpu.memref_slice %arg5[%add3A, %dma_start3A_15, %dma_start3A_16] : memref<32x79x128xf32, #tpu.memory_space<hbm>> -> memref<1x79x128xf32, #tpu.memory_space<hbm>>
      %dma_start3A_18 = tpu.memref_squeeze %dma_start3A_17 : memref<1x79x128xf32, #tpu.memory_space<hbm>> -> memref<79x128xf32, #tpu.memory_space<hbm>>
      tpu.enqueue_dma source(%arg7 : memref<79x128xf32, #tpu.memory_space<vmem>>) target(%dma_start3A_18 : memref<79x128xf32, #tpu.memory_space<hbm>>) target_semaphore(%run_scoped3A : memref<!tpu.dma_semaphore, #tpu.memory_space<semaphore_mem>>)
      %dma_wait3A = arith.constant 0 : i32
      %dma_wait3A_19 = arith.constant 0 : i32
      %dma_wait3A_20 = tpu.memref_slice %arg5[%add3A, %dma_wait3A, %dma_wait3A_19] : memref<32x79x128xf32, #tpu.memory_space<hbm>> -> memref<1x79x128xf32, #tpu.memory_space<hbm>>
      %dma_wait3A_21 = tpu.memref_squeeze %dma_wait3A_20 : memref<1x79x128xf32, #tpu.memory_space<hbm>> -> memref<79x128xf32, #tpu.memory_space<hbm>>
      %dma_wait3A_22 = arith.constant 0 : i32
      %dma_wait3A_23 = arith.constant 0 : i32
      %dma_wait3A_24 = tpu.memref_slice %arg5[%add3A, %dma_wait3A_22, %dma_wait3A_23] : memref<32x79x128xf32, #tpu.memory_space<hbm>> -> memref<1x79x128xf32, #tpu.memory_space<hbm>>
      %dma_wait3A_25 = tpu.memref_squeeze %dma_wait3A_24 : memref<1x79x128xf32, #tpu.memory_space<hbm>> -> memref<79x128xf32, #tpu.memory_space<hbm>>
      tpu.wait_dma2 semaphore(%run_scoped3A : memref<!tpu.dma_semaphore, #tpu.memory_space<semaphore_mem>>) src(%arg7 : memref<79x128xf32, #tpu.memory_space<vmem>>) dst(%dma_wait3A_25 : memref<79x128xf32, #tpu.memory_space<hbm>>)
      tpu.yield
    }) : () -> ()
    return
  }
}

#map = affine_map<(d0, d1) -> (0, 0)>
#map1 = affine_map<(d0, d1) -> (0, 0, 0)>
module attributes {stable_mosaic.version = 14 : i64} {
  func.func @body(%arg0: i32, %arg1: i32, %arg2: memref<10112x128xf32, #tpu.memory_space<hbm>>, %arg3: memref<32x24576xi32, #tpu.memory_space<hbm>>, %arg4: memref<32x192x128xi32, #tpu.memory_space<hbm>>, %arg5: memref<632x128xf32, #tpu.memory_space<hbm>>, %arg6: memref<2x10112x128xf32, #tpu.memory_space<hbm>>, %arg7: memref<2048xi32, #tpu.memory_space<vmem>>, %arg8: memref<192x128xi32, #tpu.memory_space<vmem>>, %arg9: memref<128x128xf32, #tpu.memory_space<vmem>>, %arg10: memref<10112x128xf32, #tpu.memory_space<vmem_shared>>, %arg11: memref<!tpu.dma_semaphore, #tpu.memory_space<semaphore_mem>>) attributes {dimension_semantics = [#tpu.dimension_semantics<core_parallel>, #tpu.dimension_semantics<subcore_parallel>], iteration_bounds = array<i64: 2, 16>, scalar_prefetch = 0 : i64, scratch_operands = 5 : i64, tpu.core_type = #tpu.core_type<sc_vector_subcore>, window_params = [{transform_indices = #map}, {transform_indices = #map}, {transform_indices = #map1}, {transform_indices = #map}, {transform_indices = #map1}]} {
    %mul3A = arith.constant 2 : i32
    %mul3A_0 = arith.muli %arg1, %mul3A : i32
    %add3A = arith.addi %mul3A_0, %arg0 : i32
    %mul3A_1 = arith.constant 632 : i32
    %mul3A_2 = arith.muli %arg1, %mul3A_1 : i32
    "tpu.region"() ({
      %run_scoped3A = tpu.sem_alloc : memref<!tpu.dma_semaphore, #tpu.memory_space<semaphore_mem>>
      %dma_start3A = arith.constant 0 : i32
      %dma_start3A_13 = tpu.memref_slice %arg10[%mul3A_2, %dma_start3A] : memref<10112x128xf32, #tpu.memory_space<vmem_shared>> -> memref<632x128xf32, #tpu.memory_space<vmem_shared>>
      tpu.enqueue_dma source(%arg5 : memref<632x128xf32, #tpu.memory_space<hbm>>) target(%dma_start3A_13 : memref<632x128xf32, #tpu.memory_space<vmem_shared>>) target_semaphore(%run_scoped3A : memref<!tpu.dma_semaphore, #tpu.memory_space<semaphore_mem>>)
      %dma_wait3A = arith.constant 0 : i32
      %dma_wait3A_14 = tpu.memref_slice %arg10[%mul3A_2, %dma_wait3A] : memref<10112x128xf32, #tpu.memory_space<vmem_shared>> -> memref<632x128xf32, #tpu.memory_space<vmem_shared>>
      tpu.wait_dma2 semaphore(%run_scoped3A : memref<!tpu.dma_semaphore, #tpu.memory_space<semaphore_mem>>) src(%arg5 : memref<632x128xf32, #tpu.memory_space<hbm>>) dst(%dma_wait3A_14 : memref<632x128xf32, #tpu.memory_space<vmem_shared>>)
      tpu.yield
    }) : () -> ()
    "tpu.region"() ({
      %run_scoped3A = tpu.sem_alloc : memref<!tpu.dma_semaphore, #tpu.memory_space<semaphore_mem>>
      %dma_start3A = arith.constant 0 : i32
      %dma_start3A_13 = arith.constant 0 : i32
      %dma_start3A_14 = tpu.memref_slice %arg4[%add3A, %dma_start3A, %dma_start3A_13] : memref<32x192x128xi32, #tpu.memory_space<hbm>> -> memref<1x192x128xi32, #tpu.memory_space<hbm>>
      %dma_start3A_15 = tpu.memref_squeeze %dma_start3A_14 : memref<1x192x128xi32, #tpu.memory_space<hbm>> -> memref<192x128xi32, #tpu.memory_space<hbm>>
      %dma_start3A_16 = arith.constant 0 : i32
      %dma_start3A_17 = arith.constant 0 : i32
      %dma_start3A_18 = tpu.memref_slice %arg4[%add3A, %dma_start3A_16, %dma_start3A_17] : memref<32x192x128xi32, #tpu.memory_space<hbm>> -> memref<1x192x128xi32, #tpu.memory_space<hbm>>
      %dma_start3A_19 = tpu.memref_squeeze %dma_start3A_18 : memref<1x192x128xi32, #tpu.memory_space<hbm>> -> memref<192x128xi32, #tpu.memory_space<hbm>>
      tpu.enqueue_dma source(%dma_start3A_19 : memref<192x128xi32, #tpu.memory_space<hbm>>) target(%arg8 : memref<192x128xi32, #tpu.memory_space<vmem>>) target_semaphore(%run_scoped3A : memref<!tpu.dma_semaphore, #tpu.memory_space<semaphore_mem>>)
      %dma_wait3A = arith.constant 0 : i32
      %dma_wait3A_20 = arith.constant 0 : i32
      %dma_wait3A_21 = tpu.memref_slice %arg4[%add3A, %dma_wait3A, %dma_wait3A_20] : memref<32x192x128xi32, #tpu.memory_space<hbm>> -> memref<1x192x128xi32, #tpu.memory_space<hbm>>
      %dma_wait3A_22 = tpu.memref_squeeze %dma_wait3A_21 : memref<1x192x128xi32, #tpu.memory_space<hbm>> -> memref<192x128xi32, #tpu.memory_space<hbm>>
      %dma_wait3A_23 = arith.constant 0 : i32
      %dma_wait3A_24 = arith.constant 0 : i32
      %dma_wait3A_25 = tpu.memref_slice %arg4[%add3A, %dma_wait3A_23, %dma_wait3A_24] : memref<32x192x128xi32, #tpu.memory_space<hbm>> -> memref<1x192x128xi32, #tpu.memory_space<hbm>>
      %dma_wait3A_26 = tpu.memref_squeeze %dma_wait3A_25 : memref<1x192x128xi32, #tpu.memory_space<hbm>> -> memref<192x128xi32, #tpu.memory_space<hbm>>
      tpu.wait_dma2 semaphore(%run_scoped3A : memref<!tpu.dma_semaphore, #tpu.memory_space<semaphore_mem>>) src(%dma_wait3A_26 : memref<192x128xi32, #tpu.memory_space<hbm>>) dst(%arg8 : memref<192x128xi32, #tpu.memory_space<vmem>>)
      tpu.yield
    }) : () -> ()
    %barrier3A = arith.constant 0 : index
    tpu.barrier barrier_id(%barrier3A)
    %scan3A = arith.constant 0 : i32
    %scan3A_3 = arith.constant 0 : i32
    %scan3A_4 = arith.constant 12 : i32
    %scan3A_5 = arith.addi %scan3A_3, %scan3A_4 : i32
    %scan3A_6 = arith.constant 1 : i32
    scf.for %scan3A_13 = %scan3A_3 to %scan3A_5 step %scan3A_6  : i32 {
      %mul3A_14 = arith.constant 2048 : i32
      %mul3A_15 = arith.muli %scan3A_13, %mul3A_14 : i32
      "tpu.region"() ({
        %run_scoped3A = tpu.sem_alloc : memref<!tpu.dma_semaphore, #tpu.memory_space<semaphore_mem>>
        %dma_start3A = tpu.memref_slice %arg3[%add3A, %mul3A_15] : memref<32x24576xi32, #tpu.memory_space<hbm>> -> memref<1x2048xi32, #tpu.memory_space<hbm>>
        %dma_start3A_22 = tpu.memref_squeeze %dma_start3A : memref<1x2048xi32, #tpu.memory_space<hbm>> -> memref<2048xi32, #tpu.memory_space<hbm>>
        %dma_start3A_23 = tpu.memref_slice %arg3[%add3A, %mul3A_15] : memref<32x24576xi32, #tpu.memory_space<hbm>> -> memref<1x2048xi32, #tpu.memory_space<hbm>>
        %dma_start3A_24 = tpu.memref_squeeze %dma_start3A_23 : memref<1x2048xi32, #tpu.memory_space<hbm>> -> memref<2048xi32, #tpu.memory_space<hbm>>
        tpu.enqueue_dma source(%dma_start3A_24 : memref<2048xi32, #tpu.memory_space<hbm>>) target(%arg7 : memref<2048xi32, #tpu.memory_space<vmem>>) target_semaphore(%run_scoped3A : memref<!tpu.dma_semaphore, #tpu.memory_space<semaphore_mem>>)
        %dma_wait3A = tpu.memref_slice %arg3[%add3A, %mul3A_15] : memref<32x24576xi32, #tpu.memory_space<hbm>> -> memref<1x2048xi32, #tpu.memory_space<hbm>>
        %dma_wait3A_25 = tpu.memref_squeeze %dma_wait3A : memref<1x2048xi32, #tpu.memory_space<hbm>> -> memref<2048xi32, #tpu.memory_space<hbm>>
        %dma_wait3A_26 = tpu.memref_slice %arg3[%add3A, %mul3A_15] : memref<32x24576xi32, #tpu.memory_space<hbm>> -> memref<1x2048xi32, #tpu.memory_space<hbm>>
        %dma_wait3A_27 = tpu.memref_squeeze %dma_wait3A_26 : memref<1x2048xi32, #tpu.memory_space<hbm>> -> memref<2048xi32, #tpu.memory_space<hbm>>
        tpu.wait_dma2 semaphore(%run_scoped3A : memref<!tpu.dma_semaphore, #tpu.memory_space<semaphore_mem>>) src(%dma_wait3A_27 : memref<2048xi32, #tpu.memory_space<hbm>>) dst(%arg7 : memref<2048xi32, #tpu.memory_space<vmem>>)
        tpu.yield
      }) : () -> ()
      %scan3A_16 = arith.constant 0 : i32
      %scan3A_17 = arith.constant 0 : i32
      %scan3A_18 = arith.constant 16 : i32
      %scan3A_19 = arith.addi %scan3A_17, %scan3A_18 : i32
      %scan3A_20 = arith.constant 1 : i32
      scf.for %scan3A_22 = %scan3A_17 to %scan3A_19 step %scan3A_20  : i32 {
        %mul3A_23 = arith.constant 128 : i32
        %mul3A_24 = arith.muli %scan3A_22, %mul3A_23 : i32
        %dma_start3A = tpu.memref_slice %arg7[%mul3A_24] : memref<2048xi32, #tpu.memory_space<vmem>> -> memref<128xi32, #tpu.memory_space<vmem>>
        %dma_start3A_25 = arith.constant 0 : i32
        %dma_start3A_26 = arith.constant 0 : i32
        %dma_start3A_27 = tpu.memref_slice %arg2[%dma_start3A_25, %dma_start3A_26] : memref<10112x128xf32, #tpu.memory_space<hbm>> -> memref<10112x128xf32, #tpu.memory_space<hbm>>
        tpu.enqueue_indirect_dma source(%dma_start3A_27 : memref<10112x128xf32, #tpu.memory_space<hbm>>) target(%arg9 : memref<128x128xf32, #tpu.memory_space<vmem>>) offsets(%dma_start3A : memref<128xi32, #tpu.memory_space<vmem>>) semaphore(%arg11 : memref<!tpu.dma_semaphore, #tpu.memory_space<semaphore_mem>>)
        %dma_wait3A = tpu.memref_slice %arg7[%mul3A_24] : memref<2048xi32, #tpu.memory_space<vmem>> -> memref<128xi32, #tpu.memory_space<vmem>>
        %dma_wait3A_28 = arith.constant 0 : i32
        %dma_wait3A_29 = arith.constant 0 : i32
        %dma_wait3A_30 = tpu.memref_slice %arg2[%dma_wait3A_28, %dma_wait3A_29] : memref<10112x128xf32, #tpu.memory_space<hbm>> -> memref<10112x128xf32, #tpu.memory_space<hbm>>
        tpu.wait_indirect_dma semaphore(%arg11 : memref<!tpu.dma_semaphore, #tpu.memory_space<semaphore_mem>>) src(%dma_wait3A_30 : memref<10112x128xf32, #tpu.memory_space<hbm>>) dst(%arg9 : memref<128x128xf32, #tpu.memory_space<vmem>>)
        %mul3A_31 = arith.constant 16 : i32
        %mul3A_32 = arith.muli %scan3A_13, %mul3A_31 : i32
        %add3A_33 = arith.addi %mul3A_32, %scan3A_22 : i32
        "tpu.region"() ({
          %run_scoped3A = tpu.sem_alloc : memref<!tpu.dma_semaphore, #tpu.memory_space<semaphore_mem>>
          %dma_start3A_34 = arith.constant 0 : i32
          %dma_start3A_35 = tpu.memref_slice %arg8[%add3A_33, %dma_start3A_34] : memref<192x128xi32, #tpu.memory_space<vmem>> -> memref<1x128xi32, #tpu.memory_space<vmem>>
          %dma_start3A_36 = tpu.memref_squeeze %dma_start3A_35 : memref<1x128xi32, #tpu.memory_space<vmem>> -> memref<128xi32, #tpu.memory_space<vmem>>
          %dma_start3A_37 = arith.constant 0 : i32
          %dma_start3A_38 = arith.constant 0 : i32
          %dma_start3A_39 = tpu.memref_slice %arg10[%dma_start3A_37, %dma_start3A_38] : memref<10112x128xf32, #tpu.memory_space<vmem_shared>> -> memref<10112x128xf32, #tpu.memory_space<vmem_shared>>
          tpu.enqueue_indirect_dma source(%arg9 : memref<128x128xf32, #tpu.memory_space<vmem>>) target(%dma_start3A_39 : memref<10112x128xf32, #tpu.memory_space<vmem_shared>>) offsets(%dma_start3A_36 : memref<128xi32, #tpu.memory_space<vmem>>) semaphore(%run_scoped3A : memref<!tpu.dma_semaphore, #tpu.memory_space<semaphore_mem>>) {add = true}
          %dma_wait3A_40 = arith.constant 0 : i32
          %dma_wait3A_41 = tpu.memref_slice %arg8[%add3A_33, %dma_wait3A_40] : memref<192x128xi32, #tpu.memory_space<vmem>> -> memref<1x128xi32, #tpu.memory_space<vmem>>
          %dma_wait3A_42 = tpu.memref_squeeze %dma_wait3A_41 : memref<1x128xi32, #tpu.memory_space<vmem>> -> memref<128xi32, #tpu.memory_space<vmem>>
          %dma_wait3A_43 = arith.constant 0 : i32
          %dma_wait3A_44 = arith.constant 0 : i32
          %dma_wait3A_45 = tpu.memref_slice %arg10[%dma_wait3A_43, %dma_wait3A_44] : memref<10112x128xf32, #tpu.memory_space<vmem_shared>> -> memref<10112x128xf32, #tpu.memory_space<vmem_shared>>
          tpu.wait_indirect_dma semaphore(%run_scoped3A : memref<!tpu.dma_semaphore, #tpu.memory_space<semaphore_mem>>) src(%arg9 : memref<128x128xf32, #tpu.memory_space<vmem>>) dst(%dma_wait3A_45 : memref<10112x128xf32, #tpu.memory_space<vmem_shared>>)
          tpu.yield
        }) : () -> ()
      }
      %scan3A_21 = arith.constant 16 : i32
    }
    %scan3A_7 = arith.constant 12 : i32
    %barrier3A_8 = arith.constant 0 : index
    tpu.barrier barrier_id(%barrier3A_8)
    %mul3A_9 = arith.constant 632 : i32
    %mul3A_10 = arith.muli %arg1, %mul3A_9 : i32
    %mul3A_11 = arith.constant 632 : i32
    %mul3A_12 = arith.muli %arg1, %mul3A_11 : i32
    "tpu.region"() ({
      %run_scoped3A = tpu.sem_alloc : memref<!tpu.dma_semaphore, #tpu.memory_space<semaphore_mem>>
      %dma_start3A = arith.constant 0 : i32
      %dma_start3A_13 = tpu.memref_slice %arg6[%arg0, %mul3A_12, %dma_start3A] : memref<2x10112x128xf32, #tpu.memory_space<hbm>> -> memref<1x632x128xf32, #tpu.memory_space<hbm>>
      %dma_start3A_14 = tpu.memref_squeeze %dma_start3A_13 : memref<1x632x128xf32, #tpu.memory_space<hbm>> -> memref<632x128xf32, #tpu.memory_space<hbm>>
      %dma_start3A_15 = arith.constant 0 : i32
      %dma_start3A_16 = tpu.memref_slice %arg10[%mul3A_10, %dma_start3A_15] : memref<10112x128xf32, #tpu.memory_space<vmem_shared>> -> memref<632x128xf32, #tpu.memory_space<vmem_shared>>
      tpu.enqueue_dma source(%dma_start3A_16 : memref<632x128xf32, #tpu.memory_space<vmem_shared>>) target(%dma_start3A_14 : memref<632x128xf32, #tpu.memory_space<hbm>>) target_semaphore(%run_scoped3A : memref<!tpu.dma_semaphore, #tpu.memory_space<semaphore_mem>>)
      %dma_wait3A = arith.constant 0 : i32
      %dma_wait3A_17 = tpu.memref_slice %arg6[%arg0, %mul3A_12, %dma_wait3A] : memref<2x10112x128xf32, #tpu.memory_space<hbm>> -> memref<1x632x128xf32, #tpu.memory_space<hbm>>
      %dma_wait3A_18 = tpu.memref_squeeze %dma_wait3A_17 : memref<1x632x128xf32, #tpu.memory_space<hbm>> -> memref<632x128xf32, #tpu.memory_space<hbm>>
      %dma_wait3A_19 = arith.constant 0 : i32
      %dma_wait3A_20 = tpu.memref_slice %arg10[%mul3A_10, %dma_wait3A_19] : memref<10112x128xf32, #tpu.memory_space<vmem_shared>> -> memref<632x128xf32, #tpu.memory_space<vmem_shared>>
      tpu.wait_dma2 semaphore(%run_scoped3A : memref<!tpu.dma_semaphore, #tpu.memory_space<semaphore_mem>>) src(%dma_wait3A_20 : memref<632x128xf32, #tpu.memory_space<vmem_shared>>) dst(%dma_wait3A_18 : memref<632x128xf32, #tpu.memory_space<hbm>>)
      tpu.yield
    }) : () -> ()
    return
  }
}

#map = affine_map<(d0, d1) -> (0, 0)>
#map1 = affine_map<(d0, d1) -> (0, 0, 0)>
module attributes {stable_mosaic.version = 14 : i64} {
  func.func @body(%arg0: i32, %arg1: i32, %arg2: memref<10112x128xf32, #tpu.memory_space<hbm>>, %arg3: memref<32x24576xi32, #tpu.memory_space<hbm>>, %arg4: memref<32x192x128xi32, #tpu.memory_space<hbm>>, %arg5: memref<632x128xf32, #tpu.memory_space<hbm>>, %arg6: memref<2x10112x128xf32, #tpu.memory_space<hbm>>, %arg7: memref<2048xi32, #tpu.memory_space<vmem>>, %arg8: memref<192x128xi32, #tpu.memory_space<vmem>>, %arg9: memref<128x128xf32, #tpu.memory_space<vmem>>, %arg10: memref<10112x128xf32, #tpu.memory_space<vmem_shared>>, %arg11: memref<!tpu.dma_semaphore, #tpu.memory_space<semaphore_mem>>) attributes {dimension_semantics = [#tpu.dimension_semantics<core_parallel>, #tpu.dimension_semantics<subcore_parallel>], iteration_bounds = array<i64: 2, 16>, scalar_prefetch = 0 : i64, scratch_operands = 5 : i64, tpu.core_type = #tpu.core_type<sc_vector_subcore>, window_params = [{transform_indices = #map}, {transform_indices = #map}, {transform_indices = #map1}, {transform_indices = #map}, {transform_indices = #map1}]} {
    %mul3A = arith.constant 2 : i32
    %mul3A_0 = arith.muli %arg1, %mul3A : i32
    %add3A = arith.addi %mul3A_0, %arg0 : i32
    %mul3A_1 = arith.constant 632 : i32
    %mul3A_2 = arith.muli %arg1, %mul3A_1 : i32
    "tpu.region"() ({
      %run_scoped3A = tpu.sem_alloc : memref<!tpu.dma_semaphore, #tpu.memory_space<semaphore_mem>>
      %dma_start3A = arith.constant 0 : i32
      %dma_start3A_13 = tpu.memref_slice %arg10[%mul3A_2, %dma_start3A] : memref<10112x128xf32, #tpu.memory_space<vmem_shared>> -> memref<632x128xf32, #tpu.memory_space<vmem_shared>>
      tpu.enqueue_dma source(%arg5 : memref<632x128xf32, #tpu.memory_space<hbm>>) target(%dma_start3A_13 : memref<632x128xf32, #tpu.memory_space<vmem_shared>>) target_semaphore(%run_scoped3A : memref<!tpu.dma_semaphore, #tpu.memory_space<semaphore_mem>>)
      %dma_wait3A = arith.constant 0 : i32
      %dma_wait3A_14 = tpu.memref_slice %arg10[%mul3A_2, %dma_wait3A] : memref<10112x128xf32, #tpu.memory_space<vmem_shared>> -> memref<632x128xf32, #tpu.memory_space<vmem_shared>>
      tpu.wait_dma2 semaphore(%run_scoped3A : memref<!tpu.dma_semaphore, #tpu.memory_space<semaphore_mem>>) src(%arg5 : memref<632x128xf32, #tpu.memory_space<hbm>>) dst(%dma_wait3A_14 : memref<632x128xf32, #tpu.memory_space<vmem_shared>>)
      tpu.yield
    }) : () -> ()
    "tpu.region"() ({
      %run_scoped3A = tpu.sem_alloc : memref<!tpu.dma_semaphore, #tpu.memory_space<semaphore_mem>>
      %dma_start3A = arith.constant 0 : i32
      %dma_start3A_13 = arith.constant 0 : i32
      %dma_start3A_14 = tpu.memref_slice %arg4[%add3A, %dma_start3A, %dma_start3A_13] : memref<32x192x128xi32, #tpu.memory_space<hbm>> -> memref<1x192x128xi32, #tpu.memory_space<hbm>>
      %dma_start3A_15 = tpu.memref_squeeze %dma_start3A_14 : memref<1x192x128xi32, #tpu.memory_space<hbm>> -> memref<192x128xi32, #tpu.memory_space<hbm>>
      %dma_start3A_16 = arith.constant 0 : i32
      %dma_start3A_17 = arith.constant 0 : i32
      %dma_start3A_18 = tpu.memref_slice %arg4[%add3A, %dma_start3A_16, %dma_start3A_17] : memref<32x192x128xi32, #tpu.memory_space<hbm>> -> memref<1x192x128xi32, #tpu.memory_space<hbm>>
      %dma_start3A_19 = tpu.memref_squeeze %dma_start3A_18 : memref<1x192x128xi32, #tpu.memory_space<hbm>> -> memref<192x128xi32, #tpu.memory_space<hbm>>
      tpu.enqueue_dma source(%dma_start3A_19 : memref<192x128xi32, #tpu.memory_space<hbm>>) target(%arg8 : memref<192x128xi32, #tpu.memory_space<vmem>>) target_semaphore(%run_scoped3A : memref<!tpu.dma_semaphore, #tpu.memory_space<semaphore_mem>>)
      %dma_wait3A = arith.constant 0 : i32
      %dma_wait3A_20 = arith.constant 0 : i32
      %dma_wait3A_21 = tpu.memref_slice %arg4[%add3A, %dma_wait3A, %dma_wait3A_20] : memref<32x192x128xi32, #tpu.memory_space<hbm>> -> memref<1x192x128xi32, #tpu.memory_space<hbm>>
      %dma_wait3A_22 = tpu.memref_squeeze %dma_wait3A_21 : memref<1x192x128xi32, #tpu.memory_space<hbm>> -> memref<192x128xi32, #tpu.memory_space<hbm>>
      %dma_wait3A_23 = arith.constant 0 : i32
      %dma_wait3A_24 = arith.constant 0 : i32
      %dma_wait3A_25 = tpu.memref_slice %arg4[%add3A, %dma_wait3A_23, %dma_wait3A_24] : memref<32x192x128xi32, #tpu.memory_space<hbm>> -> memref<1x192x128xi32, #tpu.memory_space<hbm>>
      %dma_wait3A_26 = tpu.memref_squeeze %dma_wait3A_25 : memref<1x192x128xi32, #tpu.memory_space<hbm>> -> memref<192x128xi32, #tpu.memory_space<hbm>>
      tpu.wait_dma2 semaphore(%run_scoped3A : memref<!tpu.dma_semaphore, #tpu.memory_space<semaphore_mem>>) src(%dma_wait3A_26 : memref<192x128xi32, #tpu.memory_space<hbm>>) dst(%arg8 : memref<192x128xi32, #tpu.memory_space<vmem>>)
      tpu.yield
    }) : () -> ()
    %barrier3A = arith.constant 0 : index
    tpu.barrier barrier_id(%barrier3A)
    %scan3A = arith.constant 0 : i32
    %scan3A_3 = arith.constant 0 : i32
    %scan3A_4 = arith.constant 12 : i32
    %scan3A_5 = arith.addi %scan3A_3, %scan3A_4 : i32
    %scan3A_6 = arith.constant 1 : i32
    scf.for %scan3A_13 = %scan3A_3 to %scan3A_5 step %scan3A_6  : i32 {
      %mul3A_14 = arith.constant 2048 : i32
      %mul3A_15 = arith.muli %scan3A_13, %mul3A_14 : i32
      "tpu.region"() ({
        %run_scoped3A = tpu.sem_alloc : memref<!tpu.dma_semaphore, #tpu.memory_space<semaphore_mem>>
        %dma_start3A = tpu.memref_slice %arg3[%add3A, %mul3A_15] : memref<32x24576xi32, #tpu.memory_space<hbm>> -> memref<1x2048xi32, #tpu.memory_space<hbm>>
        %dma_start3A_22 = tpu.memref_squeeze %dma_start3A : memref<1x2048xi32, #tpu.memory_space<hbm>> -> memref<2048xi32, #tpu.memory_space<hbm>>
        %dma_start3A_23 = tpu.memref_slice %arg3[%add3A, %mul3A_15] : memref<32x24576xi32, #tpu.memory_space<hbm>> -> memref<1x2048xi32, #tpu.memory_space<hbm>>
        %dma_start3A_24 = tpu.memref_squeeze %dma_start3A_23 : memref<1x2048xi32, #tpu.memory_space<hbm>> -> memref<2048xi32, #tpu.memory_space<hbm>>
        tpu.enqueue_dma source(%dma_start3A_24 : memref<2048xi32, #tpu.memory_space<hbm>>) target(%arg7 : memref<2048xi32, #tpu.memory_space<vmem>>) target_semaphore(%run_scoped3A : memref<!tpu.dma_semaphore, #tpu.memory_space<semaphore_mem>>)
        %dma_wait3A = tpu.memref_slice %arg3[%add3A, %mul3A_15] : memref<32x24576xi32, #tpu.memory_space<hbm>> -> memref<1x2048xi32, #tpu.memory_space<hbm>>
        %dma_wait3A_25 = tpu.memref_squeeze %dma_wait3A : memref<1x2048xi32, #tpu.memory_space<hbm>> -> memref<2048xi32, #tpu.memory_space<hbm>>
        %dma_wait3A_26 = tpu.memref_slice %arg3[%add3A, %mul3A_15] : memref<32x24576xi32, #tpu.memory_space<hbm>> -> memref<1x2048xi32, #tpu.memory_space<hbm>>
        %dma_wait3A_27 = tpu.memref_squeeze %dma_wait3A_26 : memref<1x2048xi32, #tpu.memory_space<hbm>> -> memref<2048xi32, #tpu.memory_space<hbm>>
        tpu.wait_dma2 semaphore(%run_scoped3A : memref<!tpu.dma_semaphore, #tpu.memory_space<semaphore_mem>>) src(%dma_wait3A_27 : memref<2048xi32, #tpu.memory_space<hbm>>) dst(%arg7 : memref<2048xi32, #tpu.memory_space<vmem>>)
        tpu.yield
      }) : () -> ()
      %scan3A_16 = arith.constant 0 : i32
      %scan3A_17 = arith.constant 0 : i32
      %scan3A_18 = arith.constant 16 : i32
      %scan3A_19 = arith.addi %scan3A_17, %scan3A_18 : i32
      %scan3A_20 = arith.constant 1 : i32
      scf.for %scan3A_22 = %scan3A_17 to %scan3A_19 step %scan3A_20  : i32 {
        %mul3A_23 = arith.constant 128 : i32
        %mul3A_24 = arith.muli %scan3A_22, %mul3A_23 : i32
        %dma_start3A = tpu.memref_slice %arg7[%mul3A_24] : memref<2048xi32, #tpu.memory_space<vmem>> -> memref<128xi32, #tpu.memory_space<vmem>>
        %dma_start3A_25 = arith.constant 0 : i32
        %dma_start3A_26 = arith.constant 0 : i32
        %dma_start3A_27 = tpu.memref_slice %arg2[%dma_start3A_25, %dma_start3A_26] : memref<10112x128xf32, #tpu.memory_space<hbm>> -> memref<10112x128xf32, #tpu.memory_space<hbm>>
        tpu.enqueue_indirect_dma source(%dma_start3A_27 : memref<10112x128xf32, #tpu.memory_space<hbm>>) target(%arg9 : memref<128x128xf32, #tpu.memory_space<vmem>>) offsets(%dma_start3A : memref<128xi32, #tpu.memory_space<vmem>>) semaphore(%arg11 : memref<!tpu.dma_semaphore, #tpu.memory_space<semaphore_mem>>)
        %dma_wait3A = tpu.memref_slice %arg7[%mul3A_24] : memref<2048xi32, #tpu.memory_space<vmem>> -> memref<128xi32, #tpu.memory_space<vmem>>
        %dma_wait3A_28 = arith.constant 0 : i32
        %dma_wait3A_29 = arith.constant 0 : i32
        %dma_wait3A_30 = tpu.memref_slice %arg2[%dma_wait3A_28, %dma_wait3A_29] : memref<10112x128xf32, #tpu.memory_space<hbm>> -> memref<10112x128xf32, #tpu.memory_space<hbm>>
        tpu.wait_indirect_dma semaphore(%arg11 : memref<!tpu.dma_semaphore, #tpu.memory_space<semaphore_mem>>) src(%dma_wait3A_30 : memref<10112x128xf32, #tpu.memory_space<hbm>>) dst(%arg9 : memref<128x128xf32, #tpu.memory_space<vmem>>)
        %mul3A_31 = arith.constant 16 : i32
        %mul3A_32 = arith.muli %scan3A_13, %mul3A_31 : i32
        %add3A_33 = arith.addi %mul3A_32, %scan3A_22 : i32
        "tpu.region"() ({
          %run_scoped3A = tpu.sem_alloc : memref<!tpu.dma_semaphore, #tpu.memory_space<semaphore_mem>>
          %dma_start3A_34 = arith.constant 0 : i32
          %dma_start3A_35 = tpu.memref_slice %arg8[%add3A_33, %dma_start3A_34] : memref<192x128xi32, #tpu.memory_space<vmem>> -> memref<1x128xi32, #tpu.memory_space<vmem>>
          %dma_start3A_36 = tpu.memref_squeeze %dma_start3A_35 : memref<1x128xi32, #tpu.memory_space<vmem>> -> memref<128xi32, #tpu.memory_space<vmem>>
          %dma_start3A_37 = arith.constant 0 : i32
          %dma_start3A_38 = arith.constant 0 : i32
          %dma_start3A_39 = tpu.memref_slice %arg10[%dma_start3A_37, %dma_start3A_38] : memref<10112x128xf32, #tpu.memory_space<vmem_shared>> -> memref<10112x128xf32, #tpu.memory_space<vmem_shared>>
          tpu.enqueue_indirect_dma source(%arg9 : memref<128x128xf32, #tpu.memory_space<vmem>>) target(%dma_start3A_39 : memref<10112x128xf32, #tpu.memory_space<vmem_shared>>) offsets(%dma_start3A_36 : memref<128xi32, #tpu.memory_space<vmem>>) semaphore(%run_scoped3A : memref<!tpu.dma_semaphore, #tpu.memory_space<semaphore_mem>>) {add = true}
          %dma_wait3A_40 = arith.constant 0 : i32
          %dma_wait3A_41 = tpu.memref_slice %arg8[%add3A_33, %dma_wait3A_40] : memref<192x128xi32, #tpu.memory_space<vmem>> -> memref<1x128xi32, #tpu.memory_space<vmem>>
          %dma_wait3A_42 = tpu.memref_squeeze %dma_wait3A_41 : memref<1x128xi32, #tpu.memory_space<vmem>> -> memref<128xi32, #tpu.memory_space<vmem>>
          %dma_wait3A_43 = arith.constant 0 : i32
          %dma_wait3A_44 = arith.constant 0 : i32
          %dma_wait3A_45 = tpu.memref_slice %arg10[%dma_wait3A_43, %dma_wait3A_44] : memref<10112x128xf32, #tpu.memory_space<vmem_shared>> -> memref<10112x128xf32, #tpu.memory_space<vmem_shared>>
          tpu.wait_indirect_dma semaphore(%run_scoped3A : memref<!tpu.dma_semaphore, #tpu.memory_space<semaphore_mem>>) src(%arg9 : memref<128x128xf32, #tpu.memory_space<vmem>>) dst(%dma_wait3A_45 : memref<10112x128xf32, #tpu.memory_space<vmem_shared>>)
          tpu.yield
        }) : () -> ()
      }
      %scan3A_21 = arith.constant 16 : i32
    }
    %scan3A_7 = arith.constant 12 : i32
    %barrier3A_8 = arith.constant 0 : index
    tpu.barrier barrier_id(%barrier3A_8)
    %mul3A_9 = arith.constant 632 : i32
    %mul3A_10 = arith.muli %arg1, %mul3A_9 : i32
    %mul3A_11 = arith.constant 632 : i32
    %mul3A_12 = arith.muli %arg1, %mul3A_11 : i32
    "tpu.region"() ({
      %run_scoped3A = tpu.sem_alloc : memref<!tpu.dma_semaphore, #tpu.memory_space<semaphore_mem>>
      %dma_start3A = arith.constant 0 : i32
      %dma_start3A_13 = tpu.memref_slice %arg6[%arg0, %mul3A_12, %dma_start3A] : memref<2x10112x128xf32, #tpu.memory_space<hbm>> -> memref<1x632x128xf32, #tpu.memory_space<hbm>>
      %dma_start3A_14 = tpu.memref_squeeze %dma_start3A_13 : memref<1x632x128xf32, #tpu.memory_space<hbm>> -> memref<632x128xf32, #tpu.memory_space<hbm>>
      %dma_start3A_15 = arith.constant 0 : i32
      %dma_start3A_16 = tpu.memref_slice %arg10[%mul3A_10, %dma_start3A_15] : memref<10112x128xf32, #tpu.memory_space<vmem_shared>> -> memref<632x128xf32, #tpu.memory_space<vmem_shared>>
      tpu.enqueue_dma source(%dma_start3A_16 : memref<632x128xf32, #tpu.memory_space<vmem_shared>>) target(%dma_start3A_14 : memref<632x128xf32, #tpu.memory_space<hbm>>) target_semaphore(%run_scoped3A : memref<!tpu.dma_semaphore, #tpu.memory_space<semaphore_mem>>)
      %dma_wait3A = arith.constant 0 : i32
      %dma_wait3A_17 = tpu.memref_slice %arg6[%arg0, %mul3A_12, %dma_wait3A] : memref<2x10112x128xf32, #tpu.memory_space<hbm>> -> memref<1x632x128xf32, #tpu.memory_space<hbm>>
      %dma_wait3A_18 = tpu.memref_squeeze %dma_wait3A_17 : memref<1x632x128xf32, #tpu.memory_space<hbm>> -> memref<632x128xf32, #tpu.memory_space<hbm>>
      %dma_wait3A_19 = arith.constant 0 : i32
      %dma_wait3A_20 = tpu.memref_slice %arg10[%mul3A_10, %dma_wait3A_19] : memref<10112x128xf32, #tpu.memory_space<vmem_shared>> -> memref<632x128xf32, #tpu.memory_space<vmem_shared>>
      tpu.wait_dma2 semaphore(%run_scoped3A : memref<!tpu.dma_semaphore, #tpu.memory_space<semaphore_mem>>) src(%dma_wait3A_20 : memref<632x128xf32, #tpu.memory_space<vmem_shared>>) dst(%dma_wait3A_18 : memref<632x128xf32, #tpu.memory_space<hbm>>)
      tpu.yield
    }) : () -> ()
    return
  }
}

#map = affine_map<(d0, d1) -> (0, 0)>
#map1 = affine_map<(d0, d1) -> (0)>
module attributes {stable_mosaic.version = 14 : i64} {
  func.func @body(%arg0: i32, %arg1: i32, %arg2: memref<10112x128xf32, #tpu.memory_space<hbm>>, %arg3: memref<10112x128xf32, #tpu.memory_space<hbm>>, %arg4: memref<10112x128xf32, #tpu.memory_space<hbm>>, %arg5: memref<79x128xf32, #tpu.memory_space<hbm>>, %arg6: memref<32x256xi32, #tpu.memory_space<hbm>>, %arg7: memref<32x256xi32, #tpu.memory_space<hbm>>, %arg8: memref<8192xf32, #tpu.memory_space<hbm>>, %arg9: memref<8192xf32, #tpu.memory_space<hbm>>, %arg10: memref<8192xf32, #tpu.memory_space<hbm>>, %arg11: memref<8192xf32, #tpu.memory_space<hbm>>, %arg12: memref<8192xf32, #tpu.memory_space<hbm>>, %arg13: memref<8192xf32, #tpu.memory_space<hbm>>, %arg14: memref<8192xf32, #tpu.memory_space<hbm>>, %arg15: memref<8192xf32, #tpu.memory_space<hbm>>, %arg16: memref<256xi32, #tpu.memory_space<vmem>>, %arg17: memref<256xi32, #tpu.memory_space<vmem>>, %arg18: memref<79x128xf32, #tpu.memory_space<vmem>>, %arg19: memref<64x128xf32, #tpu.memory_space<vmem>>, %arg20: memref<64x128xf32, #tpu.memory_space<vmem>>, %arg21: memref<64x128xf32, #tpu.memory_space<vmem>>, %arg22: memref<64x128xf32, #tpu.memory_space<vmem>>, %arg23: memref<64x128xf32, #tpu.memory_space<vmem>>, %arg24: memref<64x128xf32, #tpu.memory_space<vmem>>, %arg25: memref<64xf32, #tpu.memory_space<vmem>>, %arg26: memref<64xf32, #tpu.memory_space<vmem>>, %arg27: memref<64xf32, #tpu.memory_space<vmem>>, %arg28: memref<64xf32, #tpu.memory_space<vmem>>, %arg29: memref<64xf32, #tpu.memory_space<vmem>>, %arg30: memref<64xf32, #tpu.memory_space<vmem>>, %arg31: memref<64xf32, #tpu.memory_space<vmem>>, %arg32: memref<64xf32, #tpu.memory_space<vmem>>, %arg33: memref<!tpu.dma_semaphore, #tpu.memory_space<semaphore_mem>>) attributes {dimension_semantics = [#tpu.dimension_semantics<core_parallel>, #tpu.dimension_semantics<subcore_parallel>], iteration_bounds = array<i64: 2, 16>, scalar_prefetch = 0 : i64, scratch_operands = 18 : i64, tpu.core_type = #tpu.core_type<sc_vector_subcore>, window_params = [{transform_indices = #map}, {transform_indices = #map}, {transform_indices = #map}, {transform_indices = #map}, {transform_indices = #map}, {transform_indices = #map}, {transform_indices = #map1}, {transform_indices = #map1}, {transform_indices = #map1}, {transform_indices = #map1}, {transform_indices = #map1}, {transform_indices = #map1}, {transform_indices = #map1}, {transform_indices = #map1}]} {
    %mul3A = arith.constant 2 : i32
    %mul3A_0 = arith.muli %arg1, %mul3A : i32
    %add3A = arith.addi %mul3A_0, %arg0 : i32
    "tpu.region"() ({
      %run_scoped3A = tpu.sem_alloc : memref<!tpu.dma_semaphore, #tpu.memory_space<semaphore_mem>>
      %dma_start3A = arith.constant 0 : i32
      %dma_start3A_6 = tpu.memref_slice %arg6[%add3A, %dma_start3A] : memref<32x256xi32, #tpu.memory_space<hbm>> -> memref<1x256xi32, #tpu.memory_space<hbm>>
      %dma_start3A_7 = tpu.memref_squeeze %dma_start3A_6 : memref<1x256xi32, #tpu.memory_space<hbm>> -> memref<256xi32, #tpu.memory_space<hbm>>
      %dma_start3A_8 = arith.constant 0 : i32
      %dma_start3A_9 = tpu.memref_slice %arg6[%add3A, %dma_start3A_8] : memref<32x256xi32, #tpu.memory_space<hbm>> -> memref<1x256xi32, #tpu.memory_space<hbm>>
      %dma_start3A_10 = tpu.memref_squeeze %dma_start3A_9 : memref<1x256xi32, #tpu.memory_space<hbm>> -> memref<256xi32, #tpu.memory_space<hbm>>
      tpu.enqueue_dma source(%dma_start3A_10 : memref<256xi32, #tpu.memory_space<hbm>>) target(%arg16 : memref<256xi32, #tpu.memory_space<vmem>>) target_semaphore(%run_scoped3A : memref<!tpu.dma_semaphore, #tpu.memory_space<semaphore_mem>>)
      %dma_wait3A = arith.constant 0 : i32
      %dma_wait3A_11 = tpu.memref_slice %arg6[%add3A, %dma_wait3A] : memref<32x256xi32, #tpu.memory_space<hbm>> -> memref<1x256xi32, #tpu.memory_space<hbm>>
      %dma_wait3A_12 = tpu.memref_squeeze %dma_wait3A_11 : memref<1x256xi32, #tpu.memory_space<hbm>> -> memref<256xi32, #tpu.memory_space<hbm>>
      %dma_wait3A_13 = arith.constant 0 : i32
      %dma_wait3A_14 = tpu.memref_slice %arg6[%add3A, %dma_wait3A_13] : memref<32x256xi32, #tpu.memory_space<hbm>> -> memref<1x256xi32, #tpu.memory_space<hbm>>
      %dma_wait3A_15 = tpu.memref_squeeze %dma_wait3A_14 : memref<1x256xi32, #tpu.memory_space<hbm>> -> memref<256xi32, #tpu.memory_space<hbm>>
      tpu.wait_dma2 semaphore(%run_scoped3A : memref<!tpu.dma_semaphore, #tpu.memory_space<semaphore_mem>>) src(%dma_wait3A_15 : memref<256xi32, #tpu.memory_space<hbm>>) dst(%arg16 : memref<256xi32, #tpu.memory_space<vmem>>)
      tpu.yield
    }) : () -> ()
    "tpu.region"() ({
      %run_scoped3A = tpu.sem_alloc : memref<!tpu.dma_semaphore, #tpu.memory_space<semaphore_mem>>
      %dma_start3A = arith.constant 0 : i32
      %dma_start3A_6 = tpu.memref_slice %arg7[%add3A, %dma_start3A] : memref<32x256xi32, #tpu.memory_space<hbm>> -> memref<1x256xi32, #tpu.memory_space<hbm>>
      %dma_start3A_7 = tpu.memref_squeeze %dma_start3A_6 : memref<1x256xi32, #tpu.memory_space<hbm>> -> memref<256xi32, #tpu.memory_space<hbm>>
      %dma_start3A_8 = arith.constant 0 : i32
      %dma_start3A_9 = tpu.memref_slice %arg7[%add3A, %dma_start3A_8] : memref<32x256xi32, #tpu.memory_space<hbm>> -> memref<1x256xi32, #tpu.memory_space<hbm>>
      %dma_start3A_10 = tpu.memref_squeeze %dma_start3A_9 : memref<1x256xi32, #tpu.memory_space<hbm>> -> memref<256xi32, #tpu.memory_space<hbm>>
      tpu.enqueue_dma source(%dma_start3A_10 : memref<256xi32, #tpu.memory_space<hbm>>) target(%arg17 : memref<256xi32, #tpu.memory_space<vmem>>) target_semaphore(%run_scoped3A : memref<!tpu.dma_semaphore, #tpu.memory_space<semaphore_mem>>)
      %dma_wait3A = arith.constant 0 : i32
      %dma_wait3A_11 = tpu.memref_slice %arg7[%add3A, %dma_wait3A] : memref<32x256xi32, #tpu.memory_space<hbm>> -> memref<1x256xi32, #tpu.memory_space<hbm>>
      %dma_wait3A_12 = tpu.memref_squeeze %dma_wait3A_11 : memref<1x256xi32, #tpu.memory_space<hbm>> -> memref<256xi32, #tpu.memory_space<hbm>>
      %dma_wait3A_13 = arith.constant 0 : i32
      %dma_wait3A_14 = tpu.memref_slice %arg7[%add3A, %dma_wait3A_13] : memref<32x256xi32, #tpu.memory_space<hbm>> -> memref<1x256xi32, #tpu.memory_space<hbm>>
      %dma_wait3A_15 = tpu.memref_squeeze %dma_wait3A_14 : memref<1x256xi32, #tpu.memory_space<hbm>> -> memref<256xi32, #tpu.memory_space<hbm>>
      tpu.wait_dma2 semaphore(%run_scoped3A : memref<!tpu.dma_semaphore, #tpu.memory_space<semaphore_mem>>) src(%dma_wait3A_15 : memref<256xi32, #tpu.memory_space<hbm>>) dst(%arg17 : memref<256xi32, #tpu.memory_space<vmem>>)
      tpu.yield
    }) : () -> ()
    "tpu.region"() ({
      %run_scoped3A = tpu.sem_alloc : memref<!tpu.dma_semaphore, #tpu.memory_space<semaphore_mem>>
      tpu.enqueue_dma source(%arg5 : memref<79x128xf32, #tpu.memory_space<hbm>>) target(%arg18 : memref<79x128xf32, #tpu.memory_space<vmem>>) target_semaphore(%run_scoped3A : memref<!tpu.dma_semaphore, #tpu.memory_space<semaphore_mem>>)
      tpu.wait_dma2 semaphore(%run_scoped3A : memref<!tpu.dma_semaphore, #tpu.memory_space<semaphore_mem>>) src(%arg5 : memref<79x128xf32, #tpu.memory_space<hbm>>) dst(%arg18 : memref<79x128xf32, #tpu.memory_space<vmem>>)
      tpu.yield
    }) : () -> ()
    %scan3A = arith.constant 0 : i32
    %scan3A_1 = arith.constant 0 : i32
    %scan3A_2 = arith.constant 4 : i32
    %scan3A_3 = arith.addi %scan3A_1, %scan3A_2 : i32
    %scan3A_4 = arith.constant 1 : i32
    scf.for %scan3A_6 = %scan3A_1 to %scan3A_3 step %scan3A_4  : i32 {
      %mul3A_7 = arith.constant 64 : i32
      %mul3A_8 = arith.muli %scan3A_6, %mul3A_7 : i32
      %dma_start3A = tpu.memref_slice %arg16[%mul3A_8] : memref<256xi32, #tpu.memory_space<vmem>> -> memref<64xi32, #tpu.memory_space<vmem>>
      %dma_start3A_9 = arith.constant 0 : i32
      %dma_start3A_10 = arith.constant 0 : i32
      %dma_start3A_11 = tpu.memref_slice %arg2[%dma_start3A_9, %dma_start3A_10] : memref<10112x128xf32, #tpu.memory_space<hbm>> -> memref<10112x128xf32, #tpu.memory_space<hbm>>
      tpu.enqueue_indirect_dma source(%dma_start3A_11 : memref<10112x128xf32, #tpu.memory_space<hbm>>) target(%arg19 : memref<64x128xf32, #tpu.memory_space<vmem>>) offsets(%dma_start3A : memref<64xi32, #tpu.memory_space<vmem>>) semaphore(%arg33 : memref<!tpu.dma_semaphore, #tpu.memory_space<semaphore_mem>>)
      %dma_wait3A = tpu.memref_slice %arg16[%mul3A_8] : memref<256xi32, #tpu.memory_space<vmem>> -> memref<64xi32, #tpu.memory_space<vmem>>
      %dma_wait3A_12 = arith.constant 0 : i32
      %dma_wait3A_13 = arith.constant 0 : i32
      %dma_wait3A_14 = tpu.memref_slice %arg2[%dma_wait3A_12, %dma_wait3A_13] : memref<10112x128xf32, #tpu.memory_space<hbm>> -> memref<10112x128xf32, #tpu.memory_space<hbm>>
      tpu.wait_indirect_dma semaphore(%arg33 : memref<!tpu.dma_semaphore, #tpu.memory_space<semaphore_mem>>) src(%dma_wait3A_14 : memref<10112x128xf32, #tpu.memory_space<hbm>>) dst(%arg19 : memref<64x128xf32, #tpu.memory_space<vmem>>)
      %dma_start3A_15 = tpu.memref_slice %arg17[%mul3A_8] : memref<256xi32, #tpu.memory_space<vmem>> -> memref<64xi32, #tpu.memory_space<vmem>>
      %dma_start3A_16 = arith.constant 0 : i32
      %dma_start3A_17 = arith.constant 0 : i32
      %dma_start3A_18 = tpu.memref_slice %arg2[%dma_start3A_16, %dma_start3A_17] : memref<10112x128xf32, #tpu.memory_space<hbm>> -> memref<10112x128xf32, #tpu.memory_space<hbm>>
      tpu.enqueue_indirect_dma source(%dma_start3A_18 : memref<10112x128xf32, #tpu.memory_space<hbm>>) target(%arg20 : memref<64x128xf32, #tpu.memory_space<vmem>>) offsets(%dma_start3A_15 : memref<64xi32, #tpu.memory_space<vmem>>) semaphore(%arg33 : memref<!tpu.dma_semaphore, #tpu.memory_space<semaphore_mem>>)
      %dma_wait3A_19 = tpu.memref_slice %arg17[%mul3A_8] : memref<256xi32, #tpu.memory_space<vmem>> -> memref<64xi32, #tpu.memory_space<vmem>>
      %dma_wait3A_20 = arith.constant 0 : i32
      %dma_wait3A_21 = arith.constant 0 : i32
      %dma_wait3A_22 = tpu.memref_slice %arg2[%dma_wait3A_20, %dma_wait3A_21] : memref<10112x128xf32, #tpu.memory_space<hbm>> -> memref<10112x128xf32, #tpu.memory_space<hbm>>
      tpu.wait_indirect_dma semaphore(%arg33 : memref<!tpu.dma_semaphore, #tpu.memory_space<semaphore_mem>>) src(%dma_wait3A_22 : memref<10112x128xf32, #tpu.memory_space<hbm>>) dst(%arg20 : memref<64x128xf32, #tpu.memory_space<vmem>>)
      %dma_start3A_23 = tpu.memref_slice %arg16[%mul3A_8] : memref<256xi32, #tpu.memory_space<vmem>> -> memref<64xi32, #tpu.memory_space<vmem>>
      %dma_start3A_24 = arith.constant 0 : i32
      %dma_start3A_25 = arith.constant 0 : i32
      %dma_start3A_26 = tpu.memref_slice %arg3[%dma_start3A_24, %dma_start3A_25] : memref<10112x128xf32, #tpu.memory_space<hbm>> -> memref<10112x128xf32, #tpu.memory_space<hbm>>
      tpu.enqueue_indirect_dma source(%dma_start3A_26 : memref<10112x128xf32, #tpu.memory_space<hbm>>) target(%arg21 : memref<64x128xf32, #tpu.memory_space<vmem>>) offsets(%dma_start3A_23 : memref<64xi32, #tpu.memory_space<vmem>>) semaphore(%arg33 : memref<!tpu.dma_semaphore, #tpu.memory_space<semaphore_mem>>)
      %dma_wait3A_27 = tpu.memref_slice %arg16[%mul3A_8] : memref<256xi32, #tpu.memory_space<vmem>> -> memref<64xi32, #tpu.memory_space<vmem>>
      %dma_wait3A_28 = arith.constant 0 : i32
      %dma_wait3A_29 = arith.constant 0 : i32
      %dma_wait3A_30 = tpu.memref_slice %arg3[%dma_wait3A_28, %dma_wait3A_29] : memref<10112x128xf32, #tpu.memory_space<hbm>> -> memref<10112x128xf32, #tpu.memory_space<hbm>>
      tpu.wait_indirect_dma semaphore(%arg33 : memref<!tpu.dma_semaphore, #tpu.memory_space<semaphore_mem>>) src(%dma_wait3A_30 : memref<10112x128xf32, #tpu.memory_space<hbm>>) dst(%arg21 : memref<64x128xf32, #tpu.memory_space<vmem>>)
      %dma_start3A_31 = tpu.memref_slice %arg17[%mul3A_8] : memref<256xi32, #tpu.memory_space<vmem>> -> memref<64xi32, #tpu.memory_space<vmem>>
      %dma_start3A_32 = arith.constant 0 : i32
      %dma_start3A_33 = arith.constant 0 : i32
      %dma_start3A_34 = tpu.memref_slice %arg3[%dma_start3A_32, %dma_start3A_33] : memref<10112x128xf32, #tpu.memory_space<hbm>> -> memref<10112x128xf32, #tpu.memory_space<hbm>>
      tpu.enqueue_indirect_dma source(%dma_start3A_34 : memref<10112x128xf32, #tpu.memory_space<hbm>>) target(%arg22 : memref<64x128xf32, #tpu.memory_space<vmem>>) offsets(%dma_start3A_31 : memref<64xi32, #tpu.memory_space<vmem>>) semaphore(%arg33 : memref<!tpu.dma_semaphore, #tpu.memory_space<semaphore_mem>>)
      %dma_wait3A_35 = tpu.memref_slice %arg17[%mul3A_8] : memref<256xi32, #tpu.memory_space<vmem>> -> memref<64xi32, #tpu.memory_space<vmem>>
      %dma_wait3A_36 = arith.constant 0 : i32
      %dma_wait3A_37 = arith.constant 0 : i32
      %dma_wait3A_38 = tpu.memref_slice %arg3[%dma_wait3A_36, %dma_wait3A_37] : memref<10112x128xf32, #tpu.memory_space<hbm>> -> memref<10112x128xf32, #tpu.memory_space<hbm>>
      tpu.wait_indirect_dma semaphore(%arg33 : memref<!tpu.dma_semaphore, #tpu.memory_space<semaphore_mem>>) src(%dma_wait3A_38 : memref<10112x128xf32, #tpu.memory_space<hbm>>) dst(%arg22 : memref<64x128xf32, #tpu.memory_space<vmem>>)
      %dma_start3A_39 = tpu.memref_slice %arg16[%mul3A_8] : memref<256xi32, #tpu.memory_space<vmem>> -> memref<64xi32, #tpu.memory_space<vmem>>
      %dma_start3A_40 = arith.constant 0 : i32
      %dma_start3A_41 = arith.constant 0 : i32
      %dma_start3A_42 = tpu.memref_slice %arg4[%dma_start3A_40, %dma_start3A_41] : memref<10112x128xf32, #tpu.memory_space<hbm>> -> memref<10112x128xf32, #tpu.memory_space<hbm>>
      tpu.enqueue_indirect_dma source(%dma_start3A_42 : memref<10112x128xf32, #tpu.memory_space<hbm>>) target(%arg23 : memref<64x128xf32, #tpu.memory_space<vmem>>) offsets(%dma_start3A_39 : memref<64xi32, #tpu.memory_space<vmem>>) semaphore(%arg33 : memref<!tpu.dma_semaphore, #tpu.memory_space<semaphore_mem>>)
      %dma_wait3A_43 = tpu.memref_slice %arg16[%mul3A_8] : memref<256xi32, #tpu.memory_space<vmem>> -> memref<64xi32, #tpu.memory_space<vmem>>
      %dma_wait3A_44 = arith.constant 0 : i32
      %dma_wait3A_45 = arith.constant 0 : i32
      %dma_wait3A_46 = tpu.memref_slice %arg4[%dma_wait3A_44, %dma_wait3A_45] : memref<10112x128xf32, #tpu.memory_space<hbm>> -> memref<10112x128xf32, #tpu.memory_space<hbm>>
      tpu.wait_indirect_dma semaphore(%arg33 : memref<!tpu.dma_semaphore, #tpu.memory_space<semaphore_mem>>) src(%dma_wait3A_46 : memref<10112x128xf32, #tpu.memory_space<hbm>>) dst(%arg23 : memref<64x128xf32, #tpu.memory_space<vmem>>)
      %dma_start3A_47 = tpu.memref_slice %arg17[%mul3A_8] : memref<256xi32, #tpu.memory_space<vmem>> -> memref<64xi32, #tpu.memory_space<vmem>>
      %dma_start3A_48 = arith.constant 0 : i32
      %dma_start3A_49 = arith.constant 0 : i32
      %dma_start3A_50 = tpu.memref_slice %arg4[%dma_start3A_48, %dma_start3A_49] : memref<10112x128xf32, #tpu.memory_space<hbm>> -> memref<10112x128xf32, #tpu.memory_space<hbm>>
      tpu.enqueue_indirect_dma source(%dma_start3A_50 : memref<10112x128xf32, #tpu.memory_space<hbm>>) target(%arg24 : memref<64x128xf32, #tpu.memory_space<vmem>>) offsets(%dma_start3A_47 : memref<64xi32, #tpu.memory_space<vmem>>) semaphore(%arg33 : memref<!tpu.dma_semaphore, #tpu.memory_space<semaphore_mem>>)
      %dma_wait3A_51 = tpu.memref_slice %arg17[%mul3A_8] : memref<256xi32, #tpu.memory_space<vmem>> -> memref<64xi32, #tpu.memory_space<vmem>>
      %dma_wait3A_52 = arith.constant 0 : i32
      %dma_wait3A_53 = arith.constant 0 : i32
      %dma_wait3A_54 = tpu.memref_slice %arg4[%dma_wait3A_52, %dma_wait3A_53] : memref<10112x128xf32, #tpu.memory_space<hbm>> -> memref<10112x128xf32, #tpu.memory_space<hbm>>
      tpu.wait_indirect_dma semaphore(%arg33 : memref<!tpu.dma_semaphore, #tpu.memory_space<semaphore_mem>>) src(%dma_wait3A_54 : memref<10112x128xf32, #tpu.memory_space<hbm>>) dst(%arg24 : memref<64x128xf32, #tpu.memory_space<vmem>>)
      %scan3A_55 = arith.constant 0 : i32
      %scan3A_56 = arith.constant 0 : i32
      %scan3A_57 = arith.constant 4 : i32
      %scan3A_58 = arith.addi %scan3A_56, %scan3A_57 : i32
      %scan3A_59 = arith.constant 1 : i32
      scf.for %scan3A_66 = %scan3A_56 to %scan3A_58 step %scan3A_59  : i32 {
        %iota3A = tpu.iota {dimensions = array<i32: 0>} : vector<16xi32>
        %mul3A_67 = arith.constant 16 : i32
        %mul3A_68 = arith.muli %scan3A_66, %mul3A_67 : i32
        %add3A_69 = vector.broadcast %mul3A_68 : i32 to vector<16xi32>
        %add3A_70 = arith.addi %iota3A, %add3A_69 : vector<16xi32>
        %mul3A_71 = arith.constant 64 : i32
        %mul3A_72 = arith.muli %scan3A_6, %mul3A_71 : i32
        %mul3A_73 = arith.constant 16 : i32
        %mul3A_74 = arith.muli %scan3A_66, %mul3A_73 : i32
        %add3A_75 = arith.addi %mul3A_72, %mul3A_74 : i32
        %get3A = arith.index_cast %add3A_75 : i32 to index
        %get3A_76 = tpu.vector_load %arg16[%get3A] {strides = array<i32>} : memref<256xi32, #tpu.memory_space<vmem>>, vector<16xi32>,
        %mul3A_77 = arith.constant 64 : i32
        %mul3A_78 = arith.muli %scan3A_6, %mul3A_77 : i32
        %mul3A_79 = arith.constant 16 : i32
        %mul3A_80 = arith.muli %scan3A_66, %mul3A_79 : i32
        %add3A_81 = arith.addi %mul3A_78, %mul3A_80 : i32
        %get3A_82 = arith.index_cast %add3A_81 : i32 to index
        %get3A_83 = tpu.vector_load %arg17[%get3A_82] {strides = array<i32>} : memref<256xi32, #tpu.memory_space<vmem>>, vector<16xi32>,
        %shift_right_arithmetic3A = arith.constant 7 : i32
        %shift_right_arithmetic3A_84 = vector.broadcast %shift_right_arithmetic3A : i32 to vector<16xi32>
        %shift_right_arithmetic3A_85 = arith.shrsi %get3A_76, %shift_right_arithmetic3A_84 : vector<16xi32>
        %and3A = arith.constant 127 : i32
        %and3A_86 = vector.broadcast %and3A : i32 to vector<16xi32>
        %and3A_87 = arith.andi %get3A_76, %and3A_86 : vector<16xi32>
        %gather3A = tpu.vector_load_idx %arg18[%shift_right_arithmetic3A_85, %and3A_87] : memref<79x128xf32, #tpu.memory_space<vmem>>[vector<16xi32>, vector<16xi32>], vector<16xf32>,
        %shift_right_arithmetic3A_88 = arith.constant 7 : i32
        %shift_right_arithmetic3A_89 = vector.broadcast %shift_right_arithmetic3A_88 : i32 to vector<16xi32>
        %shift_right_arithmetic3A_90 = arith.shrsi %get3A_83, %shift_right_arithmetic3A_89 : vector<16xi32>
        %and3A_91 = arith.constant 127 : i32
        %and3A_92 = vector.broadcast %and3A_91 : i32 to vector<16xi32>
        %and3A_93 = arith.andi %get3A_83, %and3A_92 : vector<16xi32>
        %gather3A_94 = tpu.vector_load_idx %arg18[%shift_right_arithmetic3A_90, %and3A_93] : memref<79x128xf32, #tpu.memory_space<vmem>>[vector<16xi32>, vector<16xi32>], vector<16xf32>,
        %broadcast_in_dim3A = arith.constant 0.000000e+00 : f32
        %broadcast_in_dim3A_95 = vector.broadcast %broadcast_in_dim3A : f32 to vector<16xf32>
        %scan3A_96 = arith.constant 0 : i32
        %scan3A_97 = arith.constant 128 : i32
        %scan3A_98 = arith.addi %scan3A_96, %scan3A_97 : i32
        %scan3A_99 = arith.constant 1 : i32
        %scan3A_100:6 = scf.for %scan3A_119 = %scan3A_96 to %scan3A_98 step %scan3A_99 iter_args(%scan3A_120 = %broadcast_in_dim3A_95, %scan3A_121 = %broadcast_in_dim3A_95, %scan3A_122 = %broadcast_in_dim3A_95, %scan3A_123 = %broadcast_in_dim3A_95, %scan3A_124 = %broadcast_in_dim3A_95, %scan3A_125 = %broadcast_in_dim3A_95) -> (vector<16xf32>, vector<16xf32>, vector<16xf32>, vector<16xf32>, vector<16xf32>, vector<16xf32>)  : i32 {
          %broadcast_in_dim3A_126 = arith.constant 0 : i32
          %broadcast_in_dim3A_127 = vector.broadcast %broadcast_in_dim3A_126 : i32 to vector<16xi32>
          %add3A_128 = vector.broadcast %scan3A_119 : i32 to vector<16xi32>
          %add3A_129 = arith.addi %broadcast_in_dim3A_127, %add3A_128 : vector<16xi32>
          %gather3A_130 = tpu.vector_load_idx %arg19[%add3A_70, %add3A_129] : memref<64x128xf32, #tpu.memory_space<vmem>>[vector<16xi32>, vector<16xi32>], vector<16xf32>,
          %gather3A_131 = tpu.vector_load_idx %arg20[%add3A_70, %add3A_129] : memref<64x128xf32, #tpu.memory_space<vmem>>[vector<16xi32>, vector<16xi32>], vector<16xf32>,
          %gather3A_132 = tpu.vector_load_idx %arg21[%add3A_70, %add3A_129] : memref<64x128xf32, #tpu.memory_space<vmem>>[vector<16xi32>, vector<16xi32>], vector<16xf32>,
          %gather3A_133 = tpu.vector_load_idx %arg22[%add3A_70, %add3A_129] : memref<64x128xf32, #tpu.memory_space<vmem>>[vector<16xi32>, vector<16xi32>], vector<16xf32>,
          %gather3A_134 = tpu.vector_load_idx %arg23[%add3A_70, %add3A_129] : memref<64x128xf32, #tpu.memory_space<vmem>>[vector<16xi32>, vector<16xi32>], vector<16xf32>,
          %mul3A_135 = arith.mulf %gather3A, %gather3A_134 : vector<16xf32>
          %sub3A = arith.subf %gather3A_132, %mul3A_135 : vector<16xf32>
          %gather3A_136 = tpu.vector_load_idx %arg24[%add3A_70, %add3A_129] : memref<64x128xf32, #tpu.memory_space<vmem>>[vector<16xi32>, vector<16xi32>], vector<16xf32>,
          %mul3A_137 = arith.mulf %gather3A_94, %gather3A_136 : vector<16xf32>
          %sub3A_138 = arith.subf %gather3A_133, %mul3A_137 : vector<16xf32>
          %mul3A_139 = arith.mulf %gather3A_130, %gather3A_131 : vector<16xf32>
          %add3A_140 = arith.addf %scan3A_120, %mul3A_139 : vector<16xf32>
          %mul3A_141 = arith.mulf %gather3A_130, %gather3A_133 : vector<16xf32>
          %add3A_142 = arith.addf %scan3A_121, %mul3A_141 : vector<16xf32>
          %mul3A_143 = arith.mulf %gather3A_132, %gather3A_131 : vector<16xf32>
          %add3A_144 = arith.addf %scan3A_122, %mul3A_143 : vector<16xf32>
          %mul3A_145 = arith.mulf %sub3A, %sub3A_138 : vector<16xf32>
          %add3A_146 = arith.addf %scan3A_123, %mul3A_145 : vector<16xf32>
          %mul3A_147 = arith.mulf %gather3A_130, %gather3A_132 : vector<16xf32>
          %add3A_148 = arith.addf %scan3A_124, %mul3A_147 : vector<16xf32>
          %mul3A_149 = arith.mulf %gather3A_131, %gather3A_133 : vector<16xf32>
          %add3A_150 = arith.addf %scan3A_125, %mul3A_149 : vector<16xf32>
          scf.yield %add3A_140, %add3A_142, %add3A_144, %add3A_146, %add3A_148, %add3A_150 : vector<16xf32>, vector<16xf32>, vector<16xf32>, vector<16xf32>, vector<16xf32>, vector<16xf32>
        }
        %scan3A_101 = arith.constant 128 : i32
        %mul3A_102 = arith.constant 16 : i32
        %mul3A_103 = arith.muli %scan3A_66, %mul3A_102 : i32
        %swap3A = arith.index_cast %mul3A_103 : i32 to index
        %swap3A_104 = tpu.vector_load %arg25[%swap3A] {strides = array<i32>} : memref<64xf32, #tpu.memory_space<vmem>>, vector<16xf32>,
        tpu.vector_store %arg25[%swap3A], %scan3A_100#0 {strides = array<i32>} : memref<64xf32, #tpu.memory_space<vmem>>, vector<16xf32>,
        %swap3A_105 = arith.index_cast %mul3A_103 : i32 to index
        %swap3A_106 = tpu.vector_load %arg26[%swap3A_105] {strides = array<i32>} : memref<64xf32, #tpu.memory_space<vmem>>, vector<16xf32>,
        tpu.vector_store %arg26[%swap3A_105], %scan3A_100#1 {strides = array<i32>} : memref<64xf32, #tpu.memory_space<vmem>>, vector<16xf32>,
        %swap3A_107 = arith.index_cast %mul3A_103 : i32 to index
        %swap3A_108 = tpu.vector_load %arg27[%swap3A_107] {strides = array<i32>} : memref<64xf32, #tpu.memory_space<vmem>>, vector<16xf32>,
        tpu.vector_store %arg27[%swap3A_107], %scan3A_100#2 {strides = array<i32>} : memref<64xf32, #tpu.memory_space<vmem>>, vector<16xf32>,
        %swap3A_109 = arith.index_cast %mul3A_103 : i32 to index
        %swap3A_110 = tpu.vector_load %arg28[%swap3A_109] {strides = array<i32>} : memref<64xf32, #tpu.memory_space<vmem>>, vector<16xf32>,
        tpu.vector_store %arg28[%swap3A_109], %scan3A_100#3 {strides = array<i32>} : memref<64xf32, #tpu.memory_space<vmem>>, vector<16xf32>,
        %swap3A_111 = arith.index_cast %mul3A_103 : i32 to index
        %swap3A_112 = tpu.vector_load %arg29[%swap3A_111] {strides = array<i32>} : memref<64xf32, #tpu.memory_space<vmem>>, vector<16xf32>,
        tpu.vector_store %arg29[%swap3A_111], %scan3A_100#4 {strides = array<i32>} : memref<64xf32, #tpu.memory_space<vmem>>, vector<16xf32>,
        %swap3A_113 = arith.index_cast %mul3A_103 : i32 to index
        %swap3A_114 = tpu.vector_load %arg30[%swap3A_113] {strides = array<i32>} : memref<64xf32, #tpu.memory_space<vmem>>, vector<16xf32>,
        tpu.vector_store %arg30[%swap3A_113], %scan3A_100#5 {strides = array<i32>} : memref<64xf32, #tpu.memory_space<vmem>>, vector<16xf32>,
        %swap3A_115 = arith.index_cast %mul3A_103 : i32 to index
        %swap3A_116 = tpu.vector_load %arg31[%swap3A_115] {strides = array<i32>} : memref<64xf32, #tpu.memory_space<vmem>>, vector<16xf32>,
        tpu.vector_store %arg31[%swap3A_115], %gather3A {strides = array<i32>} : memref<64xf32, #tpu.memory_space<vmem>>, vector<16xf32>,
        %swap3A_117 = arith.index_cast %mul3A_103 : i32 to index
        %swap3A_118 = tpu.vector_load %arg32[%swap3A_117] {strides = array<i32>} : memref<64xf32, #tpu.memory_space<vmem>>, vector<16xf32>,
        tpu.vector_store %arg32[%swap3A_117], %gather3A_94 {strides = array<i32>} : memref<64xf32, #tpu.memory_space<vmem>>, vector<16xf32>,
      }
      %scan3A_60 = arith.constant 4 : i32
      %mul3A_61 = arith.constant 256 : i32
      %mul3A_62 = arith.muli %add3A, %mul3A_61 : i32
      %mul3A_63 = arith.constant 64 : i32
      %mul3A_64 = arith.muli %scan3A_6, %mul3A_63 : i32
      %add3A_65 = arith.addi %mul3A_62, %mul3A_64 : i32
      "tpu.region"() ({
        %run_scoped3A = tpu.sem_alloc : memref<!tpu.dma_semaphore, #tpu.memory_space<semaphore_mem>>
        %dma_start3A_66 = tpu.memref_slice %arg8[%add3A_65] : memref<8192xf32, #tpu.memory_space<hbm>> -> memref<64xf32, #tpu.memory_space<hbm>>
        %dma_start3A_67 = tpu.memref_slice %arg8[%add3A_65] : memref<8192xf32, #tpu.memory_space<hbm>> -> memref<64xf32, #tpu.memory_space<hbm>>
        tpu.enqueue_dma source(%arg25 : memref<64xf32, #tpu.memory_space<vmem>>) target(%dma_start3A_67 : memref<64xf32, #tpu.memory_space<hbm>>) target_semaphore(%run_scoped3A : memref<!tpu.dma_semaphore, #tpu.memory_space<semaphore_mem>>)
        %dma_wait3A_68 = tpu.memref_slice %arg8[%add3A_65] : memref<8192xf32, #tpu.memory_space<hbm>> -> memref<64xf32, #tpu.memory_space<hbm>>
        %dma_wait3A_69 = tpu.memref_slice %arg8[%add3A_65] : memref<8192xf32, #tpu.memory_space<hbm>> -> memref<64xf32, #tpu.memory_space<hbm>>
        tpu.wait_dma2 semaphore(%run_scoped3A : memref<!tpu.dma_semaphore, #tpu.memory_space<semaphore_mem>>) src(%arg25 : memref<64xf32, #tpu.memory_space<vmem>>) dst(%dma_wait3A_69 : memref<64xf32, #tpu.memory_space<hbm>>)
        tpu.yield
      }) : () -> ()
      "tpu.region"() ({
        %run_scoped3A = tpu.sem_alloc : memref<!tpu.dma_semaphore, #tpu.memory_space<semaphore_mem>>
        %dma_start3A_66 = tpu.memref_slice %arg9[%add3A_65] : memref<8192xf32, #tpu.memory_space<hbm>> -> memref<64xf32, #tpu.memory_space<hbm>>
        %dma_start3A_67 = tpu.memref_slice %arg9[%add3A_65] : memref<8192xf32, #tpu.memory_space<hbm>> -> memref<64xf32, #tpu.memory_space<hbm>>
        tpu.enqueue_dma source(%arg26 : memref<64xf32, #tpu.memory_space<vmem>>) target(%dma_start3A_67 : memref<64xf32, #tpu.memory_space<hbm>>) target_semaphore(%run_scoped3A : memref<!tpu.dma_semaphore, #tpu.memory_space<semaphore_mem>>)
        %dma_wait3A_68 = tpu.memref_slice %arg9[%add3A_65] : memref<8192xf32, #tpu.memory_space<hbm>> -> memref<64xf32, #tpu.memory_space<hbm>>
        %dma_wait3A_69 = tpu.memref_slice %arg9[%add3A_65] : memref<8192xf32, #tpu.memory_space<hbm>> -> memref<64xf32, #tpu.memory_space<hbm>>
        tpu.wait_dma2 semaphore(%run_scoped3A : memref<!tpu.dma_semaphore, #tpu.memory_space<semaphore_mem>>) src(%arg26 : memref<64xf32, #tpu.memory_space<vmem>>) dst(%dma_wait3A_69 : memref<64xf32, #tpu.memory_space<hbm>>)
        tpu.yield
      }) : () -> ()
      "tpu.region"() ({
        %run_scoped3A = tpu.sem_alloc : memref<!tpu.dma_semaphore, #tpu.memory_space<semaphore_mem>>
        %dma_start3A_66 = tpu.memref_slice %arg10[%add3A_65] : memref<8192xf32, #tpu.memory_space<hbm>> -> memref<64xf32, #tpu.memory_space<hbm>>
        %dma_start3A_67 = tpu.memref_slice %arg10[%add3A_65] : memref<8192xf32, #tpu.memory_space<hbm>> -> memref<64xf32, #tpu.memory_space<hbm>>
        tpu.enqueue_dma source(%arg27 : memref<64xf32, #tpu.memory_space<vmem>>) target(%dma_start3A_67 : memref<64xf32, #tpu.memory_space<hbm>>) target_semaphore(%run_scoped3A : memref<!tpu.dma_semaphore, #tpu.memory_space<semaphore_mem>>)
        %dma_wait3A_68 = tpu.memref_slice %arg10[%add3A_65] : memref<8192xf32, #tpu.memory_space<hbm>> -> memref<64xf32, #tpu.memory_space<hbm>>
        %dma_wait3A_69 = tpu.memref_slice %arg10[%add3A_65] : memref<8192xf32, #tpu.memory_space<hbm>> -> memref<64xf32, #tpu.memory_space<hbm>>
        tpu.wait_dma2 semaphore(%run_scoped3A : memref<!tpu.dma_semaphore, #tpu.memory_space<semaphore_mem>>) src(%arg27 : memref<64xf32, #tpu.memory_space<vmem>>) dst(%dma_wait3A_69 : memref<64xf32, #tpu.memory_space<hbm>>)
        tpu.yield
      }) : () -> ()
      "tpu.region"() ({
        %run_scoped3A = tpu.sem_alloc : memref<!tpu.dma_semaphore, #tpu.memory_space<semaphore_mem>>
        %dma_start3A_66 = tpu.memref_slice %arg11[%add3A_65] : memref<8192xf32, #tpu.memory_space<hbm>> -> memref<64xf32, #tpu.memory_space<hbm>>
        %dma_start3A_67 = tpu.memref_slice %arg11[%add3A_65] : memref<8192xf32, #tpu.memory_space<hbm>> -> memref<64xf32, #tpu.memory_space<hbm>>
        tpu.enqueue_dma source(%arg28 : memref<64xf32, #tpu.memory_space<vmem>>) target(%dma_start3A_67 : memref<64xf32, #tpu.memory_space<hbm>>) target_semaphore(%run_scoped3A : memref<!tpu.dma_semaphore, #tpu.memory_space<semaphore_mem>>)
        %dma_wait3A_68 = tpu.memref_slice %arg11[%add3A_65] : memref<8192xf32, #tpu.memory_space<hbm>> -> memref<64xf32, #tpu.memory_space<hbm>>
        %dma_wait3A_69 = tpu.memref_slice %arg11[%add3A_65] : memref<8192xf32, #tpu.memory_space<hbm>> -> memref<64xf32, #tpu.memory_space<hbm>>
        tpu.wait_dma2 semaphore(%run_scoped3A : memref<!tpu.dma_semaphore, #tpu.memory_space<semaphore_mem>>) src(%arg28 : memref<64xf32, #tpu.memory_space<vmem>>) dst(%dma_wait3A_69 : memref<64xf32, #tpu.memory_space<hbm>>)
        tpu.yield
      }) : () -> ()
      "tpu.region"() ({
        %run_scoped3A = tpu.sem_alloc : memref<!tpu.dma_semaphore, #tpu.memory_space<semaphore_mem>>
        %dma_start3A_66 = tpu.memref_slice %arg12[%add3A_65] : memref<8192xf32, #tpu.memory_space<hbm>> -> memref<64xf32, #tpu.memory_space<hbm>>
        %dma_start3A_67 = tpu.memref_slice %arg12[%add3A_65] : memref<8192xf32, #tpu.memory_space<hbm>> -> memref<64xf32, #tpu.memory_space<hbm>>
        tpu.enqueue_dma source(%arg29 : memref<64xf32, #tpu.memory_space<vmem>>) target(%dma_start3A_67 : memref<64xf32, #tpu.memory_space<hbm>>) target_semaphore(%run_scoped3A : memref<!tpu.dma_semaphore, #tpu.memory_space<semaphore_mem>>)
        %dma_wait3A_68 = tpu.memref_slice %arg12[%add3A_65] : memref<8192xf32, #tpu.memory_space<hbm>> -> memref<64xf32, #tpu.memory_space<hbm>>
        %dma_wait3A_69 = tpu.memref_slice %arg12[%add3A_65] : memref<8192xf32, #tpu.memory_space<hbm>> -> memref<64xf32, #tpu.memory_space<hbm>>
        tpu.wait_dma2 semaphore(%run_scoped3A : memref<!tpu.dma_semaphore, #tpu.memory_space<semaphore_mem>>) src(%arg29 : memref<64xf32, #tpu.memory_space<vmem>>) dst(%dma_wait3A_69 : memref<64xf32, #tpu.memory_space<hbm>>)
        tpu.yield
      }) : () -> ()
      "tpu.region"() ({
        %run_scoped3A = tpu.sem_alloc : memref<!tpu.dma_semaphore, #tpu.memory_space<semaphore_mem>>
        %dma_start3A_66 = tpu.memref_slice %arg13[%add3A_65] : memref<8192xf32, #tpu.memory_space<hbm>> -> memref<64xf32, #tpu.memory_space<hbm>>
        %dma_start3A_67 = tpu.memref_slice %arg13[%add3A_65] : memref<8192xf32, #tpu.memory_space<hbm>> -> memref<64xf32, #tpu.memory_space<hbm>>
        tpu.enqueue_dma source(%arg30 : memref<64xf32, #tpu.memory_space<vmem>>) target(%dma_start3A_67 : memref<64xf32, #tpu.memory_space<hbm>>) target_semaphore(%run_scoped3A : memref<!tpu.dma_semaphore, #tpu.memory_space<semaphore_mem>>)
        %dma_wait3A_68 = tpu.memref_slice %arg13[%add3A_65] : memref<8192xf32, #tpu.memory_space<hbm>> -> memref<64xf32, #tpu.memory_space<hbm>>
        %dma_wait3A_69 = tpu.memref_slice %arg13[%add3A_65] : memref<8192xf32, #tpu.memory_space<hbm>> -> memref<64xf32, #tpu.memory_space<hbm>>
        tpu.wait_dma2 semaphore(%run_scoped3A : memref<!tpu.dma_semaphore, #tpu.memory_space<semaphore_mem>>) src(%arg30 : memref<64xf32, #tpu.memory_space<vmem>>) dst(%dma_wait3A_69 : memref<64xf32, #tpu.memory_space<hbm>>)
        tpu.yield
      }) : () -> ()
      "tpu.region"() ({
        %run_scoped3A = tpu.sem_alloc : memref<!tpu.dma_semaphore, #tpu.memory_space<semaphore_mem>>
        %dma_start3A_66 = tpu.memref_slice %arg14[%add3A_65] : memref<8192xf32, #tpu.memory_space<hbm>> -> memref<64xf32, #tpu.memory_space<hbm>>
        %dma_start3A_67 = tpu.memref_slice %arg14[%add3A_65] : memref<8192xf32, #tpu.memory_space<hbm>> -> memref<64xf32, #tpu.memory_space<hbm>>
        tpu.enqueue_dma source(%arg31 : memref<64xf32, #tpu.memory_space<vmem>>) target(%dma_start3A_67 : memref<64xf32, #tpu.memory_space<hbm>>) target_semaphore(%run_scoped3A : memref<!tpu.dma_semaphore, #tpu.memory_space<semaphore_mem>>)
        %dma_wait3A_68 = tpu.memref_slice %arg14[%add3A_65] : memref<8192xf32, #tpu.memory_space<hbm>> -> memref<64xf32, #tpu.memory_space<hbm>>
        %dma_wait3A_69 = tpu.memref_slice %arg14[%add3A_65] : memref<8192xf32, #tpu.memory_space<hbm>> -> memref<64xf32, #tpu.memory_space<hbm>>
        tpu.wait_dma2 semaphore(%run_scoped3A : memref<!tpu.dma_semaphore, #tpu.memory_space<semaphore_mem>>) src(%arg31 : memref<64xf32, #tpu.memory_space<vmem>>) dst(%dma_wait3A_69 : memref<64xf32, #tpu.memory_space<hbm>>)
        tpu.yield
      }) : () -> ()
      "tpu.region"() ({
        %run_scoped3A = tpu.sem_alloc : memref<!tpu.dma_semaphore, #tpu.memory_space<semaphore_mem>>
        %dma_start3A_66 = tpu.memref_slice %arg15[%add3A_65] : memref<8192xf32, #tpu.memory_space<hbm>> -> memref<64xf32, #tpu.memory_space<hbm>>
        %dma_start3A_67 = tpu.memref_slice %arg15[%add3A_65] : memref<8192xf32, #tpu.memory_space<hbm>> -> memref<64xf32, #tpu.memory_space<hbm>>
        tpu.enqueue_dma source(%arg32 : memref<64xf32, #tpu.memory_space<vmem>>) target(%dma_start3A_67 : memref<64xf32, #tpu.memory_space<hbm>>) target_semaphore(%run_scoped3A : memref<!tpu.dma_semaphore, #tpu.memory_space<semaphore_mem>>)
        %dma_wait3A_68 = tpu.memref_slice %arg15[%add3A_65] : memref<8192xf32, #tpu.memory_space<hbm>> -> memref<64xf32, #tpu.memory_space<hbm>>
        %dma_wait3A_69 = tpu.memref_slice %arg15[%add3A_65] : memref<8192xf32, #tpu.memory_space<hbm>> -> memref<64xf32, #tpu.memory_space<hbm>>
        tpu.wait_dma2 semaphore(%run_scoped3A : memref<!tpu.dma_semaphore, #tpu.memory_space<semaphore_mem>>) src(%arg32 : memref<64xf32, #tpu.memory_space<vmem>>) dst(%dma_wait3A_69 : memref<64xf32, #tpu.memory_space<hbm>>)
        tpu.yield
      }) : () -> ()
    }
    %scan3A_5 = arith.constant 4 : i32
    return
  }
}

module attributes {stable_mosaic.version = 14 : i64} {
  func.func @_mask_body(%arg0: memref<32x79x128xf32, #tpu.memory_space<vmem>>, %arg1: memref<79x128xf32, #tpu.memory_space<vmem>>) attributes {dimension_semantics = [], scalar_prefetch = 0 : i64, scratch_operands = 0 : i64, tpu.core_type = #tpu.core_type<tc>} {
    %get3A = arith.constant 0 : index
    %get3A_0 = arith.constant 0 : index
    %get3A_1 = arith.constant 0 : index
    %get3A_2 = vector.load %arg0[%get3A, %get3A_0, %get3A_1] : memref<32x79x128xf32, #tpu.memory_space<vmem>>, vector<32x79x128xf32>
    %reduce_sum3A = arith.constant dense<0.000000e+00> : vector<79x128xf32>
    %reduce_sum3A_3 = vector.multi_reduction <add>, %get3A_2, %reduce_sum3A [0] : vector<32x79x128xf32> to vector<79x128xf32>
    %gt3A = arith.constant 0.000000e+00 : f32
    %gt3A_4 = vector.broadcast %gt3A : f32 to vector<79x128xf32>
    %gt3A_5 = arith.cmpf ogt, %reduce_sum3A_3, %gt3A_4 : vector<79x128xf32>
    %convert_element_type3A = arith.extui %gt3A_5 : vector<79x128xi1> to vector<79x128xi32>
    %convert_element_type3A_6 = arith.sitofp %convert_element_type3A : vector<79x128xi32> to vector<79x128xf32>
    %swap3A = arith.constant 0 : index
    %swap3A_7 = arith.constant 0 : index
    %swap3A_8 = vector.load %arg1[%swap3A, %swap3A_7] : memref<79x128xf32, #tpu.memory_space<vmem>>, vector<79x128xf32>
    tpu.vector_store %arg1[%swap3A, %swap3A_7], %convert_element_type3A_6 {strides = array<i32>} : memref<79x128xf32, #tpu.memory_space<vmem>>, vector<79x128xf32>,
    return
  }
}

module attributes {stable_mosaic.version = 14 : i64} {
  func.func @_bfs_merge_body(%arg0: memref<32x79x128xf32, #tpu.memory_space<vmem>>, %arg1: memref<79x128xf32, #tpu.memory_space<vmem>>, %arg2: memref<79x128xf32, #tpu.memory_space<vmem>>, %arg3: memref<79x128xf32, #tpu.memory_space<vmem>>) attributes {dimension_semantics = [], scalar_prefetch = 0 : i64, scratch_operands = 0 : i64, tpu.core_type = #tpu.core_type<tc>} {
    %get3A = arith.constant 0 : index
    %get3A_0 = arith.constant 0 : index
    %get3A_1 = arith.constant 0 : index
    %get3A_2 = vector.load %arg0[%get3A, %get3A_0, %get3A_1] : memref<32x79x128xf32, #tpu.memory_space<vmem>>, vector<32x79x128xf32>
    %reduce_sum3A = arith.constant dense<0.000000e+00> : vector<79x128xf32>
    %reduce_sum3A_3 = vector.multi_reduction <add>, %get3A_2, %reduce_sum3A [0] : vector<32x79x128xf32> to vector<79x128xf32>
    %gt3A = arith.constant 0.000000e+00 : f32
    %gt3A_4 = vector.broadcast %gt3A : f32 to vector<79x128xf32>
    %gt3A_5 = arith.cmpf ogt, %reduce_sum3A_3, %gt3A_4 : vector<79x128xf32>
    %convert_element_type3A = arith.extui %gt3A_5 : vector<79x128xi1> to vector<79x128xi32>
    %convert_element_type3A_6 = arith.sitofp %convert_element_type3A : vector<79x128xi32> to vector<79x128xf32>
    %swap3A = arith.constant 0 : index
    %swap3A_7 = arith.constant 0 : index
    %swap3A_8 = vector.load %arg2[%swap3A, %swap3A_7] : memref<79x128xf32, #tpu.memory_space<vmem>>, vector<79x128xf32>
    tpu.vector_store %arg2[%swap3A, %swap3A_7], %convert_element_type3A_6 {strides = array<i32>} : memref<79x128xf32, #tpu.memory_space<vmem>>, vector<79x128xf32>,
    %get3A_9 = arith.constant 0 : index
    %get3A_10 = arith.constant 0 : index
    %get3A_11 = vector.load %arg1[%get3A_9, %get3A_10] : memref<79x128xf32, #tpu.memory_space<vmem>>, vector<79x128xf32>
    %add3A = arith.addf %get3A_11, %convert_element_type3A_6 : vector<79x128xf32>
    %gt3A_12 = arith.constant 0.000000e+00 : f32
    %gt3A_13 = vector.broadcast %gt3A_12 : f32 to vector<79x128xf32>
    %gt3A_14 = arith.cmpf ogt, %add3A, %gt3A_13 : vector<79x128xf32>
    %convert_element_type3A_15 = arith.extui %gt3A_14 : vector<79x128xi1> to vector<79x128xi32>
    %convert_element_type3A_16 = arith.sitofp %convert_element_type3A_15 : vector<79x128xi32> to vector<79x128xf32>
    %swap3A_17 = arith.constant 0 : index
    %swap3A_18 = arith.constant 0 : index
    %swap3A_19 = vector.load %arg3[%swap3A_17, %swap3A_18] : memref<79x128xf32, #tpu.memory_space<vmem>>, vector<79x128xf32>
    tpu.vector_store %arg3[%swap3A_17, %swap3A_18], %convert_element_type3A_16 {strides = array<i32>} : memref<79x128xf32, #tpu.memory_space<vmem>>, vector<79x128xf32>,
    return
  }
}

module attributes {stable_mosaic.version = 14 : i64} {
  func.func @_bfs_merge_body(%arg0: memref<32x79x128xf32, #tpu.memory_space<vmem>>, %arg1: memref<79x128xf32, #tpu.memory_space<vmem>>, %arg2: memref<79x128xf32, #tpu.memory_space<vmem>>, %arg3: memref<79x128xf32, #tpu.memory_space<vmem>>) attributes {dimension_semantics = [], scalar_prefetch = 0 : i64, scratch_operands = 0 : i64, tpu.core_type = #tpu.core_type<tc>} {
    %get3A = arith.constant 0 : index
    %get3A_0 = arith.constant 0 : index
    %get3A_1 = arith.constant 0 : index
    %get3A_2 = vector.load %arg0[%get3A, %get3A_0, %get3A_1] : memref<32x79x128xf32, #tpu.memory_space<vmem>>, vector<32x79x128xf32>
    %reduce_sum3A = arith.constant dense<0.000000e+00> : vector<79x128xf32>
    %reduce_sum3A_3 = vector.multi_reduction <add>, %get3A_2, %reduce_sum3A [0] : vector<32x79x128xf32> to vector<79x128xf32>
    %gt3A = arith.constant 0.000000e+00 : f32
    %gt3A_4 = vector.broadcast %gt3A : f32 to vector<79x128xf32>
    %gt3A_5 = arith.cmpf ogt, %reduce_sum3A_3, %gt3A_4 : vector<79x128xf32>
    %convert_element_type3A = arith.extui %gt3A_5 : vector<79x128xi1> to vector<79x128xi32>
    %convert_element_type3A_6 = arith.sitofp %convert_element_type3A : vector<79x128xi32> to vector<79x128xf32>
    %swap3A = arith.constant 0 : index
    %swap3A_7 = arith.constant 0 : index
    %swap3A_8 = vector.load %arg2[%swap3A, %swap3A_7] : memref<79x128xf32, #tpu.memory_space<vmem>>, vector<79x128xf32>
    tpu.vector_store %arg2[%swap3A, %swap3A_7], %convert_element_type3A_6 {strides = array<i32>} : memref<79x128xf32, #tpu.memory_space<vmem>>, vector<79x128xf32>,
    %get3A_9 = arith.constant 0 : index
    %get3A_10 = arith.constant 0 : index
    %get3A_11 = vector.load %arg1[%get3A_9, %get3A_10] : memref<79x128xf32, #tpu.memory_space<vmem>>, vector<79x128xf32>
    %add3A = arith.addf %get3A_11, %convert_element_type3A_6 : vector<79x128xf32>
    %gt3A_12 = arith.constant 0.000000e+00 : f32
    %gt3A_13 = vector.broadcast %gt3A_12 : f32 to vector<79x128xf32>
    %gt3A_14 = arith.cmpf ogt, %add3A, %gt3A_13 : vector<79x128xf32>
    %convert_element_type3A_15 = arith.extui %gt3A_14 : vector<79x128xi1> to vector<79x128xi32>
    %convert_element_type3A_16 = arith.sitofp %convert_element_type3A_15 : vector<79x128xi32> to vector<79x128xf32>
    %swap3A_17 = arith.constant 0 : index
    %swap3A_18 = arith.constant 0 : index
    %swap3A_19 = vector.load %arg3[%swap3A_17, %swap3A_18] : memref<79x128xf32, #tpu.memory_space<vmem>>, vector<79x128xf32>
    tpu.vector_store %arg3[%swap3A_17, %swap3A_18], %convert_element_type3A_16 {strides = array<i32>} : memref<79x128xf32, #tpu.memory_space<vmem>>, vector<79x128xf32>,
    return
  }
}

module attributes {stable_mosaic.version = 14 : i64} {
  func.func @_norm_body(%arg0: memref<10112x128xf32, #tpu.memory_space<vmem>>, %arg1: memref<10112x128xf32, #tpu.memory_space<vmem>>) attributes {dimension_semantics = [], scalar_prefetch = 0 : i64, scratch_operands = 0 : i64, tpu.core_type = #tpu.core_type<tc>} {
    %get3A = arith.constant 0 : index
    %get3A_0 = arith.constant 0 : index
    %get3A_1 = vector.load %arg0[%get3A, %get3A_0] : memref<10112x128xf32, #tpu.memory_space<vmem>>, vector<10112x128xf32>
    %mul3A = arith.mulf %get3A_1, %get3A_1 : vector<10112x128xf32>
    %reduce_sum3A = arith.constant dense<0.000000e+00> : vector<10112xf32>
    %reduce_sum3A_2 = vector.multi_reduction <add>, %mul3A, %reduce_sum3A [1] : vector<10112x128xf32> to vector<10112xf32>
    %broadcast_in_dim3A = vector.shape_cast %reduce_sum3A_2 : vector<10112xf32> to vector<10112x1xf32>
    %sqrt3A = math.sqrt %broadcast_in_dim3A : vector<10112x1xf32>
    %jit3A = arith.constant 9.99999996E-13 : f32
    %max3A = vector.broadcast %jit3A : f32 to vector<10112x1xf32>
    %max3A_3 = arith.maximumf %max3A, %sqrt3A : vector<10112x1xf32>
    %div3A = vector.broadcast %max3A_3 : vector<10112x1xf32> to vector<10112x128xf32>
    %div3A_4 = arith.divf %get3A_1, %div3A : vector<10112x128xf32>
    %swap3A = arith.constant 0 : index
    %swap3A_5 = arith.constant 0 : index
    %swap3A_6 = vector.load %arg1[%swap3A, %swap3A_5] : memref<10112x128xf32, #tpu.memory_space<vmem>>, vector<10112x128xf32>
    tpu.vector_store %arg1[%swap3A, %swap3A_5], %div3A_4 {strides = array<i32>} : memref<10112x128xf32, #tpu.memory_space<vmem>>, vector<10112x128xf32>,
    return
  }
}

module attributes {stable_mosaic.version = 14 : i64} {
  func.func @_merge2_body(%arg0: memref<2x10112x128xf32, #tpu.memory_space<vmem>>, %arg1: memref<10112x128xf32, #tpu.memory_space<vmem>>) attributes {dimension_semantics = [], scalar_prefetch = 0 : i64, scratch_operands = 0 : i64, tpu.core_type = #tpu.core_type<tc>} {
    %get3A = arith.constant 0 : index
    %get3A_0 = arith.constant 0 : index
    %get3A_1 = arith.constant 0 : index
    %get3A_2 = vector.load %arg0[%get3A, %get3A_0, %get3A_1] : memref<2x10112x128xf32, #tpu.memory_space<vmem>>, vector<1x10112x128xf32>
    %get3A_3 = vector.shape_cast %get3A_2 : vector<1x10112x128xf32> to vector<10112x128xf32>
    %get3A_4 = arith.constant 1 : index
    %get3A_5 = arith.constant 0 : index
    %get3A_6 = arith.constant 0 : index
    %get3A_7 = vector.load %arg0[%get3A_4, %get3A_5, %get3A_6] : memref<2x10112x128xf32, #tpu.memory_space<vmem>>, vector<1x10112x128xf32>
    %get3A_8 = vector.shape_cast %get3A_7 : vector<1x10112x128xf32> to vector<10112x128xf32>
    %add3A = arith.addf %get3A_3, %get3A_8 : vector<10112x128xf32>
    %swap3A = arith.constant 0 : index
    %swap3A_9 = arith.constant 0 : index
    %swap3A_10 = vector.load %arg1[%swap3A, %swap3A_9] : memref<10112x128xf32, #tpu.memory_space<vmem>>, vector<10112x128xf32>
    tpu.vector_store %arg1[%swap3A, %swap3A_9], %add3A {strides = array<i32>} : memref<10112x128xf32, #tpu.memory_space<vmem>>, vector<10112x128xf32>,
    return
  }
}

module attributes {stable_mosaic.version = 14 : i64} {
  func.func @_mask_sum_body(%arg0: memref<32x79x128xf32, #tpu.memory_space<vmem>>, %arg1: memref<79x128xf32, #tpu.memory_space<vmem>>) attributes {dimension_semantics = [], scalar_prefetch = 0 : i64, scratch_operands = 0 : i64, tpu.core_type = #tpu.core_type<tc>} {
    %get3A = arith.constant 0 : index
    %get3A_0 = arith.constant 0 : index
    %get3A_1 = arith.constant 0 : index
    %get3A_2 = vector.load %arg0[%get3A, %get3A_0, %get3A_1] : memref<32x79x128xf32, #tpu.memory_space<vmem>>, vector<32x79x128xf32>
    %reduce_sum3A = arith.constant dense<0.000000e+00> : vector<79x128xf32>
    %reduce_sum3A_3 = vector.multi_reduction <add>, %get3A_2, %reduce_sum3A [0] : vector<32x79x128xf32> to vector<79x128xf32>
    %swap3A = arith.constant 0 : index
    %swap3A_4 = arith.constant 0 : index
    %swap3A_5 = vector.load %arg1[%swap3A, %swap3A_4] : memref<79x128xf32, #tpu.memory_space<vmem>>, vector<79x128xf32>
    tpu.vector_store %arg1[%swap3A, %swap3A_4], %reduce_sum3A_3 {strides = array<i32>} : memref<79x128xf32, #tpu.memory_space<vmem>>, vector<79x128xf32>,
    return
  }
}

</mosaic_0001>

<sc_bundles>
// kernel: kernel.16.cloned.1.call-start
scs
__scs_entry_jumppad:
0x0: {  	(pc) =	sbr.rel $0x88, $3  }
0x1: {  	(tag) =	ssettag $0x0;
	lr =	simm.s32 $0x1  }
0x2: {  	[smem:$0x3F9E] =	sst lr;
	_ =	strace $0xD0000000  }
0x3: {  	_ = 	snop  }
0x4: {  	_ = 	snop  }
0x5: {  	_ = 	snop  }
0x6: {  	_ = 	snop  }
0x7: {  	_ = 	snop  }
__scs_overlays_trampoline_lowered:
0x8: {  	[smem:$0x3FAD] =	sst s0  }
0x9: {  	[smem:$0x3FAE] =	sst s1  }
0xa: {  	[smem:$0x3FAF] =	sst s2  }
0xb: {  	[smem:$0x3FB0] =	sst s3  }
0xc: {  	[smem:$0x3FB1] =	sst s4  }
0xd: {  	[smem:$0x3FB2] =	sst s5  }
0xe: {  	[smem:$0x3FB3] =	sst s6  }
0xf: {  	[smem:$0x3FB4] =	sst s7  }
0x10: {  	[smem:$0x3FB5] =	sst s8  }
0x11: {  	[smem:$0x3FB6] =	sst s9;
	s0 =	simm.s32 @!p0 $0x0  }
0x12: {  	s1 =	sld [smem:$0x3F9C];
	s0 =	simm.s32 @p0 $0x1  }
0x13: {  	[smem:$0x3FB7] =	sst s0;
	s0 =	simm.s32 @!p1 $0x0  }
0x14: {  	s2 =	sld [smem:$0x3F9B];
	s0 =	simm.s32 @p1 $0x1  }
0x15: {  	[smem:$0x3FB8] =	sst s0;
	s0 =	simm.s32 @!p2 $0x0  }
0x16: {  	s3 =	sld [smem:$0x3FDB];
	s0 =	simm.s32 @p2 $0x1  }
0x17: {  	s4 =	simm.s32 $0x1BF5;
	[smem:$0x3FBA] =	sst s0  }
0x18: {  	s0 =	sld [smem:$0x3F9D];
	_ =	swait.ge [sflag:s4], $0x0  }
0x19: {  	s7 =	sld [smem:$0x3F9E]  }
0x1a: {  	s8 =	sadd.s32 $0xFFFFE003, lr  }
0x1b: {  	s9 =	sadd.s32 $0xFFFFFEF7, lr;
	s5 =	simm.s32 $0xFFFFFFFF;
	p2 =	slt.u32 s8, $0xFFFFF086  }
0x1c: {  	p1 =	slt.u32 s9, $0xF7A;
	s5 =	simm.s32 @!p2 $0x0  }
0x1d: {  	s5 =	simm.s32 @p1 $0x1;
	p0 =	seq.s32 s7, s2  }
0x1e: {  	s7 =	smul.u32 @!p0 $0xF7A, s2;
	p2 =	seq.s32 @!p0 s5, $0x0  }
0x1f: {  	s9 =	smul.u32 $0xF7A, s1;
	s8 =	simm.s32 @!p0 $0x1BF5;
	p2 =	por !p2, p0  }
0x20: {  	[sflag:s8] =	ssyncset.s32 @!p0 $0xFFFFF086;
	s6 =	sadd.s32 @!p0 s3, s7;
	s7 =	simm.s32 @!p0 $0x108  }
0x21: {  	s3 =	sadd.s32 s3, s9;
	s6 =	sadd.s32 @!p0 $0x88, s6;
	s7 =	simm.s32 @p2 $0x1082  }
0x22: {  	[simem:s7], [sflag:s8] =	dma.local @!p0 [hbm:s6], $0xF7A  }
0x23: {  	s9 =	sor.u32 $0xD0000000, s2;
	s6 =	simm.s32 $0x108;
	_ =	swait.ge @!p0 [sflag:s8], $0x0  }
0x24: {  	s3 =	sadd.s32 $0x88, s3;
	s6 =	simm.s32 @!p1 $0x1082;
	[sflag:s4] =	ssyncset.s32 $0xFFFFF086  }
0x25: {  	[simem:s6], [sflag:s4] =	dma.local [hbm:s3], $0xF7A  }
0x26: {  	[smem:$0x3F9E] =	sst s1;
	(tag) =	ssettag s2;
	_ =	strace s9  }
0x27: {  	s1 =	sld [smem:$0x3FAE]  }
0x28: {  	s2 =	sld [smem:$0x3FAF]  }
0x29: {  	s4 =	sld [smem:$0x3FB1]  }
0x2a: {  	p0 =	seq.s32 s5, $0x0;
	s5 =	sld [smem:$0x3FB2]  }
0x2b: {  	s6 =	sld [smem:$0x3FB3]  }
0x2c: {  	s7 =	sld [smem:$0x3FB4]  }
0x2d: {  	s3 =	simm.s32 $0x108;
	s8 =	sld [smem:$0x3FB5]  }
0x2e: {  	s3 =	simm.s32 @!p0 $0x1082;
	s9 =	sld [smem:$0x3FB6]  }
0x2f: {  	lr =	sadd.s32 s0, s3;
	s0 =	sld [smem:$0x3FAD]  }
0x30: {  	s3 =	sld [smem:$0x3FB0]  }
0x31: {  	[smem:$0x3FB9] =	sst s10  }
0x32: {  	s10 =	sld [smem:$0x3FB7];
	_ =	sdelay $0x3  }
0x33: {  	p0 =	seq.s32 s10, $0x1;
	s10 =	sld [smem:$0x3FB9];
	_ =	sdelay $0x3  }
0x34: {  	[smem:$0x3FB9] =	sst s10  }
0x35: {  	s10 =	sld [smem:$0x3FB8];
	_ =	sdelay $0x3  }
0x36: {  	p1 =	seq.s32 s10, $0x1;
	s10 =	sld [smem:$0x3FB9];
	_ =	sdelay $0x3  }
0x37: {  	[smem:$0x3FB9] =	sst s10  }
0x38: {  	s10 =	sld [smem:$0x3FBA]  }
0x39: {  	_ = 	snop;
	(pc) =	sbr.ind lr, $3  }
0x3a: {  	_ = 	snop  }
0x3b: {  	_ = 	snop  }
0x3c: {  	p2 =	seq.s32 s10, $0x1;
	s10 =	sld [smem:$0x3FB9]  }
0x3d: {  	_ =	shalt  }
0x3e: {  	_ =	shalt  }
0x3f: {  	_ =	shalt  }
0x40: {  	_ =	shalt  }
0x41: {  	_ =	shalt  }
0x42: {  	_ =	shalt  }
0x43: {  	_ =	shalt  }
0x44: {  	_ =	shalt  }
0x45: {  	_ =	shalt  }
0x46: {  	_ =	shalt  }
0x47: {  	_ =	shalt  }
0x48: {  	_ =	shalt  }
0x49: {  	_ =	shalt  }
0x4a: {  	_ =	shalt  }
0x4b: {  	_ =	shalt  }
0x4c: {  	_ =	shalt  }
0x4d: {  	_ =	shalt  }
0x4e: {  	_ =	shalt  }
0x4f: {  	_ =	shalt  }
0x50: {  	_ =	shalt  }
0x51: {  	_ =	shalt  }
0x52: {  	_ =	shalt  }
0x53: {  	_ =	shalt  }
0x54: {  	_ =	shalt  }
0x55: {  	_ =	shalt  }
0x56: {  	_ =	shalt  }
0x57: {  	_ =	shalt  }
0x58: {  	_ =	shalt  }
0x59: {  	_ =	shalt  }
0x5a: {  	_ =	shalt  }
0x5b: {  	_ =	shalt  }
0x5c: {  	_ =	shalt  }
0x5d: {  	_ =	shalt  }
0x5e: {  	_ =	shalt  }
0x5f: {  	_ =	shalt  }
0x60: {  	_ =	shalt  }
0x61: {  	_ =	shalt  }
0x62: {  	_ =	shalt  }
0x63: {  	_ =	shalt  }
0x64: {  	_ =	shalt  }
0x65: {  	_ =	shalt  }
0x66: {  	_ =	shalt  }
0x67: {  	_ =	shalt  }
0x68: {  	_ =	shalt  }
0x69: {  	_ =	shalt  }
0x6a: {  	_ =	shalt  }
0x6b: {  	_ =	shalt  }
0x6c: {  	_ =	shalt  }
0x6d: {  	_ =	shalt  }
0x6e: {  	_ =	shalt  }
0x6f: {  	_ =	shalt  }
0x70: {  	_ =	shalt  }
0x71: {  	_ =	shalt  }
0x72: {  	_ =	shalt  }
0x73: {  	_ =	shalt  }
0x74: {  	_ =	shalt  }
0x75: {  	_ =	shalt  }
0x76: {  	_ =	shalt  }
0x77: {  	_ =	shalt  }
0x78: {  	_ =	shalt  }
0x79: {  	_ =	shalt  }
0x7a: {  	_ =	shalt  }
0x7b: {  	_ =	shalt  }
0x7c: {  	_ =	shalt  }
0x7d: {  	_ =	shalt  }
0x7e: {  	_ =	shalt  }
0x7f: {  	_ =	shalt  }
0x80: {  	_ =	shalt  }
0x81: {  	_ =	shalt  }
0x82: {  	_ =	shalt  }
0x83: {  	_ =	shalt  }
0x84: {  	_ =	shalt  }
0x85: {  	_ =	shalt  }
0x86: {  	_ =	shalt  }
0x87: {  	_ =	shalt  }
.Lfunc_end0:
.L_simem_size_0:
called_computation_lowered:
.L_overlay_start_0:
0x88: {  	s2 =	sld [smem:$0x3FD9]  }
0x89: {  	s3 =	sld [smem:$0x3FFE];
	_ =	sdelay $0x1  }
0x8a: {  	s1 =	srdreg.scid  }
0x8b: {  	s0 =	sand.u32 $0x1, s1  }
0x8c: {  	s16 =	sshll.u32 s0, $0xA;
	s2 =	sadd.s32 s3, s2  }
0x8d: {  	s2 =	sadd.s32 s2, s16  }
0x8e: {  	[smem:$0x3FC5] =	sst s2  }
0x8f: {  	_ = 	snop  }
0x90: {  	(tm) =	ssettm $0x1  }
0x91: {  	s17 =	sld [smem:$0x3FFB];
	_ =	sdelay $0x3  }
0x92: {  	_ =	strace s17  }
0x93: {  	s2 =	sld [smem:$0x3FFC];
	_ =	sdelay $0x3  }
0x94: {  	_ =	strace s2  }
0x95: {  	s2 =	sld [smem:$0x3FFD];
	_ =	sdelay $0x3  }
0x96: {  	_ =	strace s2  }
0x97: {  	_ =	strace $0x8FFFFFFF  }
0x98: {  	s18 =	sld [smem:$0x3FDB];
	_ =	sdelay $0x1  }
0x99: {  	s19 =	simm.s32 $_scs_section_size  }
0x9a: {  	s4 =	simm.s32 $_size__tile_overlayer_lowered;
	s5 =	simm.s32 $_tile_overlayer_lowered  }
0x9b: {  	s22 =	simm.s32 $0x1BFF;
	s21 =	sshll.u32 s5, $0x1;
	s2 =	sadd.s32 s19, s18  }
0x9c: {  	s6 =	simm.s32 $0x0;
	s20 =	sshll.u32 s4, $0x1;
	s4 =	sadd.s32 s21, s2  }
0x9d: {  	[timem:s6], [sflag:s22] =	dma.local [hbm:s4], s20  }
0x9e: {  	_ =	swait.ge [sflag:s22], s20  }
0x9f: {  	s3 =	ssub.s32 $0x0, s20;
	[sflag:s22] =	ssyncset.done $0x0  }
0xa0: {  	[sflag:s22] =	ssyncadd.s32 s3;
	_ =	sdelay $0x1  }
0xa1: {  	s23 =	simm.s32 $0x1B8B  }
0xa2: {  	_ =	swait.ge [sflag:s23], $0x1  }
0xa3: {  	[sflag:s23] =	ssyncset.done $0x0  }
0xa4: {  	s25 =	simm.s32 $0x1B8E;
	s24 =	sld [smem:$0x3FFE];
	[sflag:s23] =	ssyncadd.s32 $0xFFFFFFFF  }
0xa5: {  	s26 =	simm.s32 $execute0_lowered;
	[smem:$0x3FD2] =	sst s25  }
0xa6: {  	s4 =	sshll.u32 s26, $0x1;
	_ =	strace $0x80000046;
	[dreg:$0x1] =	wrdreg $0xFFFFFFFF  }
0xa7: {  	s28 =	simm.s32 $_size_execute0_lowered;
	s2 =	sadd.s32 s2, s4;
	[dreg:$0x0] =	wrdreg $0x0  }
0xa8: {  	s4 =	sshll.u32 s28, $0x1;
	[dreg:$0x2] =	wrdreg s2  }
0xa9: {  	[dreg:$0x3] =	wrdreg s4  }
0xaa: {  	[dreg:$0x4] =	wrdreg $0xC0  }
0xab: {  	_ =	task [dreg:s6], $0x5FFFF  }
0xac: {  	[dreg:$0x1] =	wrdreg $0xFFFFFFFF  }
0xad: {  	[dreg:$0x0] =	wrdreg $0x60  }
0xae: {  	[dreg:$0x2] =	wrdreg s24  }
0xaf: {  	[dreg:$0x3] =	wrdreg $0x9  }
0xb0: {  	_ =	task.clear_ibuf [dreg:s6], $0x4FFFF;
	_ =	strace $0x90000046  }
0xb1: {  	s29 =	simm.s32 $0x9;
	_ =	strace $0x80000048  }
0xb2: {  	_ =	swait.ge [sflag:s29], $0x1  }
0xb3: {  	[sflag:s29] =	ssyncadd.s32 $0xFFFFFFFF  }
0xb4: {  	_ =	strace $0x90000048  }
0xb5: {  	_ =	sfence  }
0xb6: {  	s30 =	sld [smem:$0x0];
	_ =	sdelay $0x2  }
0xb7: {  	s31 =	sshll.u32 s1, $0xD;
	s1 =	sshrl.u32 s1, $0x2  }
0xb8: {  	s3 =	sand.u32 $0x4000, s31;
	s1 =	sadd.s32 s1, s30  }
0xb9: {  	s0 =	sor.u32 s3, s0;
	s1 =	sshll.u32 s1, $0x11  }
0xba: {  	s0 =	sor.u32 s1, s0  }
0xbb: {  	s0 =	sadd.s32 $0x8F2B, s0  }
0xbc: {  	[sflag:s0] =	ssyncadd.remote.s32 $0x1  }
0xbd: {  	_ =	sfence.sel $0xFFFF  }
0xbe: {  	[dreg:$0x0] =	wrdreg $0xFFFFFFFF;
	(pc) =	sbr.abs _section_cstart, $3  }
0xbf: {  	[dreg:$0x1] =	wrdreg $0xFFFFFFFF  }
0xc0: {  	_ =	task.clear_ibuf [dreg:s6], $0x2FFFF;
	_ =	strace $0x9FFFFFFF  }
0xc1: {  	(tm) =	ssettm $0x7FFFFFFF  }
tec
execute0_lowered:
.L_overlay_start_1:
0x0: {  	(tag) =	ssettag $0x1  }
0x1: {  	s1 =	srdreg.scid;
	s0 =	stileid.u32  }
0x2: {  	s4 =	rddreg [dreg:$0x0];
	s2 =	simm.s32 $0x0;
	s9 =	simm.s32 $0x80  }
0x3: {  	s10 =	simm.s32 $0x400;
	s11 =	simm.s32 $0x5000;
	s12 =	simm.s32 $0x5200  }
0x4: {  	s13 =	simm.s32 $0x2800;
	s5 =	sand.u32 $0x1, s1;
	s3 =	sshll.u32 s0, $0x1  }
0x5: {  	s14 =	simm.s32 $0x0;
	s1 =	rddreg [dreg:$0x1];
	s3 =	sor.u32 s5, s3  }
0x6: {  	[smem:$0x7FF] =	sst s2;
	s6 =	sshll.u32 s0, $0x7;
	s7 =	sshll.u32 s3, $0x4  }
0x7: {  	_ =	strace $0x80000047;
	s5 =	ssub.s32 $0x2, s5;
	s6 =	sor.u32 s6, s7  }
0x8: {  	s30 =	smul.u32 $0x500, s3;
	s31 =	sshrl.u32 s5, $0x1;
	s6 =	sand.u32 $0x670, s6  }
0x9: {  	s3 =	sadd.s32 $0x5400, s4;
	s8 =	ssub.s32 s5, s31;
	s6 =	sadd.s32 s6, s4  }
0xa: {  	s7 =	sadd.s32 s30, s4;
	s4 =	sadd.s32 $0x5A00, s6;
	s5 =	sadd.s32 $0x4C00, s6  }
0xb: {  	v0 =	vimm.f32 $0.0e+00;
	s6 =	sadd.s32 $0x6200, s7;
	s7 =	smax.u32 s8, $0x1;
	s8 =	simm.s32 $0x1  }
.LBB2_1:
0xc: {  	[tilespmem:s2], [sflag:$0x1] =	stream.linear.gather [hbm4b:s3+s2], $0x2780, $0x38;
	[tilespmem:$0x5400] =	vst v63  }
0xd: {  	_ =	swait.ge [sflag:s8], $0x2780  }
0xe: {  	[sflag:s8] =	ssyncset.done $0x0  }
0xf: {  	s15 =	simm.s32 $0x0;
	s16 =	simm.s32 $0x200;
	[sflag:s8] =	ssyncadd.s32 $0xFFFFD880  }
.LBB2_2:
0x10: {  	p0 =	sne.s32 s16, $0x9C00;
	[tilespmem:s15+$0x2870] =	vst v0  }
0x11: {  	[tilespmem:s15+$0x2800] =	vst v0  }
0x12: {  	[tilespmem:s15+$0x2810] =	vst v0  }
.Ltmp0:
0x13: {  	[tilespmem:s15+$0x2820] =	vst v0;
	(pc) =	sbr.rel @p0 .LBB2_2-.Ltmp0, $4  }
0x14: {  	[tilespmem:s15+$0x2830] =	vst v0  }
0x15: {  	[tilespmem:s15+$0x2840] =	vst v0  }
0x16: {  	[tilespmem:s15+$0x2850] =	vst v0  }
0x17: {  	[tilespmem:s15+$0x2860] =	vst v0;
	s15 =	sshra.s32 s16, $0x2;
	s16 =	sadd.s32 $0x200, s16  }
0x18: {  	[tilespmem:s15+$0x2870] =	vst v0  }
0x19: {  	[tilespmem:s15+$0x2800] =	vst v0  }
0x1a: {  	[tilespmem:s15+$0x2810] =	vst v0  }
0x1b: {  	[tilespmem:s15+$0x2820] =	vst v0  }
0x1c: {  	[tilespmem:s15+$0x2830] =	vst v0  }
0x1d: {  	[tilespmem:s15+$0x2840] =	vst v0  }
0x1e: {  	[tilespmem:s15+$0x2850] =	vst v0  }
0x1f: {  	[tilespmem:s15+$0x2860] =	vst v0  }
0x20: {  	[tilespmem:s11], [sflag:$0x1] =	stream.strided.gather [hbm4b:s4+s9], $0x200, s10, s9, $0x38;
	[tilespmem:$0x5400] =	vst v63  }
0x21: {  	_ =	swait.ge [sflag:s8], $0x200  }
0x22: {  	[sflag:s8] =	ssyncset.done $0x0  }
0x23: {  	[sflag:s8] =	ssyncadd.s32 $0xFFFFFE00  }
0x24: {  	[tilespmem:s12], [sflag:$0x1] =	stream.strided.gather [hbm4b:s5+s9], $0x200, s10, s9, $0x38;
	[tilespmem:$0x5400] =	vst v63  }
0x25: {  	_ =	swait.ge [sflag:s8], $0x200  }
0x26: {  	[sflag:s8] =	ssyncset.done $0x0  }
0x27: {  	s16 =	simm.s32 $0x0;
	s15 =	simm.s32 $0x40;
	[sflag:s8] =	ssyncadd.s32 $0xFFFFFE00  }
.LBB2_4:
0x28: {  	p0 =	sne.s32 s15, $0x7C0;
	v1 =	vld [tilespmem:s16+$0x5000];
	_ =	sdelay $0x5  }
0x29: {  	v2 =	vld [tilespmem:s16+$0x5200];
	_ =	sdelay $0x1  }
0x2a: {  	v1 =	vld.idx.msk [tilespmem:v1+s2+$0x0], $0xffff;
	_ =	sdelay $0x1  }
.Ltmp1:
0x2b: {  	(pc) =	sbr.rel @p0 .LBB2_4-.Ltmp1, $2  }
0x2c: {  	_ =	sdelay $0x2  }
0x2d: {  	s16 =	sshra.s32 s15, $0x2;
	s15 =	sadd.s32 $0x40, s15;
	[tilespmem:v2+s13+$0x0] =	vst.idx.add.f32.msk $0xffff, v1  }
0x2e: {  	v1 =	vld [tilespmem:s16+$0x5000];
	_ =	sdelay $0x4  }
0x2f: {  	v2 =	vld [tilespmem:s16+$0x5200];
	_ =	sdelay $0x2  }
0x30: {  	v1 =	vld.idx.msk [tilespmem:v1+s2+$0x0], $0xffff;
	_ =	sdelay $0x2  }
0x31: {  	s14 =	sadd.s32 $0x1, s14  }
0x32: {  	p0 =	sne.s32 s14, s7  }
.Ltmp2:
0x33: {  	[tilespmem:v2+s13+$0x0] =	vst.idx.add.f32.msk $0xffff, v1;
	(pc) =	sbr.rel @p0 .LBB2_1-.Ltmp2, $4  }
0x34: {  	[hbm4b:s6+s2] =	stream.linear.scatter [tilespmem:s13], [sflag:$0x1], $0x2780, $0x38;
	[tilespmem:$0x5400] =	vst v63  }
0x35: {  	_ =	swait.ge [sflag:s8], $0x2780  }
0x36: {  	[sflag:s8] =	ssyncset.done $0x0  }
0x37: {  	[sflag:s8] =	ssyncadd.s32 $0xFFFFD880  }
0x38: {  	_ =	sfence.sel $0x180000  }
0x39: {  	[bflag:$0x0] =	sbarrier.arrive $0xFFFF  }
0x3a: {  	p0 =	sne.s32 s0, $0x0;
	_ =	strace $0x90000047  }
0x3b: {  	s0 =	sadd.s32 @!p0 $0x100000, s1;
	[bflag:$0x2] =	sbarrier.arrive $0xFFFF  }
0x3c: {  	[sflag:s0] =	ssyncadd.tile.s32 @!p0 $0x1;
	_ =	shalt  }
.Lfunc_end2:
_tile_overlayer_lowered:
.L_overlay_start_2:
0x3d: {  	(tag) =	ssettag $0x2  }
0x3e: {  	s0 =	rddreg [dreg:$0x0];
	s2 =	stileid.u32  }
0x3f: {  	s1 =	rddreg [dreg:$0x1];
	p0 =	sne.s32 s2, $0x0  }
0x40: {  	s3 =	rddreg [dreg:$0x2];
	[bflag:$0x3] =	sbarrier.arrive $0xFFFF;
	s2 =	simm.s32 @!p0 $0x1C01  }
0x41: {  	[timem:s3], [sflag:s2] =	dma.local @!p0 [hbm:s0], s1  }
0x42: {  	s0 =	simm.s32 @!p0 $0x1  }
0x43: {  	_ =	swait.ge @!p0 [sflag:s0], s1  }
0x44: {  	s1 =	ssub.s32 @!p0 $0x0, s1;
	[sflag:s0] =	ssyncset.done @!p0 $0x0  }
0x45: {  	[sflag:s0] =	ssyncadd.s32 @!p0 s1  }
0x46: {  	[bflag:$0x3] =	sbarrier.arrive $0xFFFF  }
0x47: {  	_ =	shalt  }

// kernel: kernel.19.cloned.1.call-start
scs
__scs_entry_jumppad:
0x0: {  	(pc) =	sbr.rel $0x88, $3  }
0x1: {  	(tag) =	ssettag $0x0;
	lr =	simm.s32 $0x1  }
0x2: {  	[smem:$0x3F9E] =	sst lr;
	_ =	strace $0xD0000000  }
0x3: {  	_ = 	snop  }
0x4: {  	_ = 	snop  }
0x5: {  	_ = 	snop  }
0x6: {  	_ = 	snop  }
0x7: {  	_ = 	snop  }
__scs_overlays_trampoline_lowered:
0x8: {  	[smem:$0x3FAD] =	sst s0  }
0x9: {  	[smem:$0x3FAE] =	sst s1  }
0xa: {  	[smem:$0x3FAF] =	sst s2  }
0xb: {  	[smem:$0x3FB0] =	sst s3  }
0xc: {  	[smem:$0x3FB1] =	sst s4  }
0xd: {  	[smem:$0x3FB2] =	sst s5  }
0xe: {  	[smem:$0x3FB3] =	sst s6  }
0xf: {  	[smem:$0x3FB4] =	sst s7  }
0x10: {  	[smem:$0x3FB5] =	sst s8  }
0x11: {  	[smem:$0x3FB6] =	sst s9;
	s0 =	simm.s32 @!p0 $0x0  }
0x12: {  	s1 =	sld [smem:$0x3F9C];
	s0 =	simm.s32 @p0 $0x1  }
0x13: {  	[smem:$0x3FB7] =	sst s0;
	s0 =	simm.s32 @!p1 $0x0  }
0x14: {  	s2 =	sld [smem:$0x3F9B];
	s0 =	simm.s32 @p1 $0x1  }
0x15: {  	[smem:$0x3FB8] =	sst s0;
	s0 =	simm.s32 @!p2 $0x0  }
0x16: {  	s3 =	sld [smem:$0x3FDB];
	s0 =	simm.s32 @p2 $0x1  }
0x17: {  	s4 =	simm.s32 $0x1BF5;
	[smem:$0x3FBA] =	sst s0  }
0x18: {  	s0 =	sld [smem:$0x3F9D];
	_ =	swait.ge [sflag:s4], $0x0  }
0x19: {  	s7 =	sld [smem:$0x3F9E]  }
0x1a: {  	s8 =	sadd.s32 $0xFFFFE003, lr  }
0x1b: {  	s9 =	sadd.s32 $0xFFFFFEF7, lr;
	s5 =	simm.s32 $0xFFFFFFFF;
	p2 =	slt.u32 s8, $0xFFFFF086  }
0x1c: {  	p1 =	slt.u32 s9, $0xF7A;
	s5 =	simm.s32 @!p2 $0x0  }
0x1d: {  	s5 =	simm.s32 @p1 $0x1;
	p0 =	seq.s32 s7, s2  }
0x1e: {  	s7 =	smul.u32 @!p0 $0xF7A, s2;
	p2 =	seq.s32 @!p0 s5, $0x0  }
0x1f: {  	s9 =	smul.u32 $0xF7A, s1;
	s8 =	simm.s32 @!p0 $0x1BF5;
	p2 =	por !p2, p0  }
0x20: {  	[sflag:s8] =	ssyncset.s32 @!p0 $0xFFFFF086;
	s6 =	sadd.s32 @!p0 s3, s7;
	s7 =	simm.s32 @!p0 $0x108  }
0x21: {  	s3 =	sadd.s32 s3, s9;
	s6 =	sadd.s32 @!p0 $0x88, s6;
	s7 =	simm.s32 @p2 $0x1082  }
0x22: {  	[simem:s7], [sflag:s8] =	dma.local @!p0 [hbm:s6], $0xF7A  }
0x23: {  	s9 =	sor.u32 $0xD0000000, s2;
	s6 =	simm.s32 $0x108;
	_ =	swait.ge @!p0 [sflag:s8], $0x0  }
0x24: {  	s3 =	sadd.s32 $0x88, s3;
	s6 =	simm.s32 @!p1 $0x1082;
	[sflag:s4] =	ssyncset.s32 $0xFFFFF086  }
0x25: {  	[simem:s6], [sflag:s4] =	dma.local [hbm:s3], $0xF7A  }
0x26: {  	[smem:$0x3F9E] =	sst s1;
	(tag) =	ssettag s2;
	_ =	strace s9  }
0x27: {  	s1 =	sld [smem:$0x3FAE]  }
0x28: {  	s2 =	sld [smem:$0x3FAF]  }
0x29: {  	s4 =	sld [smem:$0x3FB1]  }
0x2a: {  	p0 =	seq.s32 s5, $0x0;
	s5 =	sld [smem:$0x3FB2]  }
0x2b: {  	s6 =	sld [smem:$0x3FB3]  }
0x2c: {  	s7 =	sld [smem:$0x3FB4]  }
0x2d: {  	s3 =	simm.s32 $0x108;
	s8 =	sld [smem:$0x3FB5]  }
0x2e: {  	s3 =	simm.s32 @!p0 $0x1082;
	s9 =	sld [smem:$0x3FB6]  }
0x2f: {  	lr =	sadd.s32 s0, s3;
	s0 =	sld [smem:$0x3FAD]  }
0x30: {  	s3 =	sld [smem:$0x3FB0]  }
0x31: {  	[smem:$0x3FB9] =	sst s10  }
0x32: {  	s10 =	sld [smem:$0x3FB7];
	_ =	sdelay $0x3  }
0x33: {  	p0 =	seq.s32 s10, $0x1;
	s10 =	sld [smem:$0x3FB9];
	_ =	sdelay $0x3  }
0x34: {  	[smem:$0x3FB9] =	sst s10  }
0x35: {  	s10 =	sld [smem:$0x3FB8];
	_ =	sdelay $0x3  }
0x36: {  	p1 =	seq.s32 s10, $0x1;
	s10 =	sld [smem:$0x3FB9];
	_ =	sdelay $0x3  }
0x37: {  	[smem:$0x3FB9] =	sst s10  }
0x38: {  	s10 =	sld [smem:$0x3FBA]  }
0x39: {  	_ = 	snop;
	(pc) =	sbr.ind lr, $3  }
0x3a: {  	_ = 	snop  }
0x3b: {  	_ = 	snop  }
0x3c: {  	p2 =	seq.s32 s10, $0x1;
	s10 =	sld [smem:$0x3FB9]  }
0x3d: {  	_ =	shalt  }
0x3e: {  	_ =	shalt  }
0x3f: {  	_ =	shalt  }
0x40: {  	_ =	shalt  }
0x41: {  	_ =	shalt  }
0x42: {  	_ =	shalt  }
0x43: {  	_ =	shalt  }
0x44: {  	_ =	shalt  }
0x45: {  	_ =	shalt  }
0x46: {  	_ =	shalt  }
0x47: {  	_ =	shalt  }
0x48: {  	_ =	shalt  }
0x49: {  	_ =	shalt  }
0x4a: {  	_ =	shalt  }
0x4b: {  	_ =	shalt  }
0x4c: {  	_ =	shalt  }
0x4d: {  	_ =	shalt  }
0x4e: {  	_ =	shalt  }
0x4f: {  	_ =	shalt  }
0x50: {  	_ =	shalt  }
0x51: {  	_ =	shalt  }
0x52: {  	_ =	shalt  }
0x53: {  	_ =	shalt  }
0x54: {  	_ =	shalt  }
0x55: {  	_ =	shalt  }
0x56: {  	_ =	shalt  }
0x57: {  	_ =	shalt  }
0x58: {  	_ =	shalt  }
0x59: {  	_ =	shalt  }
0x5a: {  	_ =	shalt  }
0x5b: {  	_ =	shalt  }
0x5c: {  	_ =	shalt  }
0x5d: {  	_ =	shalt  }
0x5e: {  	_ =	shalt  }
0x5f: {  	_ =	shalt  }
0x60: {  	_ =	shalt  }
0x61: {  	_ =	shalt  }
0x62: {  	_ =	shalt  }
0x63: {  	_ =	shalt  }
0x64: {  	_ =	shalt  }
0x65: {  	_ =	shalt  }
0x66: {  	_ =	shalt  }
0x67: {  	_ =	shalt  }
0x68: {  	_ =	shalt  }
0x69: {  	_ =	shalt  }
0x6a: {  	_ =	shalt  }
0x6b: {  	_ =	shalt  }
0x6c: {  	_ =	shalt  }
0x6d: {  	_ =	shalt  }
0x6e: {  	_ =	shalt  }
0x6f: {  	_ =	shalt  }
0x70: {  	_ =	shalt  }
0x71: {  	_ =	shalt  }
0x72: {  	_ =	shalt  }
0x73: {  	_ =	shalt  }
0x74: {  	_ =	shalt  }
0x75: {  	_ =	shalt  }
0x76: {  	_ =	shalt  }
0x77: {  	_ =	shalt  }
0x78: {  	_ =	shalt  }
0x79: {  	_ =	shalt  }
0x7a: {  	_ =	shalt  }
0x7b: {  	_ =	shalt  }
0x7c: {  	_ =	shalt  }
0x7d: {  	_ =	shalt  }
0x7e: {  	_ =	shalt  }
0x7f: {  	_ =	shalt  }
0x80: {  	_ =	shalt  }
0x81: {  	_ =	shalt  }
0x82: {  	_ =	shalt  }
0x83: {  	_ =	shalt  }
0x84: {  	_ =	shalt  }
0x85: {  	_ =	shalt  }
0x86: {  	_ =	shalt  }
0x87: {  	_ =	shalt  }
.Lfunc_end0:
.L_simem_size_0:
called_computation.1_lowered:
.L_overlay_start_0:
0x88: {  	s2 =	sld [smem:$0x3FD9]  }
0x89: {  	s3 =	sld [smem:$0x3FFE];
	_ =	sdelay $0x1  }
0x8a: {  	s1 =	srdreg.scid  }
0x8b: {  	s0 =	sand.u32 $0x1, s1  }
0x8c: {  	s16 =	sshll.u32 s0, $0xA;
	s2 =	sadd.s32 s3, s2  }
0x8d: {  	s2 =	sadd.s32 s2, s16  }
0x8e: {  	[smem:$0x3FC5] =	sst s2  }
0x8f: {  	_ = 	snop  }
0x90: {  	(tm) =	ssettm $0x1  }
0x91: {  	s17 =	sld [smem:$0x3FFB];
	_ =	sdelay $0x3  }
0x92: {  	_ =	strace s17  }
0x93: {  	s2 =	sld [smem:$0x3FFC];
	_ =	sdelay $0x3  }
0x94: {  	_ =	strace s2  }
0x95: {  	s2 =	sld [smem:$0x3FFD];
	_ =	sdelay $0x3  }
0x96: {  	_ =	strace s2  }
0x97: {  	_ =	strace $0x8FFFFFFF  }
0x98: {  	s18 =	sld [smem:$0x3FDB];
	_ =	sdelay $0x1  }
0x99: {  	s19 =	simm.s32 $_scs_section_size  }
0x9a: {  	s4 =	simm.s32 $_size__tile_overlayer_lowered;
	s5 =	simm.s32 $_tile_overlayer_lowered  }
0x9b: {  	s22 =	simm.s32 $0x1BFF;
	s21 =	sshll.u32 s5, $0x1;
	s2 =	sadd.s32 s19, s18  }
0x9c: {  	s6 =	simm.s32 $0x0;
	s20 =	sshll.u32 s4, $0x1;
	s4 =	sadd.s32 s21, s2  }
0x9d: {  	[timem:s6], [sflag:s22] =	dma.local [hbm:s4], s20  }
0x9e: {  	_ =	swait.ge [sflag:s22], s20  }
0x9f: {  	s3 =	ssub.s32 $0x0, s20;
	[sflag:s22] =	ssyncset.done $0x0  }
0xa0: {  	[sflag:s22] =	ssyncadd.s32 s3;
	_ =	sdelay $0x1  }
0xa1: {  	s23 =	simm.s32 $0x1B8B  }
0xa2: {  	_ =	swait.ge [sflag:s23], $0x1  }
0xa3: {  	[sflag:s23] =	ssyncset.done $0x0  }
0xa4: {  	s25 =	simm.s32 $0x1B8E;
	s24 =	sld [smem:$0x3FFE];
	[sflag:s23] =	ssyncadd.s32 $0xFFFFFFFF  }
0xa5: {  	s26 =	simm.s32 $execute0_lowered;
	[smem:$0x3FD2] =	sst s25  }
0xa6: {  	s4 =	sshll.u32 s26, $0x1;
	_ =	strace $0x80000049;
	[dreg:$0x1] =	wrdreg $0xFFFFFFFF  }
0xa7: {  	s28 =	simm.s32 $_size_execute0_lowered;
	s2 =	sadd.s32 s2, s4;
	[dreg:$0x0] =	wrdreg $0x0  }
0xa8: {  	s4 =	sshll.u32 s28, $0x1;
	[dreg:$0x2] =	wrdreg s2  }
0xa9: {  	[dreg:$0x3] =	wrdreg s4  }
0xaa: {  	[dreg:$0x4] =	wrdreg $0xC0  }
0xab: {  	_ =	task [dreg:s6], $0x5FFFF  }
0xac: {  	[dreg:$0x1] =	wrdreg $0xFFFFFFFF  }
0xad: {  	[dreg:$0x0] =	wrdreg $0x60  }
0xae: {  	[dreg:$0x2] =	wrdreg s24  }
0xaf: {  	[dreg:$0x3] =	wrdreg $0x9  }
0xb0: {  	_ =	task.clear_ibuf [dreg:s6], $0x4FFFF;
	_ =	strace $0x90000049  }
0xb1: {  	s29 =	simm.s32 $0x9;
	_ =	strace $0x8000004B  }
0xb2: {  	_ =	swait.ge [sflag:s29], $0x1  }
0xb3: {  	[sflag:s29] =	ssyncadd.s32 $0xFFFFFFFF  }
0xb4: {  	_ =	strace $0x9000004B  }
0xb5: {  	_ =	sfence  }
0xb6: {  	s30 =	sld [smem:$0x0];
	_ =	sdelay $0x2  }
0xb7: {  	s31 =	sshll.u32 s1, $0xD;
	s1 =	sshrl.u32 s1, $0x2  }
0xb8: {  	s3 =	sand.u32 $0x4000, s31;
	s1 =	sadd.s32 s1, s30  }
0xb9: {  	s0 =	sor.u32 s3, s0;
	s1 =	sshll.u32 s1, $0x11  }
0xba: {  	s0 =	sor.u32 s1, s0  }
0xbb: {  	s0 =	sadd.s32 $0x8F2B, s0  }
0xbc: {  	[sflag:s0] =	ssyncadd.remote.s32 $0x1  }
0xbd: {  	_ =	sfence.sel $0xFFFF  }
0xbe: {  	[dreg:$0x0] =	wrdreg $0xFFFFFFFF;
	(pc) =	sbr.abs _section_cstart, $3  }
0xbf: {  	[dreg:$0x1] =	wrdreg $0xFFFFFFFF  }
0xc0: {  	_ =	task.clear_ibuf [dreg:s6], $0x2FFFF;
	_ =	strace $0x9FFFFFFF  }
0xc1: {  	(tm) =	ssettm $0x7FFFFFFF  }
tec
execute0_lowered:
.L_overlay_start_1:
0x0: {  	(tag) =	ssettag $0x1  }
0x1: {  	s1 =	srdreg.scid  }
0x2: {  	s0 =	stileid.u32;
	s4 =	rddreg [dreg:$0x0];
	s9 =	simm.s32 $0x80  }
0x3: {  	s10 =	simm.s32 $0x400;
	s11 =	simm.s32 $0x5000;
	s12 =	simm.s32 $0xA000  }
0x4: {  	s13 =	simm.s32 $0x2800;
	s5 =	sand.u32 $0x1, s1;
	s2 =	sshll.u32 s0, $0x1  }
0x5: {  	s14 =	simm.s32 $0x0;
	s6 =	sshrl.u32 s0, $0x2;
	s3 =	sor.u32 s5, s2  }
0x6: {  	s1 =	rddreg [dreg:$0x1];
	s6 =	smul.u32 $0x28000, s6;
	s7 =	sshll.u32 s3, $0x7  }
0x7: {  	s2 =	simm.s32 $0x0;
	s5 =	ssub.s32 $0x2, s5;
	s7 =	sand.u32 $0x380, s7  }
0x8: {  	[smem:$0x7FF] =	sst s2;
	s30 =	smul.u32 $0x500, s3;
	s6 =	sor.u32 s6, s7  }
0x9: {  	s3 =	sadd.s32 $0x4C00, s4;
	s31 =	sshrl.u32 s5, $0x1;
	s6 =	sshrl.u32 s6, $0x3  }
0xa: {  	_ =	strace $0x8000004A;
	s8 =	ssub.s32 s5, s31;
	s6 =	sadd.s32 s6, s4  }
0xb: {  	s7 =	sadd.s32 s30, s4;
	s4 =	sadd.s32 $0x24200, s6;
	s5 =	sadd.s32 $0x10200, s6  }
0xc: {  	v0 =	vimm.f32 $0.0e+00;
	s6 =	sadd.s32 $0x5200, s7;
	s7 =	smax.u32 s8, $0x1;
	s8 =	simm.s32 $0x1  }
.LBB2_1:
0xd: {  	[tilespmem:s2], [sflag:$0x1] =	stream.linear.gather [hbm4b:s3+s2], $0x2780, $0x38;
	[tilespmem:$0xF000] =	vst v63  }
0xe: {  	_ =	swait.ge [sflag:s8], $0x2780  }
0xf: {  	[sflag:s8] =	ssyncset.done $0x0  }
0x10: {  	s15 =	simm.s32 $0x0;
	s16 =	simm.s32 $0x200;
	[sflag:s8] =	ssyncadd.s32 $0xFFFFD880  }
.LBB2_2:
0x11: {  	p0 =	sne.s32 s16, $0x9C00;
	[tilespmem:s15+$0x2870] =	vst v0  }
0x12: {  	[tilespmem:s15+$0x2800] =	vst v0  }
0x13: {  	[tilespmem:s15+$0x2810] =	vst v0  }
.Ltmp0:
0x14: {  	[tilespmem:s15+$0x2820] =	vst v0;
	(pc) =	sbr.rel @p0 .LBB2_2-.Ltmp0, $4  }
0x15: {  	[tilespmem:s15+$0x2830] =	vst v0  }
0x16: {  	[tilespmem:s15+$0x2840] =	vst v0  }
0x17: {  	[tilespmem:s15+$0x2850] =	vst v0  }
0x18: {  	[tilespmem:s15+$0x2860] =	vst v0;
	s15 =	sshra.s32 s16, $0x2;
	s16 =	sadd.s32 $0x200, s16  }
0x19: {  	[tilespmem:s15+$0x2870] =	vst v0  }
0x1a: {  	[tilespmem:s15+$0x2800] =	vst v0  }
0x1b: {  	[tilespmem:s15+$0x2810] =	vst v0  }
0x1c: {  	[tilespmem:s15+$0x2820] =	vst v0  }
0x1d: {  	[tilespmem:s15+$0x2830] =	vst v0  }
0x1e: {  	[tilespmem:s15+$0x2840] =	vst v0  }
0x1f: {  	[tilespmem:s15+$0x2850] =	vst v0  }
0x20: {  	[tilespmem:s15+$0x2860] =	vst v0  }
0x21: {  	[tilespmem:s11], [sflag:$0x1] =	stream.strided.gather [hbm4b:s4+s9], $0x5000, s10, s9, $0x38;
	[tilespmem:$0xF000] =	vst v63  }
0x22: {  	_ =	swait.ge [sflag:s8], $0x5000  }
0x23: {  	[sflag:s8] =	ssyncset.done $0x0  }
0x24: {  	[sflag:s8] =	ssyncadd.s32 $0xFFFFB000  }
0x25: {  	[tilespmem:s12], [sflag:$0x1] =	stream.strided.gather [hbm4b:s5+s9], $0x5000, s10, s9, $0x38;
	[tilespmem:$0xF000] =	vst v63  }
0x26: {  	_ =	swait.ge [sflag:s8], $0x5000  }
0x27: {  	[sflag:s8] =	ssyncset.done $0x0  }
0x28: {  	s16 =	simm.s32 $0x0;
	s15 =	simm.s32 $0x40;
	[sflag:s8] =	ssyncadd.s32 $0xFFFFB000  }
.LBB2_4:
0x29: {  	p0 =	sne.s32 s15, $0x13FC0;
	v1 =	vld [tilespmem:s16+$0x5000];
	_ =	sdelay $0x5  }
0x2a: {  	v2 =	vld [tilespmem:s16+$0xA000];
	_ =	sdelay $0x1  }
0x2b: {  	v1 =	vld.idx.msk [tilespmem:v1+s2+$0x0], $0xffff;
	_ =	sdelay $0x1  }
.Ltmp1:
0x2c: {  	(pc) =	sbr.rel @p0 .LBB2_4-.Ltmp1, $2  }
0x2d: {  	_ =	sdelay $0x2  }
0x2e: {  	s16 =	sshra.s32 s15, $0x2;
	s15 =	sadd.s32 $0x40, s15;
	[tilespmem:v2+s13+$0x0] =	vst.idx.add.f32.msk $0xffff, v1  }
0x2f: {  	v1 =	vld [tilespmem:s16+$0x5000];
	_ =	sdelay $0x4  }
0x30: {  	v2 =	vld [tilespmem:s16+$0xA000];
	_ =	sdelay $0x2  }
0x31: {  	v1 =	vld.idx.msk [tilespmem:v1+s2+$0x0], $0xffff;
	_ =	sdelay $0x2  }
0x32: {  	s14 =	sadd.s32 $0x1, s14  }
0x33: {  	p0 =	sne.s32 s14, s7  }
.Ltmp2:
0x34: {  	[tilespmem:v2+s13+$0x0] =	vst.idx.add.f32.msk $0xffff, v1;
	(pc) =	sbr.rel @p0 .LBB2_1-.Ltmp2, $4  }
0x35: {  	[hbm4b:s6+s2] =	stream.linear.scatter [tilespmem:s13], [sflag:$0x1], $0x2780, $0x38;
	[tilespmem:$0xF000] =	vst v63  }
0x36: {  	_ =	swait.ge [sflag:s8], $0x2780  }
0x37: {  	[sflag:s8] =	ssyncset.done $0x0  }
0x38: {  	[sflag:s8] =	ssyncadd.s32 $0xFFFFD880  }
0x39: {  	_ =	sfence.sel $0x180000  }
0x3a: {  	[bflag:$0x0] =	sbarrier.arrive $0xFFFF  }
0x3b: {  	p0 =	sne.s32 s0, $0x0;
	_ =	strace $0x9000004A  }
0x3c: {  	s0 =	sadd.s32 @!p0 $0x100000, s1;
	[bflag:$0x2] =	sbarrier.arrive $0xFFFF  }
0x3d: {  	[sflag:s0] =	ssyncadd.tile.s32 @!p0 $0x1;
	_ =	shalt  }
.Lfunc_end2:
_tile_overlayer_lowered:
.L_overlay_start_2:
0x3e: {  	(tag) =	ssettag $0x2  }
0x3f: {  	s0 =	rddreg [dreg:$0x0];
	s2 =	stileid.u32  }
0x40: {  	s1 =	rddreg [dreg:$0x1];
	p0 =	sne.s32 s2, $0x0  }
0x41: {  	s3 =	rddreg [dreg:$0x2];
	[bflag:$0x3] =	sbarrier.arrive $0xFFFF;
	s2 =	simm.s32 @!p0 $0x1C01  }
0x42: {  	[timem:s3], [sflag:s2] =	dma.local @!p0 [hbm:s0], s1  }
0x43: {  	s0 =	simm.s32 @!p0 $0x1  }
0x44: {  	_ =	swait.ge @!p0 [sflag:s0], s1  }
0x45: {  	s1 =	ssub.s32 @!p0 $0x0, s1;
	[sflag:s0] =	ssyncset.done @!p0 $0x0  }
0x46: {  	[sflag:s0] =	ssyncadd.s32 @!p0 s1  }
0x47: {  	[bflag:$0x3] =	sbarrier.arrive $0xFFFF  }
0x48: {  	_ =	shalt  }

// kernel: kernel.22.cloned.1.call-start
scs
__scs_entry_jumppad:
0x0: {  	(pc) =	sbr.rel $0x88, $3  }
0x1: {  	(tag) =	ssettag $0x0;
	lr =	simm.s32 $0x1  }
0x2: {  	[smem:$0x3F9E] =	sst lr;
	_ =	strace $0xD0000000  }
0x3: {  	_ = 	snop  }
0x4: {  	_ = 	snop  }
0x5: {  	_ = 	snop  }
0x6: {  	_ = 	snop  }
0x7: {  	_ = 	snop  }
__scs_overlays_trampoline_lowered:
0x8: {  	[smem:$0x3FAD] =	sst s0  }
0x9: {  	[smem:$0x3FAE] =	sst s1  }
0xa: {  	[smem:$0x3FAF] =	sst s2  }
0xb: {  	[smem:$0x3FB0] =	sst s3  }
0xc: {  	[smem:$0x3FB1] =	sst s4  }
0xd: {  	[smem:$0x3FB2] =	sst s5  }
0xe: {  	[smem:$0x3FB3] =	sst s6  }
0xf: {  	[smem:$0x3FB4] =	sst s7  }
0x10: {  	[smem:$0x3FB5] =	sst s8  }
0x11: {  	[smem:$0x3FB6] =	sst s9;
	s0 =	simm.s32 @!p0 $0x0  }
0x12: {  	s1 =	sld [smem:$0x3F9C];
	s0 =	simm.s32 @p0 $0x1  }
0x13: {  	[smem:$0x3FB7] =	sst s0;
	s0 =	simm.s32 @!p1 $0x0  }
0x14: {  	s2 =	sld [smem:$0x3F9B];
	s0 =	simm.s32 @p1 $0x1  }
0x15: {  	[smem:$0x3FB8] =	sst s0;
	s0 =	simm.s32 @!p2 $0x0  }
0x16: {  	s3 =	sld [smem:$0x3FDB];
	s0 =	simm.s32 @p2 $0x1  }
0x17: {  	s4 =	simm.s32 $0x1BF5;
	[smem:$0x3FBA] =	sst s0  }
0x18: {  	s0 =	sld [smem:$0x3F9D];
	_ =	swait.ge [sflag:s4], $0x0  }
0x19: {  	s7 =	sld [smem:$0x3F9E]  }
0x1a: {  	s8 =	sadd.s32 $0xFFFFE003, lr  }
0x1b: {  	s9 =	sadd.s32 $0xFFFFFEF7, lr;
	s5 =	simm.s32 $0xFFFFFFFF;
	p2 =	slt.u32 s8, $0xFFFFF086  }
0x1c: {  	p1 =	slt.u32 s9, $0xF7A;
	s5 =	simm.s32 @!p2 $0x0  }
0x1d: {  	s5 =	simm.s32 @p1 $0x1;
	p0 =	seq.s32 s7, s2  }
0x1e: {  	s7 =	smul.u32 @!p0 $0xF7A, s2;
	p2 =	seq.s32 @!p0 s5, $0x0  }
0x1f: {  	s9 =	smul.u32 $0xF7A, s1;
	s8 =	simm.s32 @!p0 $0x1BF5;
	p2 =	por !p2, p0  }
0x20: {  	[sflag:s8] =	ssyncset.s32 @!p0 $0xFFFFF086;
	s6 =	sadd.s32 @!p0 s3, s7;
	s7 =	simm.s32 @!p0 $0x108  }
0x21: {  	s3 =	sadd.s32 s3, s9;
	s6 =	sadd.s32 @!p0 $0x88, s6;
	s7 =	simm.s32 @p2 $0x1082  }
0x22: {  	[simem:s7], [sflag:s8] =	dma.local @!p0 [hbm:s6], $0xF7A  }
0x23: {  	s9 =	sor.u32 $0xD0000000, s2;
	s6 =	simm.s32 $0x108;
	_ =	swait.ge @!p0 [sflag:s8], $0x0  }
0x24: {  	s3 =	sadd.s32 $0x88, s3;
	s6 =	simm.s32 @!p1 $0x1082;
	[sflag:s4] =	ssyncset.s32 $0xFFFFF086  }
0x25: {  	[simem:s6], [sflag:s4] =	dma.local [hbm:s3], $0xF7A  }
0x26: {  	[smem:$0x3F9E] =	sst s1;
	(tag) =	ssettag s2;
	_ =	strace s9  }
0x27: {  	s1 =	sld [smem:$0x3FAE]  }
0x28: {  	s2 =	sld [smem:$0x3FAF]  }
0x29: {  	s4 =	sld [smem:$0x3FB1]  }
0x2a: {  	p0 =	seq.s32 s5, $0x0;
	s5 =	sld [smem:$0x3FB2]  }
0x2b: {  	s6 =	sld [smem:$0x3FB3]  }
0x2c: {  	s7 =	sld [smem:$0x3FB4]  }
0x2d: {  	s3 =	simm.s32 $0x108;
	s8 =	sld [smem:$0x3FB5]  }
0x2e: {  	s3 =	simm.s32 @!p0 $0x1082;
	s9 =	sld [smem:$0x3FB6]  }
0x2f: {  	lr =	sadd.s32 s0, s3;
	s0 =	sld [smem:$0x3FAD]  }
0x30: {  	s3 =	sld [smem:$0x3FB0]  }
0x31: {  	[smem:$0x3FB9] =	sst s10  }
0x32: {  	s10 =	sld [smem:$0x3FB7];
	_ =	sdelay $0x3  }
0x33: {  	p0 =	seq.s32 s10, $0x1;
	s10 =	sld [smem:$0x3FB9];
	_ =	sdelay $0x3  }
0x34: {  	[smem:$0x3FB9] =	sst s10  }
0x35: {  	s10 =	sld [smem:$0x3FB8];
	_ =	sdelay $0x3  }
0x36: {  	p1 =	seq.s32 s10, $0x1;
	s10 =	sld [smem:$0x3FB9];
	_ =	sdelay $0x3  }
0x37: {  	[smem:$0x3FB9] =	sst s10  }
0x38: {  	s10 =	sld [smem:$0x3FBA]  }
0x39: {  	_ = 	snop;
	(pc) =	sbr.ind lr, $3  }
0x3a: {  	_ = 	snop  }
0x3b: {  	_ = 	snop  }
0x3c: {  	p2 =	seq.s32 s10, $0x1;
	s10 =	sld [smem:$0x3FB9]  }
0x3d: {  	_ =	shalt  }
0x3e: {  	_ =	shalt  }
0x3f: {  	_ =	shalt  }
0x40: {  	_ =	shalt  }
0x41: {  	_ =	shalt  }
0x42: {  	_ =	shalt  }
0x43: {  	_ =	shalt  }
0x44: {  	_ =	shalt  }
0x45: {  	_ =	shalt  }
0x46: {  	_ =	shalt  }
0x47: {  	_ =	shalt  }
0x48: {  	_ =	shalt  }
0x49: {  	_ =	shalt  }
0x4a: {  	_ =	shalt  }
0x4b: {  	_ =	shalt  }
0x4c: {  	_ =	shalt  }
0x4d: {  	_ =	shalt  }
0x4e: {  	_ =	shalt  }
0x4f: {  	_ =	shalt  }
0x50: {  	_ =	shalt  }
0x51: {  	_ =	shalt  }
0x52: {  	_ =	shalt  }
0x53: {  	_ =	shalt  }
0x54: {  	_ =	shalt  }
0x55: {  	_ =	shalt  }
0x56: {  	_ =	shalt  }
0x57: {  	_ =	shalt  }
0x58: {  	_ =	shalt  }
0x59: {  	_ =	shalt  }
0x5a: {  	_ =	shalt  }
0x5b: {  	_ =	shalt  }
0x5c: {  	_ =	shalt  }
0x5d: {  	_ =	shalt  }
0x5e: {  	_ =	shalt  }
0x5f: {  	_ =	shalt  }
0x60: {  	_ =	shalt  }
0x61: {  	_ =	shalt  }
0x62: {  	_ =	shalt  }
0x63: {  	_ =	shalt  }
0x64: {  	_ =	shalt  }
0x65: {  	_ =	shalt  }
0x66: {  	_ =	shalt  }
0x67: {  	_ =	shalt  }
0x68: {  	_ =	shalt  }
0x69: {  	_ =	shalt  }
0x6a: {  	_ =	shalt  }
0x6b: {  	_ =	shalt  }
0x6c: {  	_ =	shalt  }
0x6d: {  	_ =	shalt  }
0x6e: {  	_ =	shalt  }
0x6f: {  	_ =	shalt  }
0x70: {  	_ =	shalt  }
0x71: {  	_ =	shalt  }
0x72: {  	_ =	shalt  }
0x73: {  	_ =	shalt  }
0x74: {  	_ =	shalt  }
0x75: {  	_ =	shalt  }
0x76: {  	_ =	shalt  }
0x77: {  	_ =	shalt  }
0x78: {  	_ =	shalt  }
0x79: {  	_ =	shalt  }
0x7a: {  	_ =	shalt  }
0x7b: {  	_ =	shalt  }
0x7c: {  	_ =	shalt  }
0x7d: {  	_ =	shalt  }
0x7e: {  	_ =	shalt  }
0x7f: {  	_ =	shalt  }
0x80: {  	_ =	shalt  }
0x81: {  	_ =	shalt  }
0x82: {  	_ =	shalt  }
0x83: {  	_ =	shalt  }
0x84: {  	_ =	shalt  }
0x85: {  	_ =	shalt  }
0x86: {  	_ =	shalt  }
0x87: {  	_ =	shalt  }
.Lfunc_end0:
.L_simem_size_0:
called_computation.2_lowered:
.L_overlay_start_0:
0x88: {  	s2 =	sld [smem:$0x3FD9]  }
0x89: {  	s3 =	sld [smem:$0x3FFE];
	_ =	sdelay $0x1  }
0x8a: {  	s1 =	srdreg.scid  }
0x8b: {  	s0 =	sand.u32 $0x1, s1  }
0x8c: {  	s16 =	sshll.u32 s0, $0xA;
	s2 =	sadd.s32 s3, s2  }
0x8d: {  	s2 =	sadd.s32 s2, s16  }
0x8e: {  	[smem:$0x3FC5] =	sst s2  }
0x8f: {  	_ = 	snop  }
0x90: {  	(tm) =	ssettm $0x1  }
0x91: {  	s17 =	sld [smem:$0x3FFB];
	_ =	sdelay $0x3  }
0x92: {  	_ =	strace s17  }
0x93: {  	s2 =	sld [smem:$0x3FFC];
	_ =	sdelay $0x3  }
0x94: {  	_ =	strace s2  }
0x95: {  	s2 =	sld [smem:$0x3FFD];
	_ =	sdelay $0x3  }
0x96: {  	_ =	strace s2  }
0x97: {  	_ =	strace $0x8FFFFFFF  }
0x98: {  	s18 =	sld [smem:$0x3FDB];
	_ =	sdelay $0x1  }
0x99: {  	s19 =	simm.s32 $_scs_section_size  }
0x9a: {  	s4 =	simm.s32 $_size__tile_overlayer_lowered;
	s5 =	simm.s32 $_tile_overlayer_lowered  }
0x9b: {  	s22 =	simm.s32 $0x1BFF;
	s21 =	sshll.u32 s5, $0x1;
	s2 =	sadd.s32 s19, s18  }
0x9c: {  	s6 =	simm.s32 $0x0;
	s20 =	sshll.u32 s4, $0x1;
	s4 =	sadd.s32 s21, s2  }
0x9d: {  	[timem:s6], [sflag:s22] =	dma.local [hbm:s4], s20  }
0x9e: {  	_ =	swait.ge [sflag:s22], s20  }
0x9f: {  	s3 =	ssub.s32 $0x0, s20;
	[sflag:s22] =	ssyncset.done $0x0  }
0xa0: {  	[sflag:s22] =	ssyncadd.s32 s3;
	_ =	sdelay $0x1  }
0xa1: {  	s23 =	simm.s32 $0x1B8B  }
0xa2: {  	_ =	swait.ge [sflag:s23], $0x1  }
0xa3: {  	[sflag:s23] =	ssyncset.done $0x0  }
0xa4: {  	s25 =	simm.s32 $0x1B8E;
	s24 =	sld [smem:$0x3FFE];
	[sflag:s23] =	ssyncadd.s32 $0xFFFFFFFF  }
0xa5: {  	s26 =	simm.s32 $execute0_lowered;
	[smem:$0x3FD2] =	sst s25  }
0xa6: {  	s4 =	sshll.u32 s26, $0x1;
	_ =	strace $0x8000004C;
	[dreg:$0x1] =	wrdreg $0xFFFFFFFF  }
0xa7: {  	s28 =	simm.s32 $_size_execute0_lowered;
	s2 =	sadd.s32 s2, s4;
	[dreg:$0x0] =	wrdreg $0x0  }
0xa8: {  	s4 =	sshll.u32 s28, $0x1;
	[dreg:$0x2] =	wrdreg s2  }
0xa9: {  	[dreg:$0x3] =	wrdreg s4  }
0xaa: {  	[dreg:$0x4] =	wrdreg $0xC0  }
0xab: {  	_ =	task [dreg:s6], $0x5FFFF  }
0xac: {  	[dreg:$0x1] =	wrdreg $0xFFFFFFFF  }
0xad: {  	[dreg:$0x0] =	wrdreg $0x60  }
0xae: {  	[dreg:$0x2] =	wrdreg s24  }
0xaf: {  	[dreg:$0x3] =	wrdreg $0x9  }
0xb0: {  	_ =	task.clear_ibuf [dreg:s6], $0x4FFFF;
	_ =	strace $0x9000004C  }
0xb1: {  	s29 =	simm.s32 $0x9;
	_ =	strace $0x8000004E  }
0xb2: {  	_ =	swait.ge [sflag:s29], $0x1  }
0xb3: {  	[sflag:s29] =	ssyncadd.s32 $0xFFFFFFFF  }
0xb4: {  	_ =	strace $0x9000004E  }
0xb5: {  	_ =	sfence  }
0xb6: {  	s30 =	sld [smem:$0x0];
	_ =	sdelay $0x2  }
0xb7: {  	s31 =	sshll.u32 s1, $0xD;
	s1 =	sshrl.u32 s1, $0x2  }
0xb8: {  	s3 =	sand.u32 $0x4000, s31;
	s1 =	sadd.s32 s1, s30  }
0xb9: {  	s0 =	sor.u32 s3, s0;
	s1 =	sshll.u32 s1, $0x11  }
0xba: {  	s0 =	sor.u32 s1, s0  }
0xbb: {  	s0 =	sadd.s32 $0x8F2B, s0  }
0xbc: {  	[sflag:s0] =	ssyncadd.remote.s32 $0x1  }
0xbd: {  	_ =	sfence.sel $0xFFFF  }
0xbe: {  	[dreg:$0x0] =	wrdreg $0xFFFFFFFF;
	(pc) =	sbr.abs _section_cstart, $3  }
0xbf: {  	[dreg:$0x1] =	wrdreg $0xFFFFFFFF  }
0xc0: {  	_ =	task.clear_ibuf [dreg:s6], $0x2FFFF;
	_ =	strace $0x9FFFFFFF  }
0xc1: {  	(tm) =	ssettm $0x7FFFFFFF  }
tec
execute0_lowered:
.L_overlay_start_1:
0x0: {  	(tag) =	ssettag $0x1  }
0x1: {  	s1 =	srdreg.scid  }
0x2: {  	s0 =	stileid.u32;
	s4 =	rddreg [dreg:$0x0];
	s9 =	simm.s32 $0x80  }
0x3: {  	s10 =	simm.s32 $0x400;
	s11 =	simm.s32 $0x5000;
	s12 =	simm.s32 $0xA000  }
0x4: {  	s13 =	simm.s32 $0x2800;
	s5 =	sand.u32 $0x1, s1;
	s2 =	sshll.u32 s0, $0x1  }
0x5: {  	s14 =	simm.s32 $0x0;
	s6 =	sshrl.u32 s0, $0x2;
	s3 =	sor.u32 s5, s2  }
0x6: {  	s1 =	rddreg [dreg:$0x1];
	s6 =	smul.u32 $0x28000, s6;
	s7 =	sshll.u32 s3, $0x7  }
0x7: {  	s2 =	simm.s32 $0x0;
	s5 =	ssub.s32 $0x2, s5;
	s7 =	sand.u32 $0x380, s7  }
0x8: {  	[smem:$0x7FF] =	sst s2;
	s30 =	smul.u32 $0x500, s3;
	s6 =	sor.u32 s6, s7  }
0x9: {  	s3 =	sadd.s32 $0x4C00, s4;
	s31 =	sshrl.u32 s5, $0x1;
	s6 =	sshrl.u32 s6, $0x3  }
0xa: {  	_ =	strace $0x8000004D;
	s8 =	ssub.s32 s5, s31;
	s6 =	sadd.s32 s6, s4  }
0xb: {  	s7 =	sadd.s32 s30, s4;
	s4 =	sadd.s32 $0x24200, s6;
	s5 =	sadd.s32 $0x10200, s6  }
0xc: {  	v0 =	vimm.f32 $0.0e+00;
	s6 =	sadd.s32 $0x5200, s7;
	s7 =	smax.u32 s8, $0x1;
	s8 =	simm.s32 $0x1  }
.LBB2_1:
0xd: {  	[tilespmem:s2], [sflag:$0x1] =	stream.linear.gather [hbm4b:s3+s2], $0x2780, $0x38;
	[tilespmem:$0xF000] =	vst v63  }
0xe: {  	_ =	swait.ge [sflag:s8], $0x2780  }
0xf: {  	[sflag:s8] =	ssyncset.done $0x0  }
0x10: {  	s15 =	simm.s32 $0x0;
	s16 =	simm.s32 $0x200;
	[sflag:s8] =	ssyncadd.s32 $0xFFFFD880  }
.LBB2_2:
0x11: {  	p0 =	sne.s32 s16, $0x9C00;
	[tilespmem:s15+$0x2870] =	vst v0  }
0x12: {  	[tilespmem:s15+$0x2800] =	vst v0  }
0x13: {  	[tilespmem:s15+$0x2810] =	vst v0  }
.Ltmp0:
0x14: {  	[tilespmem:s15+$0x2820] =	vst v0;
	(pc) =	sbr.rel @p0 .LBB2_2-.Ltmp0, $4  }
0x15: {  	[tilespmem:s15+$0x2830] =	vst v0  }
0x16: {  	[tilespmem:s15+$0x2840] =	vst v0  }
0x17: {  	[tilespmem:s15+$0x2850] =	vst v0  }
0x18: {  	[tilespmem:s15+$0x2860] =	vst v0;
	s15 =	sshra.s32 s16, $0x2;
	s16 =	sadd.s32 $0x200, s16  }
0x19: {  	[tilespmem:s15+$0x2870] =	vst v0  }
0x1a: {  	[tilespmem:s15+$0x2800] =	vst v0  }
0x1b: {  	[tilespmem:s15+$0x2810] =	vst v0  }
0x1c: {  	[tilespmem:s15+$0x2820] =	vst v0  }
0x1d: {  	[tilespmem:s15+$0x2830] =	vst v0  }
0x1e: {  	[tilespmem:s15+$0x2840] =	vst v0  }
0x1f: {  	[tilespmem:s15+$0x2850] =	vst v0  }
0x20: {  	[tilespmem:s15+$0x2860] =	vst v0  }
0x21: {  	[tilespmem:s11], [sflag:$0x1] =	stream.strided.gather [hbm4b:s4+s9], $0x5000, s10, s9, $0x38;
	[tilespmem:$0xF000] =	vst v63  }
0x22: {  	_ =	swait.ge [sflag:s8], $0x5000  }
0x23: {  	[sflag:s8] =	ssyncset.done $0x0  }
0x24: {  	[sflag:s8] =	ssyncadd.s32 $0xFFFFB000  }
0x25: {  	[tilespmem:s12], [sflag:$0x1] =	stream.strided.gather [hbm4b:s5+s9], $0x5000, s10, s9, $0x38;
	[tilespmem:$0xF000] =	vst v63  }
0x26: {  	_ =	swait.ge [sflag:s8], $0x5000  }
0x27: {  	[sflag:s8] =	ssyncset.done $0x0  }
0x28: {  	s16 =	simm.s32 $0x0;
	s15 =	simm.s32 $0x40;
	[sflag:s8] =	ssyncadd.s32 $0xFFFFB000  }
.LBB2_4:
0x29: {  	p0 =	sne.s32 s15, $0x13FC0;
	v1 =	vld [tilespmem:s16+$0x5000];
	_ =	sdelay $0x5  }
0x2a: {  	v2 =	vld [tilespmem:s16+$0xA000];
	_ =	sdelay $0x1  }
0x2b: {  	v1 =	vld.idx.msk [tilespmem:v1+s2+$0x0], $0xffff;
	_ =	sdelay $0x1  }
.Ltmp1:
0x2c: {  	(pc) =	sbr.rel @p0 .LBB2_4-.Ltmp1, $2  }
0x2d: {  	_ =	sdelay $0x2  }
0x2e: {  	s16 =	sshra.s32 s15, $0x2;
	s15 =	sadd.s32 $0x40, s15;
	[tilespmem:v2+s13+$0x0] =	vst.idx.add.f32.msk $0xffff, v1  }
0x2f: {  	v1 =	vld [tilespmem:s16+$0x5000];
	_ =	sdelay $0x4  }
0x30: {  	v2 =	vld [tilespmem:s16+$0xA000];
	_ =	sdelay $0x2  }
0x31: {  	v1 =	vld.idx.msk [tilespmem:v1+s2+$0x0], $0xffff;
	_ =	sdelay $0x2  }
0x32: {  	s14 =	sadd.s32 $0x1, s14  }
0x33: {  	p0 =	sne.s32 s14, s7  }
.Ltmp2:
0x34: {  	[tilespmem:v2+s13+$0x0] =	vst.idx.add.f32.msk $0xffff, v1;
	(pc) =	sbr.rel @p0 .LBB2_1-.Ltmp2, $4  }
0x35: {  	[hbm4b:s6+s2] =	stream.linear.scatter [tilespmem:s13], [sflag:$0x1], $0x2780, $0x38;
	[tilespmem:$0xF000] =	vst v63  }
0x36: {  	_ =	swait.ge [sflag:s8], $0x2780  }
0x37: {  	[sflag:s8] =	ssyncset.done $0x0  }
0x38: {  	[sflag:s8] =	ssyncadd.s32 $0xFFFFD880  }
0x39: {  	_ =	sfence.sel $0x180000  }
0x3a: {  	[bflag:$0x0] =	sbarrier.arrive $0xFFFF  }
0x3b: {  	p0 =	sne.s32 s0, $0x0;
	_ =	strace $0x9000004D  }
0x3c: {  	s0 =	sadd.s32 @!p0 $0x100000, s1;
	[bflag:$0x2] =	sbarrier.arrive $0xFFFF  }
0x3d: {  	[sflag:s0] =	ssyncadd.tile.s32 @!p0 $0x1;
	_ =	shalt  }
.Lfunc_end2:
_tile_overlayer_lowered:
.L_overlay_start_2:
0x3e: {  	(tag) =	ssettag $0x2  }
0x3f: {  	s0 =	rddreg [dreg:$0x0];
	s2 =	stileid.u32  }
0x40: {  	s1 =	rddreg [dreg:$0x1];
	p0 =	sne.s32 s2, $0x0  }
0x41: {  	s3 =	rddreg [dreg:$0x2];
	[bflag:$0x3] =	sbarrier.arrive $0xFFFF;
	s2 =	simm.s32 @!p0 $0x1C01  }
0x42: {  	[timem:s3], [sflag:s2] =	dma.local @!p0 [hbm:s0], s1  }
0x43: {  	s0 =	simm.s32 @!p0 $0x1  }
0x44: {  	_ =	swait.ge @!p0 [sflag:s0], s1  }
0x45: {  	s1 =	ssub.s32 @!p0 $0x0, s1;
	[sflag:s0] =	ssyncset.done @!p0 $0x0  }
0x46: {  	[sflag:s0] =	ssyncadd.s32 @!p0 s1  }
0x47: {  	[bflag:$0x3] =	sbarrier.arrive $0xFFFF  }
0x48: {  	_ =	shalt  }

// kernel: kernel.25.cloned.1.call-start
scs
__scs_entry_jumppad:
0x0: {  	(pc) =	sbr.rel $0x88, $3  }
0x1: {  	(tag) =	ssettag $0x0;
	lr =	simm.s32 $0x1  }
0x2: {  	[smem:$0x3F9E] =	sst lr;
	_ =	strace $0xD0000000  }
0x3: {  	_ = 	snop  }
0x4: {  	_ = 	snop  }
0x5: {  	_ = 	snop  }
0x6: {  	_ = 	snop  }
0x7: {  	_ = 	snop  }
__scs_overlays_trampoline_lowered:
0x8: {  	[smem:$0x3FAD] =	sst s0  }
0x9: {  	[smem:$0x3FAE] =	sst s1  }
0xa: {  	[smem:$0x3FAF] =	sst s2  }
0xb: {  	[smem:$0x3FB0] =	sst s3  }
0xc: {  	[smem:$0x3FB1] =	sst s4  }
0xd: {  	[smem:$0x3FB2] =	sst s5  }
0xe: {  	[smem:$0x3FB3] =	sst s6  }
0xf: {  	[smem:$0x3FB4] =	sst s7  }
0x10: {  	[smem:$0x3FB5] =	sst s8  }
0x11: {  	[smem:$0x3FB6] =	sst s9;
	s0 =	simm.s32 @!p0 $0x0  }
0x12: {  	s1 =	sld [smem:$0x3F9C];
	s0 =	simm.s32 @p0 $0x1  }
0x13: {  	[smem:$0x3FB7] =	sst s0;
	s0 =	simm.s32 @!p1 $0x0  }
0x14: {  	s2 =	sld [smem:$0x3F9B];
	s0 =	simm.s32 @p1 $0x1  }
0x15: {  	[smem:$0x3FB8] =	sst s0;
	s0 =	simm.s32 @!p2 $0x0  }
0x16: {  	s3 =	sld [smem:$0x3FDB];
	s0 =	simm.s32 @p2 $0x1  }
0x17: {  	s4 =	simm.s32 $0x1BF5;
	[smem:$0x3FBA] =	sst s0  }
0x18: {  	s0 =	sld [smem:$0x3F9D];
	_ =	swait.ge [sflag:s4], $0x0  }
0x19: {  	s7 =	sld [smem:$0x3F9E]  }
0x1a: {  	s8 =	sadd.s32 $0xFFFFE003, lr  }
0x1b: {  	s9 =	sadd.s32 $0xFFFFFEF7, lr;
	s5 =	simm.s32 $0xFFFFFFFF;
	p2 =	slt.u32 s8, $0xFFFFF086  }
0x1c: {  	p1 =	slt.u32 s9, $0xF7A;
	s5 =	simm.s32 @!p2 $0x0  }
0x1d: {  	s5 =	simm.s32 @p1 $0x1;
	p0 =	seq.s32 s7, s2  }
0x1e: {  	s7 =	smul.u32 @!p0 $0xF7A, s2;
	p2 =	seq.s32 @!p0 s5, $0x0  }
0x1f: {  	s9 =	smul.u32 $0xF7A, s1;
	s8 =	simm.s32 @!p0 $0x1BF5;
	p2 =	por !p2, p0  }
0x20: {  	[sflag:s8] =	ssyncset.s32 @!p0 $0xFFFFF086;
	s6 =	sadd.s32 @!p0 s3, s7;
	s7 =	simm.s32 @!p0 $0x108  }
0x21: {  	s3 =	sadd.s32 s3, s9;
	s6 =	sadd.s32 @!p0 $0x88, s6;
	s7 =	simm.s32 @p2 $0x1082  }
0x22: {  	[simem:s7], [sflag:s8] =	dma.local @!p0 [hbm:s6], $0xF7A  }
0x23: {  	s9 =	sor.u32 $0xD0000000, s2;
	s6 =	simm.s32 $0x108;
	_ =	swait.ge @!p0 [sflag:s8], $0x0  }
0x24: {  	s3 =	sadd.s32 $0x88, s3;
	s6 =	simm.s32 @!p1 $0x1082;
	[sflag:s4] =	ssyncset.s32 $0xFFFFF086  }
0x25: {  	[simem:s6], [sflag:s4] =	dma.local [hbm:s3], $0xF7A  }
0x26: {  	[smem:$0x3F9E] =	sst s1;
	(tag) =	ssettag s2;
	_ =	strace s9  }
0x27: {  	s1 =	sld [smem:$0x3FAE]  }
0x28: {  	s2 =	sld [smem:$0x3FAF]  }
0x29: {  	s4 =	sld [smem:$0x3FB1]  }
0x2a: {  	p0 =	seq.s32 s5, $0x0;
	s5 =	sld [smem:$0x3FB2]  }
0x2b: {  	s6 =	sld [smem:$0x3FB3]  }
0x2c: {  	s7 =	sld [smem:$0x3FB4]  }
0x2d: {  	s3 =	simm.s32 $0x108;
	s8 =	sld [smem:$0x3FB5]  }
0x2e: {  	s3 =	simm.s32 @!p0 $0x1082;
	s9 =	sld [smem:$0x3FB6]  }
0x2f: {  	lr =	sadd.s32 s0, s3;
	s0 =	sld [smem:$0x3FAD]  }
0x30: {  	s3 =	sld [smem:$0x3FB0]  }
0x31: {  	[smem:$0x3FB9] =	sst s10  }
0x32: {  	s10 =	sld [smem:$0x3FB7];
	_ =	sdelay $0x3  }
0x33: {  	p0 =	seq.s32 s10, $0x1;
	s10 =	sld [smem:$0x3FB9];
	_ =	sdelay $0x3  }
0x34: {  	[smem:$0x3FB9] =	sst s10  }
0x35: {  	s10 =	sld [smem:$0x3FB8];
	_ =	sdelay $0x3  }
0x36: {  	p1 =	seq.s32 s10, $0x1;
	s10 =	sld [smem:$0x3FB9];
	_ =	sdelay $0x3  }
0x37: {  	[smem:$0x3FB9] =	sst s10  }
0x38: {  	s10 =	sld [smem:$0x3FBA]  }
0x39: {  	_ = 	snop;
	(pc) =	sbr.ind lr, $3  }
0x3a: {  	_ = 	snop  }
0x3b: {  	_ = 	snop  }
0x3c: {  	p2 =	seq.s32 s10, $0x1;
	s10 =	sld [smem:$0x3FB9]  }
0x3d: {  	_ =	shalt  }
0x3e: {  	_ =	shalt  }
0x3f: {  	_ =	shalt  }
0x40: {  	_ =	shalt  }
0x41: {  	_ =	shalt  }
0x42: {  	_ =	shalt  }
0x43: {  	_ =	shalt  }
0x44: {  	_ =	shalt  }
0x45: {  	_ =	shalt  }
0x46: {  	_ =	shalt  }
0x47: {  	_ =	shalt  }
0x48: {  	_ =	shalt  }
0x49: {  	_ =	shalt  }
0x4a: {  	_ =	shalt  }
0x4b: {  	_ =	shalt  }
0x4c: {  	_ =	shalt  }
0x4d: {  	_ =	shalt  }
0x4e: {  	_ =	shalt  }
0x4f: {  	_ =	shalt  }
0x50: {  	_ =	shalt  }
0x51: {  	_ =	shalt  }
0x52: {  	_ =	shalt  }
0x53: {  	_ =	shalt  }
0x54: {  	_ =	shalt  }
0x55: {  	_ =	shalt  }
0x56: {  	_ =	shalt  }
0x57: {  	_ =	shalt  }
0x58: {  	_ =	shalt  }
0x59: {  	_ =	shalt  }
0x5a: {  	_ =	shalt  }
0x5b: {  	_ =	shalt  }
0x5c: {  	_ =	shalt  }
0x5d: {  	_ =	shalt  }
0x5e: {  	_ =	shalt  }
0x5f: {  	_ =	shalt  }
0x60: {  	_ =	shalt  }
0x61: {  	_ =	shalt  }
0x62: {  	_ =	shalt  }
0x63: {  	_ =	shalt  }
0x64: {  	_ =	shalt  }
0x65: {  	_ =	shalt  }
0x66: {  	_ =	shalt  }
0x67: {  	_ =	shalt  }
0x68: {  	_ =	shalt  }
0x69: {  	_ =	shalt  }
0x6a: {  	_ =	shalt  }
0x6b: {  	_ =	shalt  }
0x6c: {  	_ =	shalt  }
0x6d: {  	_ =	shalt  }
0x6e: {  	_ =	shalt  }
0x6f: {  	_ =	shalt  }
0x70: {  	_ =	shalt  }
0x71: {  	_ =	shalt  }
0x72: {  	_ =	shalt  }
0x73: {  	_ =	shalt  }
0x74: {  	_ =	shalt  }
0x75: {  	_ =	shalt  }
0x76: {  	_ =	shalt  }
0x77: {  	_ =	shalt  }
0x78: {  	_ =	shalt  }
0x79: {  	_ =	shalt  }
0x7a: {  	_ =	shalt  }
0x7b: {  	_ =	shalt  }
0x7c: {  	_ =	shalt  }
0x7d: {  	_ =	shalt  }
0x7e: {  	_ =	shalt  }
0x7f: {  	_ =	shalt  }
0x80: {  	_ =	shalt  }
0x81: {  	_ =	shalt  }
0x82: {  	_ =	shalt  }
0x83: {  	_ =	shalt  }
0x84: {  	_ =	shalt  }
0x85: {  	_ =	shalt  }
0x86: {  	_ =	shalt  }
0x87: {  	_ =	shalt  }
.Lfunc_end0:
.L_simem_size_0:
called_computation.3_lowered:
.L_overlay_start_0:
0x88: {  	s2 =	sld [smem:$0x3FD9]  }
0x89: {  	s3 =	sld [smem:$0x3FFE];
	_ =	sdelay $0x1  }
0x8a: {  	s1 =	srdreg.scid  }
0x8b: {  	s0 =	sand.u32 $0x1, s1  }
0x8c: {  	s16 =	sshll.u32 s0, $0xA;
	s2 =	sadd.s32 s3, s2  }
0x8d: {  	s2 =	sadd.s32 s2, s16  }
0x8e: {  	[smem:$0x3FC5] =	sst s2  }
0x8f: {  	_ = 	snop  }
0x90: {  	(tm) =	ssettm $0x1  }
0x91: {  	s17 =	sld [smem:$0x3FFB];
	_ =	sdelay $0x3  }
0x92: {  	_ =	strace s17  }
0x93: {  	s2 =	sld [smem:$0x3FFC];
	_ =	sdelay $0x3  }
0x94: {  	_ =	strace s2  }
0x95: {  	s2 =	sld [smem:$0x3FFD];
	_ =	sdelay $0x3  }
0x96: {  	_ =	strace s2  }
0x97: {  	_ =	strace $0x8FFFFFFF  }
0x98: {  	s18 =	sld [smem:$0x3FDB];
	_ =	sdelay $0x1  }
0x99: {  	s19 =	simm.s32 $_scs_section_size  }
0x9a: {  	s4 =	simm.s32 $_size__tile_overlayer_lowered;
	s5 =	simm.s32 $_tile_overlayer_lowered  }
0x9b: {  	s22 =	simm.s32 $0x1BFF;
	s21 =	sshll.u32 s5, $0x1;
	s2 =	sadd.s32 s19, s18  }
0x9c: {  	s6 =	simm.s32 $0x0;
	s20 =	sshll.u32 s4, $0x1;
	s4 =	sadd.s32 s21, s2  }
0x9d: {  	[timem:s6], [sflag:s22] =	dma.local [hbm:s4], s20  }
0x9e: {  	_ =	swait.ge [sflag:s22], s20  }
0x9f: {  	s3 =	ssub.s32 $0x0, s20;
	[sflag:s22] =	ssyncset.done $0x0  }
0xa0: {  	[sflag:s22] =	ssyncadd.s32 s3;
	_ =	sdelay $0x1  }
0xa1: {  	s23 =	simm.s32 $0x1B8B  }
0xa2: {  	_ =	swait.ge [sflag:s23], $0x1  }
0xa3: {  	[sflag:s23] =	ssyncset.done $0x0  }
0xa4: {  	s25 =	simm.s32 $0x1B8E;
	s24 =	sld [smem:$0x3FFE];
	[sflag:s23] =	ssyncadd.s32 $0xFFFFFFFF  }
0xa5: {  	s26 =	simm.s32 $execute0_lowered;
	[smem:$0x3FD2] =	sst s25  }
0xa6: {  	s4 =	sshll.u32 s26, $0x1;
	_ =	strace $0x8000004F;
	[dreg:$0x1] =	wrdreg $0xFFFFFFFF  }
0xa7: {  	s28 =	simm.s32 $_size_execute0_lowered;
	s2 =	sadd.s32 s2, s4;
	[dreg:$0x0] =	wrdreg $0x0  }
0xa8: {  	s4 =	sshll.u32 s28, $0x1;
	[dreg:$0x2] =	wrdreg s2  }
0xa9: {  	[dreg:$0x3] =	wrdreg s4  }
0xaa: {  	[dreg:$0x4] =	wrdreg $0xC0  }
0xab: {  	_ =	task [dreg:s6], $0x5FFFF  }
0xac: {  	[dreg:$0x1] =	wrdreg $0xFFFFFFFF  }
0xad: {  	[dreg:$0x0] =	wrdreg $0x60  }
0xae: {  	[dreg:$0x2] =	wrdreg s24  }
0xaf: {  	[dreg:$0x3] =	wrdreg $0x9  }
0xb0: {  	_ =	task.clear_ibuf [dreg:s6], $0x4FFFF;
	_ =	strace $0x9000004F  }
0xb1: {  	s29 =	simm.s32 $0x9;
	_ =	strace $0x80000051  }
0xb2: {  	_ =	swait.ge [sflag:s29], $0x1  }
0xb3: {  	[sflag:s29] =	ssyncadd.s32 $0xFFFFFFFF  }
0xb4: {  	_ =	strace $0x90000051  }
0xb5: {  	_ =	sfence  }
0xb6: {  	s30 =	sld [smem:$0x0];
	_ =	sdelay $0x2  }
0xb7: {  	s31 =	sshll.u32 s1, $0xD;
	s1 =	sshrl.u32 s1, $0x2  }
0xb8: {  	s3 =	sand.u32 $0x4000, s31;
	s1 =	sadd.s32 s1, s30  }
0xb9: {  	s0 =	sor.u32 s3, s0;
	s1 =	sshll.u32 s1, $0x11  }
0xba: {  	s0 =	sor.u32 s1, s0  }
0xbb: {  	s0 =	sadd.s32 $0x8F2B, s0  }
0xbc: {  	[sflag:s0] =	ssyncadd.remote.s32 $0x1  }
0xbd: {  	_ =	sfence.sel $0xFFFF  }
0xbe: {  	[dreg:$0x0] =	wrdreg $0xFFFFFFFF;
	(pc) =	sbr.abs _section_cstart, $3  }
0xbf: {  	[dreg:$0x1] =	wrdreg $0xFFFFFFFF  }
0xc0: {  	_ =	task.clear_ibuf [dreg:s6], $0x2FFFF;
	_ =	strace $0x9FFFFFFF  }
0xc1: {  	(tm) =	ssettm $0x7FFFFFFF  }
tec
execute0_lowered:
.L_overlay_start_1:
0x0: {  	(tag) =	ssettag $0x1  }
0x1: {  	s4 =	rddreg [dreg:$0x0];
	s2 =	srdreg.scid  }
0x2: {  	s1 =	stileid.u32;
	s0 =	rddreg [dreg:$0x1];
	s11 =	simm.s32 $0x400  }
0x3: {  	s12 =	simm.s32 $0x5000;
	s13 =	simm.s32 $0xA000;
	s14 =	simm.s32 $0x2800  }
0x4: {  	s15 =	simm.s32 $0x0;
	s3 =	sand.u32 $0x1, s2;
	s5 =	sshll.u32 s1, $0x1  }
0x5: {  	s2 =	simm.s32 $0x0;
	s6 =	sshrl.u32 s1, $0x2;
	s5 =	sor.u32 s3, s5  }
0x6: {  	[smem:$0x7FF] =	sst s2;
	s6 =	smul.u32 $0x28000, s6;
	s7 =	sshll.u32 s5, $0x7  }
0x7: {  	s31 =	ssub.s32 $0x2, s3;
	s3 =	sadd.s32 $0x4C00, s4;
	s7 =	sand.u32 $0x380, s7  }
0x8: {  	s5 =	smul.u32 $0x500, s5;
	s8 =	sshrl.u32 s31, $0x1;
	s6 =	sor.u32 s6, s7  }
0x9: {  	_ =	strace $0x80000050;
	s8 =	ssub.s32 s31, s8;
	s6 =	sshrl.u32 s6, $0x3  }
0xa: {  	s9 =	sadd.s32 s5, s4;
	s8 =	smax.u32 s8, $0x1;
	s10 =	sadd.s32 s6, s4  }
0xb: {  	s6 =	sadd.s32 $0x5200, s9;
	s9 =	simm.s32 $0x1;
	s4 =	sadd.s32 $0x24200, s10  }
0xc: {  	v0 =	vimm.f32 $0.0e+00;
	s5 =	sadd.s32 $0x10200, s10;
	s7 =	sadd.s32 $0x38200, s10;
	s10 =	simm.s32 $0x80  }
.LBB2_1:
0xd: {  	[tilespmem:s2], [sflag:$0x1] =	stream.linear.gather [hbm4b:s3+s2], $0x2780, $0x38;
	[tilespmem:$0xF000] =	vst v63  }
0xe: {  	_ =	swait.ge [sflag:s9], $0x2780  }
0xf: {  	[sflag:s9] =	ssyncset.done $0x0  }
0x10: {  	s16 =	simm.s32 $0x0;
	s17 =	simm.s32 $0x200;
	[sflag:s9] =	ssyncadd.s32 $0xFFFFD880  }
.LBB2_2:
0x11: {  	p0 =	sne.s32 s17, $0x9C00;
	[tilespmem:s16+$0x2870] =	vst v0  }
0x12: {  	[tilespmem:s16+$0x2800] =	vst v0  }
0x13: {  	[tilespmem:s16+$0x2810] =	vst v0  }
.Ltmp0:
0x14: {  	[tilespmem:s16+$0x2820] =	vst v0;
	(pc) =	sbr.rel @p0 .LBB2_2-.Ltmp0, $4  }
0x15: {  	[tilespmem:s16+$0x2830] =	vst v0  }
0x16: {  	[tilespmem:s16+$0x2840] =	vst v0  }
0x17: {  	[tilespmem:s16+$0x2850] =	vst v0  }
0x18: {  	[tilespmem:s16+$0x2860] =	vst v0;
	s16 =	sshra.s32 s17, $0x2;
	s17 =	sadd.s32 $0x200, s17  }
0x19: {  	[tilespmem:s16+$0x2870] =	vst v0  }
0x1a: {  	[tilespmem:s16+$0x2800] =	vst v0  }
0x1b: {  	[tilespmem:s16+$0x2810] =	vst v0  }
0x1c: {  	[tilespmem:s16+$0x2820] =	vst v0  }
0x1d: {  	[tilespmem:s16+$0x2830] =	vst v0  }
0x1e: {  	[tilespmem:s16+$0x2840] =	vst v0  }
0x1f: {  	[tilespmem:s16+$0x2850] =	vst v0  }
0x20: {  	[tilespmem:s16+$0x2860] =	vst v0  }
0x21: {  	[tilespmem:s12], [sflag:$0x1] =	stream.strided.gather [hbm4b:s4+s10], $0x5000, s11, s10, $0x38;
	[tilespmem:$0xF000] =	vst v63  }
0x22: {  	_ =	swait.ge [sflag:s9], $0x5000  }
0x23: {  	[sflag:s9] =	ssyncset.done $0x0  }
0x24: {  	[sflag:s9] =	ssyncadd.s32 $0xFFFFB000  }
0x25: {  	[tilespmem:s13], [sflag:$0x1] =	stream.strided.gather [hbm4b:s5+s10], $0x5000, s11, s10, $0x38;
	[tilespmem:$0xF000] =	vst v63  }
0x26: {  	_ =	swait.ge [sflag:s9], $0x5000  }
0x27: {  	[sflag:s9] =	ssyncset.done $0x0  }
0x28: {  	s16 =	simm.s32 $0x0;
	s17 =	simm.s32 $0x40;
	[sflag:s9] =	ssyncadd.s32 $0xFFFFB000  }
.LBB2_4:
0x29: {  	p0 =	sne.s32 s17, $0x13FC0;
	v1 =	vld [tilespmem:s16+$0x5000];
	_ =	sdelay $0x5  }
0x2a: {  	v2 =	vld [tilespmem:s16+$0xA000];
	_ =	sdelay $0x1  }
0x2b: {  	v3 =	vld.idx.msk [tilespmem:v1+s2+$0x0], $0xffff;
	_ =	sdelay $0x3  }
.Ltmp1:
0x2c: {  	(pc) =	sbr.rel @p0 .LBB2_4-.Ltmp1, $4  }
0x2d: {  	v4 =	vand.u32 $0x3F, v1  }
0x2e: {  	vm0 =	vgt.f32 v3, $0.0e+00;
	[tilespmem:v2+s14+$0x0] =	vst.idx.add.f32.msk $0xffff, v3;
	v2 =	vadd.s32 $0x2710, v4  }
0x2f: {  	v1 =	vsel vm0, v1, v2  }
0x30: {  	[tilespmem:s16+$0x5000] =	vst v1;
	s16 =	sshra.s32 s17, $0x2;
	s17 =	sadd.s32 $0x40, s17  }
0x31: {  	v1 =	vld [tilespmem:s16+$0x5000];
	_ =	sdelay $0x5  }
0x32: {  	v2 =	vld [tilespmem:s16+$0xA000];
	_ =	sdelay $0x1  }
0x33: {  	v3 =	vld.idx.msk [tilespmem:v1+s2+$0x0], $0xffff;
	_ =	sdelay $0x3  }
0x34: {  	v4 =	vand.u32 $0x3F, v1  }
0x35: {  	v4 =	vadd.s32 $0x2710, v4;
	vm0 =	vgt.f32 v3, $0.0e+00  }
0x36: {  	[tilespmem:v2+s14+$0x0] =	vst.idx.add.f32.msk $0xffff, v3;
	v1 =	vsel vm0, v1, v4  }
0x37: {  	[tilespmem:s16+$0x5000] =	vst v1  }
0x38: {  	[hbm4b:s6+s2] =	stream.linear.scatter [tilespmem:s14], [sflag:$0x1], $0x2780, $0x38;
	[tilespmem:$0xF000] =	vst v63  }
0x39: {  	s15 =	sadd.s32 $0x1, s15;
	_ =	swait.ge [sflag:s9], $0x2780  }
0x3a: {  	p0 =	sne.s32 s15, s8;
	[sflag:s9] =	ssyncset.done $0x0  }
.Ltmp2:
0x3b: {  	[sflag:s9] =	ssyncadd.s32 $0xFFFFD880;
	(pc) =	sbr.rel @p0 .LBB2_1-.Ltmp2, $4  }
0x3c: {  	[hbm4b:s7+s10] =	stream.strided.scatter [tilespmem:s12], [sflag:$0x1], $0x5000, s11, s10, $0x38;
	[tilespmem:$0xF000] =	vst v63  }
0x3d: {  	_ =	swait.ge [sflag:s9], $0x5000  }
0x3e: {  	[sflag:s9] =	ssyncset.done $0x0  }
0x3f: {  	[sflag:s9] =	ssyncadd.s32 $0xFFFFB000  }
0x40: {  	_ =	sfence.sel $0x180000  }
0x41: {  	[bflag:$0x0] =	sbarrier.arrive $0xFFFF  }
0x42: {  	p0 =	sne.s32 s1, $0x0;
	_ =	strace $0x90000050  }
0x43: {  	s0 =	sadd.s32 @!p0 $0x100000, s0;
	[bflag:$0x2] =	sbarrier.arrive $0xFFFF  }
0x44: {  	[sflag:s0] =	ssyncadd.tile.s32 @!p0 $0x1;
	_ =	shalt  }
.Lfunc_end2:
_tile_overlayer_lowered:
.L_overlay_start_2:
0x45: {  	(tag) =	ssettag $0x2  }
0x46: {  	s0 =	rddreg [dreg:$0x0];
	s2 =	stileid.u32  }
0x47: {  	s1 =	rddreg [dreg:$0x1];
	p0 =	sne.s32 s2, $0x0  }
0x48: {  	s3 =	rddreg [dreg:$0x2];
	[bflag:$0x3] =	sbarrier.arrive $0xFFFF;
	s2 =	simm.s32 @!p0 $0x1C01  }
0x49: {  	[timem:s3], [sflag:s2] =	dma.local @!p0 [hbm:s0], s1  }
0x4a: {  	s0 =	simm.s32 @!p0 $0x1  }
0x4b: {  	_ =	swait.ge @!p0 [sflag:s0], s1  }
0x4c: {  	s1 =	ssub.s32 @!p0 $0x0, s1;
	[sflag:s0] =	ssyncset.done @!p0 $0x0  }
0x4d: {  	[sflag:s0] =	ssyncadd.s32 @!p0 s1  }
0x4e: {  	[bflag:$0x3] =	sbarrier.arrive $0xFFFF  }
0x4f: {  	_ =	shalt  }

// kernel: kernel.28.cloned.1.call-start
scs
__scs_entry_jumppad:
0x0: {  	(pc) =	sbr.rel $0x88, $3  }
0x1: {  	(tag) =	ssettag $0x0;
	lr =	simm.s32 $0x1  }
0x2: {  	[smem:$0x3F9E] =	sst lr;
	_ =	strace $0xD0000000  }
0x3: {  	_ = 	snop  }
0x4: {  	_ = 	snop  }
0x5: {  	_ = 	snop  }
0x6: {  	_ = 	snop  }
0x7: {  	_ = 	snop  }
__scs_overlays_trampoline_lowered:
0x8: {  	[smem:$0x3FAD] =	sst s0  }
0x9: {  	[smem:$0x3FAE] =	sst s1  }
0xa: {  	[smem:$0x3FAF] =	sst s2  }
0xb: {  	[smem:$0x3FB0] =	sst s3  }
0xc: {  	[smem:$0x3FB1] =	sst s4  }
0xd: {  	[smem:$0x3FB2] =	sst s5  }
0xe: {  	[smem:$0x3FB3] =	sst s6  }
0xf: {  	[smem:$0x3FB4] =	sst s7  }
0x10: {  	[smem:$0x3FB5] =	sst s8  }
0x11: {  	[smem:$0x3FB6] =	sst s9;
	s0 =	simm.s32 @!p0 $0x0  }
0x12: {  	s1 =	sld [smem:$0x3F9C];
	s0 =	simm.s32 @p0 $0x1  }
0x13: {  	[smem:$0x3FB7] =	sst s0;
	s0 =	simm.s32 @!p1 $0x0  }
0x14: {  	s2 =	sld [smem:$0x3F9B];
	s0 =	simm.s32 @p1 $0x1  }
0x15: {  	[smem:$0x3FB8] =	sst s0;
	s0 =	simm.s32 @!p2 $0x0  }
0x16: {  	s3 =	sld [smem:$0x3FDB];
	s0 =	simm.s32 @p2 $0x1  }
0x17: {  	s4 =	simm.s32 $0x1BF5;
	[smem:$0x3FBA] =	sst s0  }
0x18: {  	s0 =	sld [smem:$0x3F9D];
	_ =	swait.ge [sflag:s4], $0x0  }
0x19: {  	s7 =	sld [smem:$0x3F9E]  }
0x1a: {  	s8 =	sadd.s32 $0xFFFFE003, lr  }
0x1b: {  	s9 =	sadd.s32 $0xFFFFFEF7, lr;
	s5 =	simm.s32 $0xFFFFFFFF;
	p2 =	slt.u32 s8, $0xFFFFF086  }
0x1c: {  	p1 =	slt.u32 s9, $0xF7A;
	s5 =	simm.s32 @!p2 $0x0  }
0x1d: {  	s5 =	simm.s32 @p1 $0x1;
	p0 =	seq.s32 s7, s2  }
0x1e: {  	s7 =	smul.u32 @!p0 $0xF7A, s2;
	p2 =	seq.s32 @!p0 s5, $0x0  }
0x1f: {  	s9 =	smul.u32 $0xF7A, s1;
	s8 =	simm.s32 @!p0 $0x1BF5;
	p2 =	por !p2, p0  }
0x20: {  	[sflag:s8] =	ssyncset.s32 @!p0 $0xFFFFF086;
	s6 =	sadd.s32 @!p0 s3, s7;
	s7 =	simm.s32 @!p0 $0x108  }
0x21: {  	s3 =	sadd.s32 s3, s9;
	s6 =	sadd.s32 @!p0 $0x88, s6;
	s7 =	simm.s32 @p2 $0x1082  }
0x22: {  	[simem:s7], [sflag:s8] =	dma.local @!p0 [hbm:s6], $0xF7A  }
0x23: {  	s9 =	sor.u32 $0xD0000000, s2;
	s6 =	simm.s32 $0x108;
	_ =	swait.ge @!p0 [sflag:s8], $0x0  }
0x24: {  	s3 =	sadd.s32 $0x88, s3;
	s6 =	simm.s32 @!p1 $0x1082;
	[sflag:s4] =	ssyncset.s32 $0xFFFFF086  }
0x25: {  	[simem:s6], [sflag:s4] =	dma.local [hbm:s3], $0xF7A  }
0x26: {  	[smem:$0x3F9E] =	sst s1;
	(tag) =	ssettag s2;
	_ =	strace s9  }
0x27: {  	s1 =	sld [smem:$0x3FAE]  }
0x28: {  	s2 =	sld [smem:$0x3FAF]  }
0x29: {  	s4 =	sld [smem:$0x3FB1]  }
0x2a: {  	p0 =	seq.s32 s5, $0x0;
	s5 =	sld [smem:$0x3FB2]  }
0x2b: {  	s6 =	sld [smem:$0x3FB3]  }
0x2c: {  	s7 =	sld [smem:$0x3FB4]  }
0x2d: {  	s3 =	simm.s32 $0x108;
	s8 =	sld [smem:$0x3FB5]  }
0x2e: {  	s3 =	simm.s32 @!p0 $0x1082;
	s9 =	sld [smem:$0x3FB6]  }
0x2f: {  	lr =	sadd.s32 s0, s3;
	s0 =	sld [smem:$0x3FAD]  }
0x30: {  	s3 =	sld [smem:$0x3FB0]  }
0x31: {  	[smem:$0x3FB9] =	sst s10  }
0x32: {  	s10 =	sld [smem:$0x3FB7];
	_ =	sdelay $0x3  }
0x33: {  	p0 =	seq.s32 s10, $0x1;
	s10 =	sld [smem:$0x3FB9];
	_ =	sdelay $0x3  }
0x34: {  	[smem:$0x3FB9] =	sst s10  }
0x35: {  	s10 =	sld [smem:$0x3FB8];
	_ =	sdelay $0x3  }
0x36: {  	p1 =	seq.s32 s10, $0x1;
	s10 =	sld [smem:$0x3FB9];
	_ =	sdelay $0x3  }
0x37: {  	[smem:$0x3FB9] =	sst s10  }
0x38: {  	s10 =	sld [smem:$0x3FBA]  }
0x39: {  	_ = 	snop;
	(pc) =	sbr.ind lr, $3  }
0x3a: {  	_ = 	snop  }
0x3b: {  	_ = 	snop  }
0x3c: {  	p2 =	seq.s32 s10, $0x1;
	s10 =	sld [smem:$0x3FB9]  }
0x3d: {  	_ =	shalt  }
0x3e: {  	_ =	shalt  }
0x3f: {  	_ =	shalt  }
0x40: {  	_ =	shalt  }
0x41: {  	_ =	shalt  }
0x42: {  	_ =	shalt  }
0x43: {  	_ =	shalt  }
0x44: {  	_ =	shalt  }
0x45: {  	_ =	shalt  }
0x46: {  	_ =	shalt  }
0x47: {  	_ =	shalt  }
0x48: {  	_ =	shalt  }
0x49: {  	_ =	shalt  }
0x4a: {  	_ =	shalt  }
0x4b: {  	_ =	shalt  }
0x4c: {  	_ =	shalt  }
0x4d: {  	_ =	shalt  }
0x4e: {  	_ =	shalt  }
0x4f: {  	_ =	shalt  }
0x50: {  	_ =	shalt  }
0x51: {  	_ =	shalt  }
0x52: {  	_ =	shalt  }
0x53: {  	_ =	shalt  }
0x54: {  	_ =	shalt  }
0x55: {  	_ =	shalt  }
0x56: {  	_ =	shalt  }
0x57: {  	_ =	shalt  }
0x58: {  	_ =	shalt  }
0x59: {  	_ =	shalt  }
0x5a: {  	_ =	shalt  }
0x5b: {  	_ =	shalt  }
0x5c: {  	_ =	shalt  }
0x5d: {  	_ =	shalt  }
0x5e: {  	_ =	shalt  }
0x5f: {  	_ =	shalt  }
0x60: {  	_ =	shalt  }
0x61: {  	_ =	shalt  }
0x62: {  	_ =	shalt  }
0x63: {  	_ =	shalt  }
0x64: {  	_ =	shalt  }
0x65: {  	_ =	shalt  }
0x66: {  	_ =	shalt  }
0x67: {  	_ =	shalt  }
0x68: {  	_ =	shalt  }
0x69: {  	_ =	shalt  }
0x6a: {  	_ =	shalt  }
0x6b: {  	_ =	shalt  }
0x6c: {  	_ =	shalt  }
0x6d: {  	_ =	shalt  }
0x6e: {  	_ =	shalt  }
0x6f: {  	_ =	shalt  }
0x70: {  	_ =	shalt  }
0x71: {  	_ =	shalt  }
0x72: {  	_ =	shalt  }
0x73: {  	_ =	shalt  }
0x74: {  	_ =	shalt  }
0x75: {  	_ =	shalt  }
0x76: {  	_ =	shalt  }
0x77: {  	_ =	shalt  }
0x78: {  	_ =	shalt  }
0x79: {  	_ =	shalt  }
0x7a: {  	_ =	shalt  }
0x7b: {  	_ =	shalt  }
0x7c: {  	_ =	shalt  }
0x7d: {  	_ =	shalt  }
0x7e: {  	_ =	shalt  }
0x7f: {  	_ =	shalt  }
0x80: {  	_ =	shalt  }
0x81: {  	_ =	shalt  }
0x82: {  	_ =	shalt  }
0x83: {  	_ =	shalt  }
0x84: {  	_ =	shalt  }
0x85: {  	_ =	shalt  }
0x86: {  	_ =	shalt  }
0x87: {  	_ =	shalt  }
.Lfunc_end0:
.L_simem_size_0:
called_computation.4_lowered:
.L_overlay_start_0:
0x88: {  	s2 =	sld [smem:$0x3FD9]  }
0x89: {  	s3 =	sld [smem:$0x3FFE];
	_ =	sdelay $0x1  }
0x8a: {  	s1 =	srdreg.scid  }
0x8b: {  	s0 =	sand.u32 $0x1, s1  }
0x8c: {  	s16 =	sshll.u32 s0, $0xA;
	s2 =	sadd.s32 s3, s2  }
0x8d: {  	s2 =	sadd.s32 s2, s16  }
0x8e: {  	[smem:$0x3FC5] =	sst s2  }
0x8f: {  	_ = 	snop  }
0x90: {  	(tm) =	ssettm $0x1  }
0x91: {  	s17 =	sld [smem:$0x3FFB];
	_ =	sdelay $0x3  }
0x92: {  	_ =	strace s17  }
0x93: {  	s2 =	sld [smem:$0x3FFC];
	_ =	sdelay $0x3  }
0x94: {  	_ =	strace s2  }
0x95: {  	s2 =	sld [smem:$0x3FFD];
	_ =	sdelay $0x3  }
0x96: {  	_ =	strace s2  }
0x97: {  	_ =	strace $0x8FFFFFFF  }
0x98: {  	s18 =	sld [smem:$0x3FDB];
	_ =	sdelay $0x1  }
0x99: {  	s19 =	simm.s32 $_scs_section_size  }
0x9a: {  	s4 =	simm.s32 $_size__tile_overlayer_lowered;
	s5 =	simm.s32 $_tile_overlayer_lowered  }
0x9b: {  	s22 =	simm.s32 $0x1BFF;
	s21 =	sshll.u32 s5, $0x1;
	s2 =	sadd.s32 s19, s18  }
0x9c: {  	s6 =	simm.s32 $0x0;
	s20 =	sshll.u32 s4, $0x1;
	s4 =	sadd.s32 s21, s2  }
0x9d: {  	[timem:s6], [sflag:s22] =	dma.local [hbm:s4], s20  }
0x9e: {  	_ =	swait.ge [sflag:s22], s20  }
0x9f: {  	s3 =	ssub.s32 $0x0, s20;
	[sflag:s22] =	ssyncset.done $0x0  }
0xa0: {  	[sflag:s22] =	ssyncadd.s32 s3;
	_ =	sdelay $0x1  }
0xa1: {  	s23 =	simm.s32 $0x1B8B  }
0xa2: {  	_ =	swait.ge [sflag:s23], $0x1  }
0xa3: {  	[sflag:s23] =	ssyncset.done $0x0  }
0xa4: {  	s25 =	simm.s32 $0x1B8E;
	s24 =	sld [smem:$0x3FFE];
	[sflag:s23] =	ssyncadd.s32 $0xFFFFFFFF  }
0xa5: {  	s26 =	simm.s32 $execute0_lowered;
	[smem:$0x3FD2] =	sst s25  }
0xa6: {  	s4 =	sshll.u32 s26, $0x1;
	_ =	strace $0x80000052;
	[dreg:$0x1] =	wrdreg $0xFFFFFFFF  }
0xa7: {  	s28 =	simm.s32 $_size_execute0_lowered;
	s2 =	sadd.s32 s2, s4;
	[dreg:$0x0] =	wrdreg $0x0  }
0xa8: {  	s4 =	sshll.u32 s28, $0x1;
	[dreg:$0x2] =	wrdreg s2  }
0xa9: {  	[dreg:$0x3] =	wrdreg s4  }
0xaa: {  	[dreg:$0x4] =	wrdreg $0xC0  }
0xab: {  	_ =	task [dreg:s6], $0x5FFFF  }
0xac: {  	[dreg:$0x1] =	wrdreg $0xFFFFFFFF  }
0xad: {  	[dreg:$0x0] =	wrdreg $0x60  }
0xae: {  	[dreg:$0x2] =	wrdreg s24  }
0xaf: {  	[dreg:$0x3] =	wrdreg $0xA8000  }
0xb0: {  	[dreg:$0x4] =	wrdreg $0x9  }
0xb1: {  	_ =	task.clear_ibuf [dreg:s6], $0x5FFFF;
	_ =	strace $0x90000052  }
0xb2: {  	s29 =	simm.s32 $0x9;
	_ =	strace $0x80000054  }
0xb3: {  	_ =	swait.ge [sflag:s29], $0x1  }
0xb4: {  	[sflag:s29] =	ssyncadd.s32 $0xFFFFFFFF  }
0xb5: {  	_ =	strace $0x90000054  }
0xb6: {  	_ =	sfence  }
0xb7: {  	s30 =	sld [smem:$0x0];
	_ =	sdelay $0x2  }
0xb8: {  	s31 =	sshll.u32 s1, $0xD;
	s1 =	sshrl.u32 s1, $0x2  }
0xb9: {  	s3 =	sand.u32 $0x4000, s31;
	s1 =	sadd.s32 s1, s30  }
0xba: {  	s0 =	sor.u32 s3, s0;
	s1 =	sshll.u32 s1, $0x11  }
0xbb: {  	s0 =	sor.u32 s1, s0  }
0xbc: {  	s0 =	sadd.s32 $0x8F2B, s0  }
0xbd: {  	[sflag:s0] =	ssyncadd.remote.s32 $0x1  }
0xbe: {  	_ =	sfence.sel $0xFFFF  }
0xbf: {  	[dreg:$0x0] =	wrdreg $0xFFFFFFFF;
	(pc) =	sbr.abs _section_cstart, $3  }
0xc0: {  	[dreg:$0x1] =	wrdreg $0xFFFFFFFF  }
0xc1: {  	_ =	task.clear_ibuf [dreg:s6], $0x2FFFF;
	_ =	strace $0x9FFFFFFF  }
0xc2: {  	(tm) =	ssettm $0x7FFFFFFF  }
0xc3: {  	_ =	shalt  }
tec
execute0_lowered:
.L_overlay_start_1:
0x0: {  	(tag) =	ssettag $0x1  }
0x1: {  	s1 =	srdreg.scid;
	s7 =	rddreg [dreg:$0x0]  }
0x2: {  	s0 =	stileid.u32;
	s2 =	rddreg [dreg:$0x1];
	s3 =	simm.s32 $0x0  }
0x3: {  	s15 =	simm.s32 $0x400;
	s16 =	simm.s32 $0x6800;
	s17 =	simm.s32 $0x1  }
0x4: {  	s18 =	simm.s32 $0x0;
	s8 =	sand.u32 $0x1, s1;
	s1 =	rddreg [dreg:$0x2]  }
0x5: {  	s24 =	sshll.u32 s0, $0x1;
	[smem:$0x7FF] =	sst s3;
	s11 =	smul.u32 $0x13C00, s0  }
0x6: {  	s4 =	sadd.s32 $0x4C200, s7;
	s5 =	sadd.s32 $0xF200, s7;
	s13 =	smul.u32 $0x4F000, s0  }
0x7: {  	s26 =	sshrl.u32 s0, $0x2;
	s31 =	sshll.u32 s0, $0x6;
	s10 =	smul.u32 $0x13C000, s8  }
0x8: {  	s9 =	sor.u32 s8, s24;
	s8 =	ssub.s32 $0x2, s8;
	s29 =	smul.u32 $0x30000, s26  }
0x9: {  	_ =	strace $0x80000053;
	s6 =	smul.u32 $0xC00, s9;
	s25 =	sshrl.u32 s8, $0x1  }
0xa: {  	s28 =	sshrl.u32 s13, $0x2;
	s30 =	sshll.u32 s9, $0x7;
	s13 =	simm.s32 $0x2  }
0xb: {  	s10 =	sadd.s32 s11, s10;
	s11 =	ssub.s32 s8, s25;
	s14 =	sadd.s32 s28, s2  }
0xc: {  	s9 =	sand.u32 $0x380, s30;
	s12 =	sadd.s32 s6, s7;
	s6 =	sadd.s32 $0x3F200, s7  }
0xd: {  	s10 =	sshrl.u32 s10, $0x3;
	s9 =	sor.u32 s9, s29;
	s11 =	smax.u32 s11, $0x1  }
0xe: {  	s10 =	sadd.s32 s10, s7;
	s7 =	sor.u32 $0x1C02, s31;
	s8 =	sadd.s32 $0x27200, s12  }
0xf: {  	s12 =	sshrl.u32 s14, $0x3;
	s14 =	simm.s32 $0x80;
	s10 =	sadd.s32 $0x73A00, s10  }
.LBB2_1:
0x10: {  	[spmem:s12], [sflag:s7] =	dma.local [hbm:s6], $0x2780  }
0x11: {  	_ =	swait.ge [sflag:s13], $0x2780  }
0x12: {  	[sflag:s13] =	ssyncset.done $0x0  }
0x13: {  	s19 =	simm.s32 $0x800;
	[sflag:s13] =	ssyncadd.s32 $0xFFFFD880  }
0x14: {  	[tilespmem:s19], [sflag:$0x2] =	stream.linear.gather [hbm4b:s8+s3], $0x6000, $0x38;
	[tilespmem:$0x1E400] =	vst v63  }
0x15: {  	_ =	swait.ge [sflag:s13], $0x6000  }
0x16: {  	[sflag:s13] =	ssyncset.done $0x0  }
0x17: {  	[sflag:s13] =	ssyncadd.s32 $0xFFFFA000  }
0x18: {  	s20 =	simm.s32 $0x0;
	[bflag:$0x0] =	sbarrier.arrive $0xFFFF  }
.LBB2_2:
0x19: {  	s21 =	sshll.u32 s20, $0xE  }
0x1a: {  	s21 =	sadd.s32 s9, s21  }
0x1b: {  	s21 =	sshrl.u32 s21, $0x3  }
0x1c: {  	s22 =	simm.s32 $0x0;
	s21 =	sadd.s32 s5, s21  }
0x1d: {  	[tilespmem:s22], [sflag:$0x2] =	stream.strided.gather [hbm4b:s21+s14], $0x800, s15, s14, $0x38;
	[tilespmem:$0x1E400] =	vst v63  }
0x1e: {  	_ =	swait.ge [sflag:s13], $0x800  }
0x1f: {  	[sflag:s13] =	ssyncset.done $0x0  }
0x20: {  	s30 =	simm.s32 $0x0;
	[sflag:s13] =	ssyncadd.s32 $0xFFFFF800  }
0x21: {  	[tilespmem:s16], [sflag:$0x1] =	stream.indirect.gather [hbm4b:s4+s14], $0x80, s30, s14, $0xb8;
	[tilespmem:$0x1E400] =	vst v63  }
0x22: {  	_ =	swait.ge [sflag:s17], $0x4000  }
0x23: {  	[sflag:s17] =	ssyncset.done $0x0  }
0x24: {  	s31 =	sadd.s32 $0x0, s19;
	[sflag:s17] =	ssyncadd.s32 $0xFFFFC000  }
0x25: {  	[spmem:s2] =	stream.indirect.scatter.add.f32 [tilespmem:s16], [sflag:$0x2], $0x80, s31, s14, $0xb8;
	[tilespmem:$0x1E400] =	vst v63  }
0x26: {  	_ =	swait.ge [sflag:s13], $0x4000  }
0x27: {  	s21 =	simm.s32 $0x200;
	s22 =	simm.s32 $0x400;
	[sflag:s13] =	ssyncset.done $0x0  }
.LBB2_3:
0x28: {  	s23 =	sshra.s32 s21, $0x2  }
0x29: {  	[sflag:s13] =	ssyncadd.s32 $0xFFFFC000;
	s21 =	smov.u32 s22;
	s24 =	sadd.s32 $0x200, s22  }
0x2a: {  	[tilespmem:s16], [sflag:$0x1] =	stream.indirect.gather [hbm4b:s4+s14], $0x80, s23, s14, $0xb8;
	[tilespmem:$0x1E400] =	vst v63  }
0x2b: {  	p0 =	sne.s32 s22, $0x1E00;
	_ =	swait.ge [sflag:s17], $0x4000  }
.Ltmp0:
0x2c: {  	[sflag:s17] =	ssyncset.done $0x0;
	(pc) =	sbr.rel @p0 .LBB2_3-.Ltmp0, $4  }
0x2d: {  	s22 =	sadd.s32 s23, s19;
	[sflag:s17] =	ssyncadd.s32 $0xFFFFC000  }
0x2e: {  	[spmem:s2] =	stream.indirect.scatter.add.f32 [tilespmem:s16], [sflag:$0x2], $0x80, s22, s14, $0xb8;
	[tilespmem:$0x1E400] =	vst v63  }
0x2f: {  	_ =	swait.ge [sflag:s13], $0x4000  }
0x30: {  	s22 =	smov.u32 s24;
	[sflag:s13] =	ssyncset.done $0x0  }
0x31: {  	s21 =	sshra.s32 s21, $0x2;
	[sflag:s13] =	ssyncadd.s32 $0xFFFFC000  }
0x32: {  	[tilespmem:s16], [sflag:$0x1] =	stream.indirect.gather [hbm4b:s4+s14], $0x80, s21, s14, $0xb8;
	[tilespmem:$0x1E400] =	vst v63  }
0x33: {  	s20 =	sadd.s32 $0x1, s20;
	_ =	swait.ge [sflag:s17], $0x4000  }
0x34: {  	p0 =	sne.s32 s20, $0xC;
	[sflag:s17] =	ssyncset.done $0x0  }
.Ltmp1:
0x35: {  	s21 =	sadd.s32 s21, s19;
	[sflag:s17] =	ssyncadd.s32 $0xFFFFC000;
	(pc) =	sbr.rel @p0 .LBB2_2-.Ltmp1, $4  }
0x36: {  	[spmem:s2] =	stream.indirect.scatter.add.f32 [tilespmem:s16], [sflag:$0x2], $0x80, s21, s14, $0xb8;
	[tilespmem:$0x1E400] =	vst v63  }
0x37: {  	_ =	swait.ge [sflag:s13], $0x4000  }
0x38: {  	[sflag:s13] =	ssyncset.done $0x0  }
0x39: {  	s19 =	sadd.s32 $0x800, s19;
	[sflag:s13] =	ssyncadd.s32 $0xFFFFC000  }
0x3a: {  	s18 =	sadd.s32 $0x1, s18  }
0x3b: {  	p0 =	sne.s32 s18, s11  }
.Ltmp2:
0x3c: {  	[bflag:$0x0] =	sbarrier.arrive $0xFFFF;
	(pc) =	sbr.rel @p0 .LBB2_1-.Ltmp2, $4  }
0x3d: {  	[hbm:s10], [sflag:s7] =	dma.local [spmem:s12], $0x2780  }
0x3e: {  	_ =	swait.ge [sflag:s13], $0x2780  }
0x3f: {  	[sflag:s13] =	ssyncset.done $0x0  }
0x40: {  	[sflag:s13] =	ssyncadd.s32 $0xFFFFD880  }
0x41: {  	_ =	sfence.sel $0x180000  }
0x42: {  	[bflag:$0x0] =	sbarrier.arrive $0xFFFF  }
0x43: {  	p0 =	sne.s32 s0, $0x0;
	_ =	strace $0x90000053  }
0x44: {  	s0 =	sadd.s32 @!p0 $0x100000, s1;
	[bflag:$0x2] =	sbarrier.arrive $0xFFFF  }
0x45: {  	[sflag:s0] =	ssyncadd.tile.s32 @!p0 $0x1;
	_ =	shalt  }
.Lfunc_end2:
_tile_overlayer_lowered:
.L_overlay_start_2:
0x46: {  	(tag) =	ssettag $0x2  }
0x47: {  	s0 =	rddreg [dreg:$0x0];
	s2 =	stileid.u32  }
0x48: {  	s1 =	rddreg [dreg:$0x1];
	p0 =	sne.s32 s2, $0x0  }
0x49: {  	s3 =	rddreg [dreg:$0x2];
	[bflag:$0x3] =	sbarrier.arrive $0xFFFF;
	s2 =	simm.s32 @!p0 $0x1C02  }
0x4a: {  	[timem:s3], [sflag:s2] =	dma.local @!p0 [hbm:s0], s1  }
0x4b: {  	s0 =	simm.s32 @!p0 $0x2  }
0x4c: {  	_ =	swait.ge @!p0 [sflag:s0], s1  }
0x4d: {  	s1 =	ssub.s32 @!p0 $0x0, s1;
	[sflag:s0] =	ssyncset.done @!p0 $0x0  }
0x4e: {  	[sflag:s0] =	ssyncadd.s32 @!p0 s1  }
0x4f: {  	[bflag:$0x3] =	sbarrier.arrive $0xFFFF  }
0x50: {  	_ =	shalt  }

// kernel: kernel.31.cloned.1.call-start
scs
__scs_entry_jumppad:
0x0: {  	(pc) =	sbr.rel $0x88, $3  }
0x1: {  	(tag) =	ssettag $0x0;
	lr =	simm.s32 $0x1  }
0x2: {  	[smem:$0x3F9E] =	sst lr;
	_ =	strace $0xD0000000  }
0x3: {  	_ = 	snop  }
0x4: {  	_ = 	snop  }
0x5: {  	_ = 	snop  }
0x6: {  	_ = 	snop  }
0x7: {  	_ = 	snop  }
__scs_overlays_trampoline_lowered:
0x8: {  	[smem:$0x3FAD] =	sst s0  }
0x9: {  	[smem:$0x3FAE] =	sst s1  }
0xa: {  	[smem:$0x3FAF] =	sst s2  }
0xb: {  	[smem:$0x3FB0] =	sst s3  }
0xc: {  	[smem:$0x3FB1] =	sst s4  }
0xd: {  	[smem:$0x3FB2] =	sst s5  }
0xe: {  	[smem:$0x3FB3] =	sst s6  }
0xf: {  	[smem:$0x3FB4] =	sst s7  }
0x10: {  	[smem:$0x3FB5] =	sst s8  }
0x11: {  	[smem:$0x3FB6] =	sst s9;
	s0 =	simm.s32 @!p0 $0x0  }
0x12: {  	s1 =	sld [smem:$0x3F9C];
	s0 =	simm.s32 @p0 $0x1  }
0x13: {  	[smem:$0x3FB7] =	sst s0;
	s0 =	simm.s32 @!p1 $0x0  }
0x14: {  	s2 =	sld [smem:$0x3F9B];
	s0 =	simm.s32 @p1 $0x1  }
0x15: {  	[smem:$0x3FB8] =	sst s0;
	s0 =	simm.s32 @!p2 $0x0  }
0x16: {  	s3 =	sld [smem:$0x3FDB];
	s0 =	simm.s32 @p2 $0x1  }
0x17: {  	s4 =	simm.s32 $0x1BF5;
	[smem:$0x3FBA] =	sst s0  }
0x18: {  	s0 =	sld [smem:$0x3F9D];
	_ =	swait.ge [sflag:s4], $0x0  }
0x19: {  	s7 =	sld [smem:$0x3F9E]  }
0x1a: {  	s8 =	sadd.s32 $0xFFFFE003, lr  }
0x1b: {  	s9 =	sadd.s32 $0xFFFFFEF7, lr;
	s5 =	simm.s32 $0xFFFFFFFF;
	p2 =	slt.u32 s8, $0xFFFFF086  }
0x1c: {  	p1 =	slt.u32 s9, $0xF7A;
	s5 =	simm.s32 @!p2 $0x0  }
0x1d: {  	s5 =	simm.s32 @p1 $0x1;
	p0 =	seq.s32 s7, s2  }
0x1e: {  	s7 =	smul.u32 @!p0 $0xF7A, s2;
	p2 =	seq.s32 @!p0 s5, $0x0  }
0x1f: {  	s9 =	smul.u32 $0xF7A, s1;
	s8 =	simm.s32 @!p0 $0x1BF5;
	p2 =	por !p2, p0  }
0x20: {  	[sflag:s8] =	ssyncset.s32 @!p0 $0xFFFFF086;
	s6 =	sadd.s32 @!p0 s3, s7;
	s7 =	simm.s32 @!p0 $0x108  }
0x21: {  	s3 =	sadd.s32 s3, s9;
	s6 =	sadd.s32 @!p0 $0x88, s6;
	s7 =	simm.s32 @p2 $0x1082  }
0x22: {  	[simem:s7], [sflag:s8] =	dma.local @!p0 [hbm:s6], $0xF7A  }
0x23: {  	s9 =	sor.u32 $0xD0000000, s2;
	s6 =	simm.s32 $0x108;
	_ =	swait.ge @!p0 [sflag:s8], $0x0  }
0x24: {  	s3 =	sadd.s32 $0x88, s3;
	s6 =	simm.s32 @!p1 $0x1082;
	[sflag:s4] =	ssyncset.s32 $0xFFFFF086  }
0x25: {  	[simem:s6], [sflag:s4] =	dma.local [hbm:s3], $0xF7A  }
0x26: {  	[smem:$0x3F9E] =	sst s1;
	(tag) =	ssettag s2;
	_ =	strace s9  }
0x27: {  	s1 =	sld [smem:$0x3FAE]  }
0x28: {  	s2 =	sld [smem:$0x3FAF]  }
0x29: {  	s4 =	sld [smem:$0x3FB1]  }
0x2a: {  	p0 =	seq.s32 s5, $0x0;
	s5 =	sld [smem:$0x3FB2]  }
0x2b: {  	s6 =	sld [smem:$0x3FB3]  }
0x2c: {  	s7 =	sld [smem:$0x3FB4]  }
0x2d: {  	s3 =	simm.s32 $0x108;
	s8 =	sld [smem:$0x3FB5]  }
0x2e: {  	s3 =	simm.s32 @!p0 $0x1082;
	s9 =	sld [smem:$0x3FB6]  }
0x2f: {  	lr =	sadd.s32 s0, s3;
	s0 =	sld [smem:$0x3FAD]  }
0x30: {  	s3 =	sld [smem:$0x3FB0]  }
0x31: {  	[smem:$0x3FB9] =	sst s10  }
0x32: {  	s10 =	sld [smem:$0x3FB7];
	_ =	sdelay $0x3  }
0x33: {  	p0 =	seq.s32 s10, $0x1;
	s10 =	sld [smem:$0x3FB9];
	_ =	sdelay $0x3  }
0x34: {  	[smem:$0x3FB9] =	sst s10  }
0x35: {  	s10 =	sld [smem:$0x3FB8];
	_ =	sdelay $0x3  }
0x36: {  	p1 =	seq.s32 s10, $0x1;
	s10 =	sld [smem:$0x3FB9];
	_ =	sdelay $0x3  }
0x37: {  	[smem:$0x3FB9] =	sst s10  }
0x38: {  	s10 =	sld [smem:$0x3FBA]  }
0x39: {  	_ = 	snop;
	(pc) =	sbr.ind lr, $3  }
0x3a: {  	_ = 	snop  }
0x3b: {  	_ = 	snop  }
0x3c: {  	p2 =	seq.s32 s10, $0x1;
	s10 =	sld [smem:$0x3FB9]  }
0x3d: {  	_ =	shalt  }
0x3e: {  	_ =	shalt  }
0x3f: {  	_ =	shalt  }
0x40: {  	_ =	shalt  }
0x41: {  	_ =	shalt  }
0x42: {  	_ =	shalt  }
0x43: {  	_ =	shalt  }
0x44: {  	_ =	shalt  }
0x45: {  	_ =	shalt  }
0x46: {  	_ =	shalt  }
0x47: {  	_ =	shalt  }
0x48: {  	_ =	shalt  }
0x49: {  	_ =	shalt  }
0x4a: {  	_ =	shalt  }
0x4b: {  	_ =	shalt  }
0x4c: {  	_ =	shalt  }
0x4d: {  	_ =	shalt  }
0x4e: {  	_ =	shalt  }
0x4f: {  	_ =	shalt  }
0x50: {  	_ =	shalt  }
0x51: {  	_ =	shalt  }
0x52: {  	_ =	shalt  }
0x53: {  	_ =	shalt  }
0x54: {  	_ =	shalt  }
0x55: {  	_ =	shalt  }
0x56: {  	_ =	shalt  }
0x57: {  	_ =	shalt  }
0x58: {  	_ =	shalt  }
0x59: {  	_ =	shalt  }
0x5a: {  	_ =	shalt  }
0x5b: {  	_ =	shalt  }
0x5c: {  	_ =	shalt  }
0x5d: {  	_ =	shalt  }
0x5e: {  	_ =	shalt  }
0x5f: {  	_ =	shalt  }
0x60: {  	_ =	shalt  }
0x61: {  	_ =	shalt  }
0x62: {  	_ =	shalt  }
0x63: {  	_ =	shalt  }
0x64: {  	_ =	shalt  }
0x65: {  	_ =	shalt  }
0x66: {  	_ =	shalt  }
0x67: {  	_ =	shalt  }
0x68: {  	_ =	shalt  }
0x69: {  	_ =	shalt  }
0x6a: {  	_ =	shalt  }
0x6b: {  	_ =	shalt  }
0x6c: {  	_ =	shalt  }
0x6d: {  	_ =	shalt  }
0x6e: {  	_ =	shalt  }
0x6f: {  	_ =	shalt  }
0x70: {  	_ =	shalt  }
0x71: {  	_ =	shalt  }
0x72: {  	_ =	shalt  }
0x73: {  	_ =	shalt  }
0x74: {  	_ =	shalt  }
0x75: {  	_ =	shalt  }
0x76: {  	_ =	shalt  }
0x77: {  	_ =	shalt  }
0x78: {  	_ =	shalt  }
0x79: {  	_ =	shalt  }
0x7a: {  	_ =	shalt  }
0x7b: {  	_ =	shalt  }
0x7c: {  	_ =	shalt  }
0x7d: {  	_ =	shalt  }
0x7e: {  	_ =	shalt  }
0x7f: {  	_ =	shalt  }
0x80: {  	_ =	shalt  }
0x81: {  	_ =	shalt  }
0x82: {  	_ =	shalt  }
0x83: {  	_ =	shalt  }
0x84: {  	_ =	shalt  }
0x85: {  	_ =	shalt  }
0x86: {  	_ =	shalt  }
0x87: {  	_ =	shalt  }
.Lfunc_end0:
.L_simem_size_0:
called_computation.5_lowered:
.L_overlay_start_0:
0x88: {  	s2 =	sld [smem:$0x3FD9]  }
0x89: {  	s3 =	sld [smem:$0x3FFE];
	_ =	sdelay $0x1  }
0x8a: {  	s1 =	srdreg.scid  }
0x8b: {  	s0 =	sand.u32 $0x1, s1  }
0x8c: {  	s16 =	sshll.u32 s0, $0xA;
	s2 =	sadd.s32 s3, s2  }
0x8d: {  	s2 =	sadd.s32 s2, s16  }
0x8e: {  	[smem:$0x3FC5] =	sst s2  }
0x8f: {  	_ = 	snop  }
0x90: {  	(tm) =	ssettm $0x1  }
0x91: {  	s17 =	sld [smem:$0x3FFB];
	_ =	sdelay $0x3  }
0x92: {  	_ =	strace s17  }
0x93: {  	s2 =	sld [smem:$0x3FFC];
	_ =	sdelay $0x3  }
0x94: {  	_ =	strace s2  }
0x95: {  	s2 =	sld [smem:$0x3FFD];
	_ =	sdelay $0x3  }
0x96: {  	_ =	strace s2  }
0x97: {  	_ =	strace $0x8FFFFFFF  }
0x98: {  	s18 =	sld [smem:$0x3FDB];
	_ =	sdelay $0x1  }
0x99: {  	s19 =	simm.s32 $_scs_section_size  }
0x9a: {  	s4 =	simm.s32 $_size__tile_overlayer_lowered;
	s5 =	simm.s32 $_tile_overlayer_lowered  }
0x9b: {  	s22 =	simm.s32 $0x1BFF;
	s21 =	sshll.u32 s5, $0x1;
	s2 =	sadd.s32 s19, s18  }
0x9c: {  	s6 =	simm.s32 $0x0;
	s20 =	sshll.u32 s4, $0x1;
	s4 =	sadd.s32 s21, s2  }
0x9d: {  	[timem:s6], [sflag:s22] =	dma.local [hbm:s4], s20  }
0x9e: {  	_ =	swait.ge [sflag:s22], s20  }
0x9f: {  	s3 =	ssub.s32 $0x0, s20;
	[sflag:s22] =	ssyncset.done $0x0  }
0xa0: {  	[sflag:s22] =	ssyncadd.s32 s3;
	_ =	sdelay $0x1  }
0xa1: {  	s23 =	simm.s32 $0x1B8B  }
0xa2: {  	_ =	swait.ge [sflag:s23], $0x1  }
0xa3: {  	[sflag:s23] =	ssyncset.done $0x0  }
0xa4: {  	s25 =	simm.s32 $0x1B8E;
	s24 =	sld [smem:$0x3FFE];
	[sflag:s23] =	ssyncadd.s32 $0xFFFFFFFF  }
0xa5: {  	s26 =	simm.s32 $execute0_lowered;
	[smem:$0x3FD2] =	sst s25  }
0xa6: {  	s4 =	sshll.u32 s26, $0x1;
	_ =	strace $0x80000055;
	[dreg:$0x1] =	wrdreg $0xFFFFFFFF  }
0xa7: {  	s28 =	simm.s32 $_size_execute0_lowered;
	s2 =	sadd.s32 s2, s4;
	[dreg:$0x0] =	wrdreg $0x0  }
0xa8: {  	s4 =	sshll.u32 s28, $0x1;
	[dreg:$0x2] =	wrdreg s2  }
0xa9: {  	[dreg:$0x3] =	wrdreg s4  }
0xaa: {  	[dreg:$0x4] =	wrdreg $0xC0  }
0xab: {  	_ =	task [dreg:s6], $0x5FFFF  }
0xac: {  	[dreg:$0x1] =	wrdreg $0xFFFFFFFF  }
0xad: {  	[dreg:$0x0] =	wrdreg $0x60  }
0xae: {  	[dreg:$0x2] =	wrdreg s24  }
0xaf: {  	[dreg:$0x3] =	wrdreg $0xA8000  }
0xb0: {  	[dreg:$0x4] =	wrdreg $0x9  }
0xb1: {  	_ =	task.clear_ibuf [dreg:s6], $0x5FFFF;
	_ =	strace $0x90000055  }
0xb2: {  	s29 =	simm.s32 $0x9;
	_ =	strace $0x80000057  }
0xb3: {  	_ =	swait.ge [sflag:s29], $0x1  }
0xb4: {  	[sflag:s29] =	ssyncadd.s32 $0xFFFFFFFF  }
0xb5: {  	_ =	strace $0x90000057  }
0xb6: {  	_ =	sfence  }
0xb7: {  	s30 =	sld [smem:$0x0];
	_ =	sdelay $0x2  }
0xb8: {  	s31 =	sshll.u32 s1, $0xD;
	s1 =	sshrl.u32 s1, $0x2  }
0xb9: {  	s3 =	sand.u32 $0x4000, s31;
	s1 =	sadd.s32 s1, s30  }
0xba: {  	s0 =	sor.u32 s3, s0;
	s1 =	sshll.u32 s1, $0x11  }
0xbb: {  	s0 =	sor.u32 s1, s0  }
0xbc: {  	s0 =	sadd.s32 $0x8F2B, s0  }
0xbd: {  	[sflag:s0] =	ssyncadd.remote.s32 $0x1  }
0xbe: {  	_ =	sfence.sel $0xFFFF  }
0xbf: {  	[dreg:$0x0] =	wrdreg $0xFFFFFFFF;
	(pc) =	sbr.abs _section_cstart, $3  }
0xc0: {  	[dreg:$0x1] =	wrdreg $0xFFFFFFFF  }
0xc1: {  	_ =	task.clear_ibuf [dreg:s6], $0x2FFFF;
	_ =	strace $0x9FFFFFFF  }
0xc2: {  	(tm) =	ssettm $0x7FFFFFFF  }
0xc3: {  	_ =	shalt  }
tec
execute0_lowered:
.L_overlay_start_1:
0x0: {  	(tag) =	ssettag $0x1  }
0x1: {  	s1 =	srdreg.scid;
	s7 =	rddreg [dreg:$0x0]  }
0x2: {  	s0 =	stileid.u32;
	s2 =	rddreg [dreg:$0x1];
	s3 =	simm.s32 $0x0  }
0x3: {  	s15 =	simm.s32 $0x400;
	s16 =	simm.s32 $0x6800;
	s17 =	simm.s32 $0x1  }
0x4: {  	s18 =	simm.s32 $0x0;
	s8 =	sand.u32 $0x1, s1;
	s1 =	rddreg [dreg:$0x2]  }
0x5: {  	s24 =	sshll.u32 s0, $0x1;
	[smem:$0x7FF] =	sst s3;
	s11 =	smul.u32 $0x13C00, s0  }
0x6: {  	s4 =	sadd.s32 $0x73A00, s7;
	s5 =	sadd.s32 $0xF200, s7;
	s13 =	smul.u32 $0x4F000, s0  }
0x7: {  	s26 =	sshrl.u32 s0, $0x2;
	s31 =	sshll.u32 s0, $0x6;
	s10 =	smul.u32 $0x13C000, s8  }
0x8: {  	s9 =	sor.u32 s8, s24;
	s8 =	ssub.s32 $0x2, s8;
	s29 =	smul.u32 $0x30000, s26  }
0x9: {  	_ =	strace $0x80000056;
	s6 =	smul.u32 $0xC00, s9;
	s25 =	sshrl.u32 s8, $0x1  }
0xa: {  	s28 =	sshrl.u32 s13, $0x2;
	s30 =	sshll.u32 s9, $0x7;
	s13 =	simm.s32 $0x2  }
0xb: {  	s10 =	sadd.s32 s11, s10;
	s11 =	ssub.s32 s8, s25;
	s14 =	sadd.s32 s28, s2  }
0xc: {  	s9 =	sand.u32 $0x380, s30;
	s12 =	sadd.s32 s6, s7;
	s6 =	sadd.s32 $0x3F200, s7  }
0xd: {  	s10 =	sshrl.u32 s10, $0x3;
	s9 =	sor.u32 s9, s29;
	s11 =	smax.u32 s11, $0x1  }
0xe: {  	s10 =	sadd.s32 s10, s7;
	s7 =	sor.u32 $0x1C02, s31;
	s8 =	sadd.s32 $0x27200, s12  }
0xf: {  	s12 =	sshrl.u32 s14, $0x3;
	s14 =	simm.s32 $0x80;
	s10 =	sadd.s32 $0x9B200, s10  }
.LBB2_1:
0x10: {  	[spmem:s12], [sflag:s7] =	dma.local [hbm:s6], $0x2780  }
0x11: {  	_ =	swait.ge [sflag:s13], $0x2780  }
0x12: {  	[sflag:s13] =	ssyncset.done $0x0  }
0x13: {  	s19 =	simm.s32 $0x800;
	[sflag:s13] =	ssyncadd.s32 $0xFFFFD880  }
0x14: {  	[tilespmem:s19], [sflag:$0x2] =	stream.linear.gather [hbm4b:s8+s3], $0x6000, $0x38;
	[tilespmem:$0x1E400] =	vst v63  }
0x15: {  	_ =	swait.ge [sflag:s13], $0x6000  }
0x16: {  	[sflag:s13] =	ssyncset.done $0x0  }
0x17: {  	[sflag:s13] =	ssyncadd.s32 $0xFFFFA000  }
0x18: {  	s20 =	simm.s32 $0x0;
	[bflag:$0x0] =	sbarrier.arrive $0xFFFF  }
.LBB2_2:
0x19: {  	s21 =	sshll.u32 s20, $0xE  }
0x1a: {  	s21 =	sadd.s32 s9, s21  }
0x1b: {  	s21 =	sshrl.u32 s21, $0x3  }
0x1c: {  	s22 =	simm.s32 $0x0;
	s21 =	sadd.s32 s5, s21  }
0x1d: {  	[tilespmem:s22], [sflag:$0x2] =	stream.strided.gather [hbm4b:s21+s14], $0x800, s15, s14, $0x38;
	[tilespmem:$0x1E400] =	vst v63  }
0x1e: {  	_ =	swait.ge [sflag:s13], $0x800  }
0x1f: {  	[sflag:s13] =	ssyncset.done $0x0  }
0x20: {  	s30 =	simm.s32 $0x0;
	[sflag:s13] =	ssyncadd.s32 $0xFFFFF800  }
0x21: {  	[tilespmem:s16], [sflag:$0x1] =	stream.indirect.gather [hbm4b:s4+s14], $0x80, s30, s14, $0xb8;
	[tilespmem:$0x1E400] =	vst v63  }
0x22: {  	_ =	swait.ge [sflag:s17], $0x4000  }
0x23: {  	[sflag:s17] =	ssyncset.done $0x0  }
0x24: {  	s31 =	sadd.s32 $0x0, s19;
	[sflag:s17] =	ssyncadd.s32 $0xFFFFC000  }
0x25: {  	[spmem:s2] =	stream.indirect.scatter.add.f32 [tilespmem:s16], [sflag:$0x2], $0x80, s31, s14, $0xb8;
	[tilespmem:$0x1E400] =	vst v63  }
0x26: {  	_ =	swait.ge [sflag:s13], $0x4000  }
0x27: {  	s21 =	simm.s32 $0x200;
	s22 =	simm.s32 $0x400;
	[sflag:s13] =	ssyncset.done $0x0  }
.LBB2_3:
0x28: {  	s23 =	sshra.s32 s21, $0x2  }
0x29: {  	[sflag:s13] =	ssyncadd.s32 $0xFFFFC000;
	s21 =	smov.u32 s22;
	s24 =	sadd.s32 $0x200, s22  }
0x2a: {  	[tilespmem:s16], [sflag:$0x1] =	stream.indirect.gather [hbm4b:s4+s14], $0x80, s23, s14, $0xb8;
	[tilespmem:$0x1E400] =	vst v63  }
0x2b: {  	p0 =	sne.s32 s22, $0x1E00;
	_ =	swait.ge [sflag:s17], $0x4000  }
.Ltmp0:
0x2c: {  	[sflag:s17] =	ssyncset.done $0x0;
	(pc) =	sbr.rel @p0 .LBB2_3-.Ltmp0, $4  }
0x2d: {  	s22 =	sadd.s32 s23, s19;
	[sflag:s17] =	ssyncadd.s32 $0xFFFFC000  }
0x2e: {  	[spmem:s2] =	stream.indirect.scatter.add.f32 [tilespmem:s16], [sflag:$0x2], $0x80, s22, s14, $0xb8;
	[tilespmem:$0x1E400] =	vst v63  }
0x2f: {  	_ =	swait.ge [sflag:s13], $0x4000  }
0x30: {  	s22 =	smov.u32 s24;
	[sflag:s13] =	ssyncset.done $0x0  }
0x31: {  	s21 =	sshra.s32 s21, $0x2;
	[sflag:s13] =	ssyncadd.s32 $0xFFFFC000  }
0x32: {  	[tilespmem:s16], [sflag:$0x1] =	stream.indirect.gather [hbm4b:s4+s14], $0x80, s21, s14, $0xb8;
	[tilespmem:$0x1E400] =	vst v63  }
0x33: {  	s20 =	sadd.s32 $0x1, s20;
	_ =	swait.ge [sflag:s17], $0x4000  }
0x34: {  	p0 =	sne.s32 s20, $0xC;
	[sflag:s17] =	ssyncset.done $0x0  }
.Ltmp1:
0x35: {  	s21 =	sadd.s32 s21, s19;
	[sflag:s17] =	ssyncadd.s32 $0xFFFFC000;
	(pc) =	sbr.rel @p0 .LBB2_2-.Ltmp1, $4  }
0x36: {  	[spmem:s2] =	stream.indirect.scatter.add.f32 [tilespmem:s16], [sflag:$0x2], $0x80, s21, s14, $0xb8;
	[tilespmem:$0x1E400] =	vst v63  }
0x37: {  	_ =	swait.ge [sflag:s13], $0x4000  }
0x38: {  	[sflag:s13] =	ssyncset.done $0x0  }
0x39: {  	s19 =	sadd.s32 $0x800, s19;
	[sflag:s13] =	ssyncadd.s32 $0xFFFFC000  }
0x3a: {  	s18 =	sadd.s32 $0x1, s18  }
0x3b: {  	p0 =	sne.s32 s18, s11  }
.Ltmp2:
0x3c: {  	[bflag:$0x0] =	sbarrier.arrive $0xFFFF;
	(pc) =	sbr.rel @p0 .LBB2_1-.Ltmp2, $4  }
0x3d: {  	[hbm:s10], [sflag:s7] =	dma.local [spmem:s12], $0x2780  }
0x3e: {  	_ =	swait.ge [sflag:s13], $0x2780  }
0x3f: {  	[sflag:s13] =	ssyncset.done $0x0  }
0x40: {  	[sflag:s13] =	ssyncadd.s32 $0xFFFFD880  }
0x41: {  	_ =	sfence.sel $0x180000  }
0x42: {  	[bflag:$0x0] =	sbarrier.arrive $0xFFFF  }
0x43: {  	p0 =	sne.s32 s0, $0x0;
	_ =	strace $0x90000056  }
0x44: {  	s0 =	sadd.s32 @!p0 $0x100000, s1;
	[bflag:$0x2] =	sbarrier.arrive $0xFFFF  }
0x45: {  	[sflag:s0] =	ssyncadd.tile.s32 @!p0 $0x1;
	_ =	shalt  }
.Lfunc_end2:
_tile_overlayer_lowered:
.L_overlay_start_2:
0x46: {  	(tag) =	ssettag $0x2  }
0x47: {  	s0 =	rddreg [dreg:$0x0];
	s2 =	stileid.u32  }
0x48: {  	s1 =	rddreg [dreg:$0x1];
	p0 =	sne.s32 s2, $0x0  }
0x49: {  	s3 =	rddreg [dreg:$0x2];
	[bflag:$0x3] =	sbarrier.arrive $0xFFFF;
	s2 =	simm.s32 @!p0 $0x1C02  }
0x4a: {  	[timem:s3], [sflag:s2] =	dma.local @!p0 [hbm:s0], s1  }
0x4b: {  	s0 =	simm.s32 @!p0 $0x2  }
0x4c: {  	_ =	swait.ge @!p0 [sflag:s0], s1  }
0x4d: {  	s1 =	ssub.s32 @!p0 $0x0, s1;
	[sflag:s0] =	ssyncset.done @!p0 $0x0  }
0x4e: {  	[sflag:s0] =	ssyncadd.s32 @!p0 s1  }
0x4f: {  	[bflag:$0x3] =	sbarrier.arrive $0xFFFF  }
0x50: {  	_ =	shalt  }

// kernel: kernel.34.cloned.1.call-start
scs
__scs_entry_jumppad:
0x0: {  	(pc) =	sbr.rel $0x88, $3  }
0x1: {  	(tag) =	ssettag $0x0;
	lr =	simm.s32 $0x1  }
0x2: {  	[smem:$0x3F9E] =	sst lr;
	_ =	strace $0xD0000000  }
0x3: {  	_ = 	snop  }
0x4: {  	_ = 	snop  }
0x5: {  	_ = 	snop  }
0x6: {  	_ = 	snop  }
0x7: {  	_ = 	snop  }
__scs_overlays_trampoline_lowered:
0x8: {  	[smem:$0x3FAD] =	sst s0  }
0x9: {  	[smem:$0x3FAE] =	sst s1  }
0xa: {  	[smem:$0x3FAF] =	sst s2  }
0xb: {  	[smem:$0x3FB0] =	sst s3  }
0xc: {  	[smem:$0x3FB1] =	sst s4  }
0xd: {  	[smem:$0x3FB2] =	sst s5  }
0xe: {  	[smem:$0x3FB3] =	sst s6  }
0xf: {  	[smem:$0x3FB4] =	sst s7  }
0x10: {  	[smem:$0x3FB5] =	sst s8  }
0x11: {  	[smem:$0x3FB6] =	sst s9;
	s0 =	simm.s32 @!p0 $0x0  }
0x12: {  	s1 =	sld [smem:$0x3F9C];
	s0 =	simm.s32 @p0 $0x1  }
0x13: {  	[smem:$0x3FB7] =	sst s0;
	s0 =	simm.s32 @!p1 $0x0  }
0x14: {  	s2 =	sld [smem:$0x3F9B];
	s0 =	simm.s32 @p1 $0x1  }
0x15: {  	[smem:$0x3FB8] =	sst s0;
	s0 =	simm.s32 @!p2 $0x0  }
0x16: {  	s3 =	sld [smem:$0x3FDB];
	s0 =	simm.s32 @p2 $0x1  }
0x17: {  	s4 =	simm.s32 $0x1BF5;
	[smem:$0x3FBA] =	sst s0  }
0x18: {  	s0 =	sld [smem:$0x3F9D];
	_ =	swait.ge [sflag:s4], $0x0  }
0x19: {  	s7 =	sld [smem:$0x3F9E]  }
0x1a: {  	s8 =	sadd.s32 $0xFFFFE003, lr  }
0x1b: {  	s9 =	sadd.s32 $0xFFFFFEF7, lr;
	s5 =	simm.s32 $0xFFFFFFFF;
	p2 =	slt.u32 s8, $0xFFFFF086  }
0x1c: {  	p1 =	slt.u32 s9, $0xF7A;
	s5 =	simm.s32 @!p2 $0x0  }
0x1d: {  	s5 =	simm.s32 @p1 $0x1;
	p0 =	seq.s32 s7, s2  }
0x1e: {  	s7 =	smul.u32 @!p0 $0xF7A, s2;
	p2 =	seq.s32 @!p0 s5, $0x0  }
0x1f: {  	s9 =	smul.u32 $0xF7A, s1;
	s8 =	simm.s32 @!p0 $0x1BF5;
	p2 =	por !p2, p0  }
0x20: {  	[sflag:s8] =	ssyncset.s32 @!p0 $0xFFFFF086;
	s6 =	sadd.s32 @!p0 s3, s7;
	s7 =	simm.s32 @!p0 $0x108  }
0x21: {  	s3 =	sadd.s32 s3, s9;
	s6 =	sadd.s32 @!p0 $0x88, s6;
	s7 =	simm.s32 @p2 $0x1082  }
0x22: {  	[simem:s7], [sflag:s8] =	dma.local @!p0 [hbm:s6], $0xF7A  }
0x23: {  	s9 =	sor.u32 $0xD0000000, s2;
	s6 =	simm.s32 $0x108;
	_ =	swait.ge @!p0 [sflag:s8], $0x0  }
0x24: {  	s3 =	sadd.s32 $0x88, s3;
	s6 =	simm.s32 @!p1 $0x1082;
	[sflag:s4] =	ssyncset.s32 $0xFFFFF086  }
0x25: {  	[simem:s6], [sflag:s4] =	dma.local [hbm:s3], $0xF7A  }
0x26: {  	[smem:$0x3F9E] =	sst s1;
	(tag) =	ssettag s2;
	_ =	strace s9  }
0x27: {  	s1 =	sld [smem:$0x3FAE]  }
0x28: {  	s2 =	sld [smem:$0x3FAF]  }
0x29: {  	s4 =	sld [smem:$0x3FB1]  }
0x2a: {  	p0 =	seq.s32 s5, $0x0;
	s5 =	sld [smem:$0x3FB2]  }
0x2b: {  	s6 =	sld [smem:$0x3FB3]  }
0x2c: {  	s7 =	sld [smem:$0x3FB4]  }
0x2d: {  	s3 =	simm.s32 $0x108;
	s8 =	sld [smem:$0x3FB5]  }
0x2e: {  	s3 =	simm.s32 @!p0 $0x1082;
	s9 =	sld [smem:$0x3FB6]  }
0x2f: {  	lr =	sadd.s32 s0, s3;
	s0 =	sld [smem:$0x3FAD]  }
0x30: {  	s3 =	sld [smem:$0x3FB0]  }
0x31: {  	[smem:$0x3FB9] =	sst s10  }
0x32: {  	s10 =	sld [smem:$0x3FB7];
	_ =	sdelay $0x3  }
0x33: {  	p0 =	seq.s32 s10, $0x1;
	s10 =	sld [smem:$0x3FB9];
	_ =	sdelay $0x3  }
0x34: {  	[smem:$0x3FB9] =	sst s10  }
0x35: {  	s10 =	sld [smem:$0x3FB8];
	_ =	sdelay $0x3  }
0x36: {  	p1 =	seq.s32 s10, $0x1;
	s10 =	sld [smem:$0x3FB9];
	_ =	sdelay $0x3  }
0x37: {  	[smem:$0x3FB9] =	sst s10  }
0x38: {  	s10 =	sld [smem:$0x3FBA]  }
0x39: {  	_ = 	snop;
	(pc) =	sbr.ind lr, $3  }
0x3a: {  	_ = 	snop  }
0x3b: {  	_ = 	snop  }
0x3c: {  	p2 =	seq.s32 s10, $0x1;
	s10 =	sld [smem:$0x3FB9]  }
0x3d: {  	_ =	shalt  }
0x3e: {  	_ =	shalt  }
0x3f: {  	_ =	shalt  }
0x40: {  	_ =	shalt  }
0x41: {  	_ =	shalt  }
0x42: {  	_ =	shalt  }
0x43: {  	_ =	shalt  }
0x44: {  	_ =	shalt  }
0x45: {  	_ =	shalt  }
0x46: {  	_ =	shalt  }
0x47: {  	_ =	shalt  }
0x48: {  	_ =	shalt  }
0x49: {  	_ =	shalt  }
0x4a: {  	_ =	shalt  }
0x4b: {  	_ =	shalt  }
0x4c: {  	_ =	shalt  }
0x4d: {  	_ =	shalt  }
0x4e: {  	_ =	shalt  }
0x4f: {  	_ =	shalt  }
0x50: {  	_ =	shalt  }
0x51: {  	_ =	shalt  }
0x52: {  	_ =	shalt  }
0x53: {  	_ =	shalt  }
0x54: {  	_ =	shalt  }
0x55: {  	_ =	shalt  }
0x56: {  	_ =	shalt  }
0x57: {  	_ =	shalt  }
0x58: {  	_ =	shalt  }
0x59: {  	_ =	shalt  }
0x5a: {  	_ =	shalt  }
0x5b: {  	_ =	shalt  }
0x5c: {  	_ =	shalt  }
0x5d: {  	_ =	shalt  }
0x5e: {  	_ =	shalt  }
0x5f: {  	_ =	shalt  }
0x60: {  	_ =	shalt  }
0x61: {  	_ =	shalt  }
0x62: {  	_ =	shalt  }
0x63: {  	_ =	shalt  }
0x64: {  	_ =	shalt  }
0x65: {  	_ =	shalt  }
0x66: {  	_ =	shalt  }
0x67: {  	_ =	shalt  }
0x68: {  	_ =	shalt  }
0x69: {  	_ =	shalt  }
0x6a: {  	_ =	shalt  }
0x6b: {  	_ =	shalt  }
0x6c: {  	_ =	shalt  }
0x6d: {  	_ =	shalt  }
0x6e: {  	_ =	shalt  }
0x6f: {  	_ =	shalt  }
0x70: {  	_ =	shalt  }
0x71: {  	_ =	shalt  }
0x72: {  	_ =	shalt  }
0x73: {  	_ =	shalt  }
0x74: {  	_ =	shalt  }
0x75: {  	_ =	shalt  }
0x76: {  	_ =	shalt  }
0x77: {  	_ =	shalt  }
0x78: {  	_ =	shalt  }
0x79: {  	_ =	shalt  }
0x7a: {  	_ =	shalt  }
0x7b: {  	_ =	shalt  }
0x7c: {  	_ =	shalt  }
0x7d: {  	_ =	shalt  }
0x7e: {  	_ =	shalt  }
0x7f: {  	_ =	shalt  }
0x80: {  	_ =	shalt  }
0x81: {  	_ =	shalt  }
0x82: {  	_ =	shalt  }
0x83: {  	_ =	shalt  }
0x84: {  	_ =	shalt  }
0x85: {  	_ =	shalt  }
0x86: {  	_ =	shalt  }
0x87: {  	_ =	shalt  }
.Lfunc_end0:
.L_simem_size_0:
called_computation.6_lowered:
.L_overlay_start_0:
0x88: {  	s2 =	sld [smem:$0x3FD9]  }
0x89: {  	s3 =	sld [smem:$0x3FFE];
	_ =	sdelay $0x1  }
0x8a: {  	s1 =	srdreg.scid  }
0x8b: {  	s0 =	sand.u32 $0x1, s1  }
0x8c: {  	s14 =	sshll.u32 s0, $0xA;
	s2 =	sadd.s32 s3, s2  }
0x8d: {  	s2 =	sadd.s32 s2, s14  }
0x8e: {  	[smem:$0x3FC5] =	sst s2  }
0x8f: {  	_ = 	snop  }
0x90: {  	s2 =	sld [smem:$0x3FD0];
	_ =	sdelay $0x2  }
0x91: {  	s15 =	simm.s32 $0xA;
	s4 =	simm.s32 $0x10  }
0x92: {  	[smem:s4], [sflag:s15] =	dma.local [hbm:s2], $0x1  }
0x93: {  	_ =	swait.eq [sflag:s15], $0x1  }
0x94: {  	s16 =	sld [smem:$0x10]  }
0x95: {  	s17 =	sld [smem:$0x11]  }
0x96: {  	s5 =	sld [smem:$0x12]  }
0x97: {  	s6 =	sld [smem:$0x13]  }
0x98: {  	s7 =	sld [smem:$0x14]  }
0x99: {  	s8 =	sld [smem:$0x15];
	[sflag:s15] =	ssyncset.done $0x0  }
0x9a: {  	s9 =	sld [smem:$0x16];
	[sflag:s15] =	ssyncadd.s32 $0xFFFFFFFF  }
0x9b: {  	s18 =	sld [smem:$0x17];
	(tm) =	ssettm $0x1  }
0x9c: {  	s10 =	sld [smem:$0x3FFB];
	_ =	sdelay $0x3  }
0x9d: {  	_ =	strace s10  }
0x9e: {  	s10 =	sld [smem:$0x3FFC];
	_ =	sdelay $0x3  }
0x9f: {  	_ =	strace s10  }
0xa0: {  	s10 =	sld [smem:$0x3FFD];
	_ =	sdelay $0x3  }
0xa1: {  	_ =	strace s10  }
0xa2: {  	_ =	strace $0x8FFFFFFF  }
0xa3: {  	s19 =	sld [smem:$0x3FDB];
	_ =	sdelay $0x1  }
0xa4: {  	s11 =	simm.s32 $_scs_section_size  }
0xa5: {  	s12 =	simm.s32 $_size__tile_overlayer_lowered;
	s13 =	simm.s32 $_tile_overlayer_lowered  }
0xa6: {  	s22 =	simm.s32 $0x1BFF;
	s21 =	sshll.u32 s13, $0x1;
	s10 =	sadd.s32 s11, s19  }
0xa7: {  	s20 =	sshll.u32 s12, $0x1;
	s14 =	simm.s32 $0x0;
	s12 =	sadd.s32 s21, s10  }
0xa8: {  	[timem:s14], [sflag:s22] =	dma.local [hbm:s12], s20  }
0xa9: {  	_ =	swait.ge [sflag:s22], s20  }
0xaa: {  	s11 =	ssub.s32 $0x0, s20;
	[sflag:s22] =	ssyncset.done $0x0  }
0xab: {  	[sflag:s22] =	ssyncadd.s32 s11;
	_ =	sdelay $0x1  }
0xac: {  	s23 =	simm.s32 $0x1B8B  }
0xad: {  	_ =	swait.ge [sflag:s23], $0x1  }
0xae: {  	[sflag:s23] =	ssyncset.done $0x0  }
0xaf: {  	s25 =	simm.s32 $0x1B8E;
	s24 =	sld [smem:$0x3FFE];
	[sflag:s23] =	ssyncadd.s32 $0xFFFFFFFF  }
0xb0: {  	s26 =	simm.s32 $execute0_lowered;
	[smem:$0x3FD2] =	sst s25  }
0xb1: {  	s12 =	sshll.u32 s26, $0x1;
	_ =	strace $0x80000058;
	[dreg:$0x1] =	wrdreg $0xFFFFFFFF  }
0xb2: {  	s28 =	simm.s32 $_size_execute0_lowered;
	s10 =	sadd.s32 s10, s12;
	[dreg:$0x0] =	wrdreg $0x0  }
0xb3: {  	s12 =	sshll.u32 s28, $0x1;
	[dreg:$0x2] =	wrdreg s10  }
0xb4: {  	[dreg:$0x3] =	wrdreg s12  }
0xb5: {  	[dreg:$0x4] =	wrdreg $0xC0  }
0xb6: {  	_ =	task [dreg:s14], $0x5FFFF  }
0xb7: {  	[dreg:$0x1] =	wrdreg $0xFFFFFFFF  }
0xb8: {  	[dreg:$0x0] =	wrdreg $0x60  }
0xb9: {  	[dreg:$0x2] =	wrdreg s24  }
0xba: {  	[dreg:$0x3] =	wrdreg s16  }
0xbb: {  	[dreg:$0x4] =	wrdreg s17  }
0xbc: {  	[dreg:$0x5] =	wrdreg s5  }
0xbd: {  	[dreg:$0x6] =	wrdreg s6  }
0xbe: {  	[dreg:$0x7] =	wrdreg s7  }
0xbf: {  	[dreg:$0x8] =	wrdreg s8  }
0xc0: {  	[dreg:$0x9] =	wrdreg s9  }
0xc1: {  	[dreg:$0xa] =	wrdreg s18  }
0xc2: {  	[dreg:$0xb] =	wrdreg $0x9  }
0xc3: {  	_ =	task.clear_ibuf [dreg:s14], $0xCFFFF;
	_ =	strace $0x90000058  }
0xc4: {  	s29 =	simm.s32 $0x9;
	_ =	strace $0x8000005A  }
0xc5: {  	_ =	swait.ge [sflag:s29], $0x1  }
0xc6: {  	[sflag:s29] =	ssyncadd.s32 $0xFFFFFFFF  }
0xc7: {  	_ =	strace $0x9000005A  }
0xc8: {  	_ =	sfence  }
0xc9: {  	s30 =	sld [smem:$0x0];
	_ =	sdelay $0x2  }
0xca: {  	s31 =	sshll.u32 s1, $0xD;
	s1 =	sshrl.u32 s1, $0x2  }
0xcb: {  	s3 =	sand.u32 $0x4000, s31;
	s1 =	sadd.s32 s1, s30  }
0xcc: {  	s0 =	sor.u32 s3, s0;
	s1 =	sshll.u32 s1, $0x11  }
0xcd: {  	s0 =	sor.u32 s1, s0  }
0xce: {  	s0 =	sadd.s32 $0x8F2B, s0  }
0xcf: {  	[sflag:s0] =	ssyncadd.remote.s32 $0x1  }
0xd0: {  	_ =	sfence.sel $0xFFFF  }
0xd1: {  	[dreg:$0x0] =	wrdreg $0xFFFFFFFF;
	(pc) =	sbr.abs _section_cstart, $3  }
0xd2: {  	[dreg:$0x1] =	wrdreg $0xFFFFFFFF  }
0xd3: {  	_ =	task.clear_ibuf [dreg:s14], $0x2FFFF;
	_ =	strace $0x9FFFFFFF  }
0xd4: {  	(tm) =	ssettm $0x7FFFFFFF  }
0xd5: {  	_ =	shalt  }
tec
execute0_lowered:
.L_overlay_start_1:
0x0: {  	(tag) =	ssettag $0x1  }
0x1: {  	s0 =	rddreg [dreg:$0x0]  }
0x2: {  	s8 =	rddreg [dreg:$0x7];
	s1 =	srdreg.scid  }
0x3: {  	s2 =	stileid.u32;
	s9 =	rddreg [dreg:$0x8];
	s10 =	simm.s32 $0x0  }
0x4: {  	s21 =	simm.s32 $0x2;
	s28 =	simm.s32 $0x4A00;
	s29 =	simm.s32 $0x6A00  }
0x5: {  	s30 =	simm.s32 $0x8A00;
	s31 =	simm.s32 $0xAA00;
	s7 =	simm.s32 $0xCA00  }
0x6: {  	s4 =	simm.s32 $0xEA00;
	s22 =	simm.s32 $0xEA80;
	s15 =	simm.s32 $0xEB00  }
0x7: {  	s19 =	simm.s32 $0xEB80;
	s20 =	simm.s32 $0xEC00;
	s16 =	simm.s32 $0xEC80  }
0x8: {  	s17 =	simm.s32 $0xED00;
	s1 =	sand.u32 $0x1, s1;
	s2 =	sshll.u32 s2, $0x1  }
0x9: {  	s18 =	simm.s32 $0xED80;
	[smem:$0x7FF] =	sst s10;
	s2 =	sor.u32 s1, s2  }
0xa: {  	s12 =	sadd.s32 $0x73A00, s0;
	s11 =	sshll.u32 s2, $0x8;
	s2 =	sshll.u32 s2, $0x7  }
0xb: {  	s13 =	sadd.s32 $0x5600, s0;
	s3 =	sand.u32 $0x1800, s11;
	s2 =	sand.u32 $0x380, s2  }
0xc: {  	s14 =	sadd.s32 $0x4C200, s0;
	s1 =	ssub.s32 $0x2, s1;
	s2 =	sor.u32 s2, s3  }
0xd: {  	_ =	strace $0x80000059;
	s23 =	sshrl.u32 s1, $0x1;
	s2 =	sshrl.u32 s2, $0x3  }
0xe: {  	s24 =	ssub.s32 s1, s23;
	s2 =	sadd.s32 s2, s0;
	s0 =	sadd.s32 $0x5000, s0  }
0xf: {  	s23 =	simm.s32 $0x200;
	[dreg:$0xa] =	wrdreg s0;
	s25 =	sadd.s32 $0x41A00, s2  }
0x10: {  	s1 =	simm.s32 $0x0;
	s26 =	sadd.s32 $0x4C00, s2;
	[dreg:$0xb] =	wrdreg s25  }
0x11: {  	v0 =	vlaneseq.u32;
	s0 =	smax.u32 s24, $0x1;
	s24 =	simm.s32 $0x40;
	[dreg:$0xc] =	wrdreg s26  }
0x12: {  	v0 =	vmul.u32 $0x80, v0;
	[dreg:$0xd] =	wrdreg s0;
	s25 =	simm.s32 $0x2A00;
	s26 =	simm.s32 $0x1  }
.LBB2_1:
0x13: {  	[dreg:$0xe] =	wrdreg s1  }
0x14: {  	s0 =	rddreg [dreg:$0xb];
	s6 =	simm.s32 $0x80;
	s2 =	simm.s32 $0x400  }
0x15: {  	[tilespmem:s10], [sflag:$0x2] =	stream.strided.gather [hbm4b:s0+s6], $0x100, s2, s6, $0x38;
	[tilespmem:$0xEE00] =	vst v63  }
0x16: {  	_ =	swait.ge [sflag:s21], $0x100  }
0x17: {  	[sflag:s21] =	ssyncset.done $0x0  }
0x18: {  	s3 =	simm.s32 $0x100;
	s5 =	rddreg [dreg:$0xc];
	[sflag:s21] =	ssyncadd.s32 $0xFFFFFF00  }
0x19: {  	[tilespmem:s3], [sflag:$0x2] =	stream.strided.gather [hbm4b:s5+s6], $0x100, s2, s6, $0x38;
	[tilespmem:$0xEE00] =	vst v63  }
0x1a: {  	_ =	swait.ge [sflag:s21], $0x100  }
0x1b: {  	[sflag:s21] =	ssyncset.done $0x0  }
0x1c: {  	s6 =	rddreg [dreg:$0xa];
	[sflag:s21] =	ssyncadd.s32 $0xFFFFFF00  }
0x1d: {  	[tilespmem:s23], [sflag:$0x2] =	stream.linear.gather [hbm4b:s6+s10], $0x2780, $0x38;
	[tilespmem:$0xEE00] =	vst v63  }
0x1e: {  	_ =	swait.ge [sflag:s21], $0x2780  }
0x1f: {  	[sflag:s21] =	ssyncset.done $0x0  }
0x20: {  	s0 =	simm.s32 $0x0;
	[sflag:s21] =	ssyncadd.s32 $0xFFFFD880  }
.LBB2_2:
0x21: {  	s1 =	sshll.u32 s0, $0x6  }
0x22: {  	[tilespmem:s25], [sflag:$0x1] =	stream.indirect.gather [hbm4b:s12+s24], $0x80, s1, s24, $0xb8;
	[tilespmem:$0xEE00] =	vst v63  }
0x23: {  	_ =	swait.ge [sflag:s26], $0x2000  }
0x24: {  	[sflag:s26] =	ssyncset.done $0x0  }
0x25: {  	s2 =	sadd.s32 $0x100, s1;
	[sflag:s26] =	ssyncadd.s32 $0xFFFFE000  }
0x26: {  	[tilespmem:s28], [sflag:$0x1] =	stream.indirect.gather [hbm4b:s12+s24], $0x80, s2, s24, $0xb8;
	[tilespmem:$0xEE00] =	vst v63  }
0x27: {  	_ =	swait.ge [sflag:s26], $0x2000  }
0x28: {  	[sflag:s26] =	ssyncset.done $0x0  }
0x29: {  	[sflag:s26] =	ssyncadd.s32 $0xFFFFE000  }
0x2a: {  	[tilespmem:s29], [sflag:$0x1] =	stream.indirect.gather [hbm4b:s13+s24], $0x80, s1, s24, $0xb8;
	[tilespmem:$0xEE00] =	vst v63  }
0x2b: {  	_ =	swait.ge [sflag:s26], $0x2000  }
0x2c: {  	[sflag:s26] =	ssyncset.done $0x0  }
0x2d: {  	[sflag:s26] =	ssyncadd.s32 $0xFFFFE000  }
0x2e: {  	[tilespmem:s30], [sflag:$0x1] =	stream.indirect.gather [hbm4b:s13+s24], $0x80, s2, s24, $0xb8;
	[tilespmem:$0xEE00] =	vst v63  }
0x2f: {  	_ =	swait.ge [sflag:s26], $0x2000  }
0x30: {  	[sflag:s26] =	ssyncset.done $0x0  }
0x31: {  	[sflag:s26] =	ssyncadd.s32 $0xFFFFE000  }
0x32: {  	[tilespmem:s31], [sflag:$0x1] =	stream.indirect.gather [hbm4b:s14+s24], $0x80, s1, s24, $0xb8;
	[tilespmem:$0xEE00] =	vst v63  }
0x33: {  	_ =	swait.ge [sflag:s26], $0x2000  }
0x34: {  	[sflag:s26] =	ssyncset.done $0x0  }
0x35: {  	[sflag:s26] =	ssyncadd.s32 $0xFFFFE000  }
0x36: {  	[tilespmem:s7], [sflag:$0x1] =	stream.indirect.gather [hbm4b:s14+s24], $0x80, s2, s24, $0xb8;
	[tilespmem:$0xEE00] =	vst v63  }
0x37: {  	_ =	swait.ge [sflag:s26], $0x2000  }
0x38: {  	[sflag:s26] =	ssyncset.done $0x0  }
0x39: {  	s3 =	simm.s32 $0x0;
	s2 =	simm.s32 $0x0;
	[sflag:s26] =	ssyncadd.s32 $0xFFFFE000  }
.LBB2_3:
0x3a: {  	s5 =	sshll.u32 s3, $0x4;
	v3 =	vmov s2  }
0x3b: {  	v4 =	vmov s5;
	v3 =	vand.u32 $0x7F, v3  }
0x3c: {  	s6 =	sor.u32 s1, s5;
	v4 =	vshll.u32 v4, $0x7;
	v3 =	vbroadcast v3, $0x0  }
0x3d: {  	v2 =	vld [tilespmem:s6+$0x100];
	v6 =	vor.u32 v0, v4  }
0x3e: {  	v1 =	vld [tilespmem:s6+$0x0];
	v3 =	vor.u32 v6, v3;
	_ =	sdelay $0x3  }
0x3f: {  	s6 =	simm.s32 $0x1  }
0x40: {  	v4 =	vmov s6;
	v5 =	vld.idx.msk [tilespmem:v3+s31+$0x0], $0xffff  }
0x41: {  	v4 =	vand.u32 $0x7F, v4;
	v8 =	vld.idx.msk [tilespmem:v3+s7+$0x0], $0xffff  }
0x42: {  	v4 =	vbroadcast v4, $0x0;
	v2 =	vld.idx.msk [tilespmem:v2+s23+$0x0], $0xffff  }
0x43: {  	v1 =	vld.idx.msk [tilespmem:v1+s23+$0x0], $0xffff  }
0x44: {  	v15 =	vor.u32 v6, v4;
	v14 =	vld.idx.msk [tilespmem:v3+s29+$0x0], $0xffff  }
0x45: {  	v7 =	vld.idx.msk [tilespmem:v3+s30+$0x0], $0xffff  }
0x46: {  	v11 =	vimm.f32 $0.0e+00;
	s6 =	simm.s32 $0x2;
	v16 =	vmov v15;
	v12 =	vld.idx.msk [tilespmem:v3+s25+$0x0], $0xffff  }
0x47: {  	v10 =	vimm.f32 $0.0e+00;
	v9 =	vmov s6;
	v18 =	vmul.f32 v8, v2;
	v8 =	vld.idx.msk [tilespmem:v3+s28+$0x0], $0xffff  }
0x48: {  	v19 =	vand.u32 $0x7F, v9;
	v9 =	vimm.f32 $0.0e+00;
	v17 =	vmul.f32 v5, v1  }
0x49: {  	s6 =	simm.s32 $0x3;
	v4 =	vimm.f32 $0.0e+00;
	v13 =	vld.idx.msk [tilespmem:v15+s31+$0x0], $0xffff;
	v5 =	vimm.f32 $0.0e+00;
	v3 =	vimm.f32 $0.0e+00  }
.LBB2_4:
0x4a: {  	p0 =	sne.s32 s6, $0x7F;
	v19 =	vbroadcast v19, $0x0;
	v20 =	vld.idx.msk [tilespmem:v15+s7+$0x0], $0xffff;
	v17 =	vsub.f32 v14, v17;
	v18 =	vsub.f32 v7, v18;
	v21 =	vmovc v7  }
0x4b: {  	v24 =	vmul.f32 v14, v12;
	v22 =	vld.idx.msk [tilespmem:v16+s29+$0x0], $0xffff;
	v23 =	vmul.f32 v21, v12  }
0x4c: {  	v15 =	vor.u32 v6, v19;
	v7 =	vld.idx.msk [tilespmem:v16+s30+$0x0], $0xffff;
	v19 =	vmul.f32 v8, v12;
	v17 =	vmul.f32 v18, v17  }
.Ltmp0:
0x4d: {  	v14 =	vmul.f32 v14, v8;
	v21 =	vmul.f32 v21, v8;
	v12 =	vld.idx.msk [tilespmem:v16+s25+$0x0], $0xffff;
	v4 =	vadd.f32 v23, v4;
	(pc) =	sbr.rel @p0 .LBB2_4-.Ltmp0, $4  }
0x4e: {  	v8 =	vld.idx.msk [tilespmem:v16+s28+$0x0], $0xffff;
	v11 =	vadd.f32 v19, v11;
	v9 =	vadd.f32 v17, v9;
	v16 =	vmov v15  }
0x4f: {  	v5 =	vadd.f32 v24, v5;
	v10 =	vadd.f32 v14, v10  }
0x50: {  	v23 =	vmov s6;
	v17 =	vmul.f32 v13, v1;
	v18 =	vmul.f32 v20, v2  }
0x51: {  	s6 =	sadd.s32 $0x1, s6;
	v3 =	vadd.f32 v21, v3;
	v19 =	vand.u32 $0x7F, v23;
	v14 =	vmov v22;
	v13 =	vld.idx.msk [tilespmem:v15+s31+$0x0], $0xffff  }
0x52: {  	_ =	sdelay $0x1  }
0x53: {  	v19 =	vbroadcast v19, $0x0;
	_ =	sdelay $0x1  }
0x54: {  	v15 =	vld.idx.msk [tilespmem:v15+s7+$0x0], $0xffff;
	v6 =	vor.u32 v6, v19  }
0x55: {  	v39 =	vld.idx.msk [tilespmem:v16+s29+$0x0], $0xffff  }
0x56: {  	v20 =	vld.idx.msk [tilespmem:v16+s30+$0x0], $0xffff  }
0x57: {  	v21 =	vld.idx.msk [tilespmem:v16+s25+$0x0], $0xffff  }
0x58: {  	v40 =	vld.idx.msk [tilespmem:v16+s28+$0x0], $0xffff  }
0x59: {  	v17 =	vsub.f32 v14, v17;
	v22 =	vmul.f32 v7, v12;
	v23 =	vld.idx.msk [tilespmem:v6+s31+$0x0], $0xffff  }
0x5a: {  	v18 =	vsub.f32 v7, v18;
	v42 =	vmul.f32 v14, v12;
	v24 =	vmul.f32 v8, v12;
	v41 =	vld.idx.msk [tilespmem:v6+s7+$0x0], $0xffff  }
0x5b: {  	v43 =	vmul.f32 v14, v8;
	v46 =	vmul.f32 v7, v8;
	v4 =	vadd.f32 v22, v4;
	v44 =	vld.idx.msk [tilespmem:v6+s29+$0x0], $0xffff  }
0x5c: {  	v17 =	vmul.f32 v18, v17;
	v5 =	vadd.f32 v42, v5;
	v11 =	vadd.f32 v24, v11;
	v45 =	vld.idx.msk [tilespmem:v6+s25+$0x0], $0xffff  }
0x5d: {  	v48 =	vadd.f32 v43, v10;
	v13 =	vmul.f32 v13, v1;
	v15 =	vmul.f32 v15, v2;
	v49 =	vld.idx.msk [tilespmem:v6+s28+$0x0], $0xffff  }
0x5e: {  	v3 =	vadd.f32 v46, v3;
	v51 =	vmul.f32 v20, v21;
	v52 =	vmul.f32 v39, v21;
	v6 =	vld.idx.msk [tilespmem:v6+s30+$0x0], $0xffff  }
0x5f: {  	v53 =	vmul.f32 v40, v21;
	v13 =	vsub.f32 v39, v13;
	v50 =	vsub.f32 v20, v15  }
0x60: {  	v47 =	vadd.f32 v17, v9;
	v55 =	vmul.f32 v39, v40;
	v16 =	vmul.f32 v20, v40  }
0x61: {  	v4 =	vadd.f32 v51, v4;
	v11 =	vadd.f32 v53, v11;
	v54 =	vmul.f32 v50, v13  }
0x62: {  	v9 =	vadd.f32 v55, v48;
	v56 =	vmul.f32 v23, v1;
	v58 =	vmul.f32 v49, v45  }
0x63: {  	v5 =	vadd.f32 v52, v5;
	v57 =	vmul.f32 v41, v2;
	v59 =	vmul.f32 v6, v45  }
0x64: {  	[tilespmem:s5+$0xED00] =	vst v1;
	v60 =	vmul.f32 v44, v49;
	v14 =	vsub.f32 v44, v56;
	v11 =	vadd.f32 v58, v11  }
0x65: {  	s3 =	sadd.s32 $0x1, s3;
	[tilespmem:s5+$0xED80] =	vst v2;
	v62 =	vmul.f32 v44, v45;
	v15 =	vsub.f32 v6, v57;
	v4 =	vadd.f32 v59, v4  }
0x66: {  	p0 =	sne.s32 s3, $0x4;
	v3 =	vadd.f32 v16, v3;
	v9 =	vadd.f32 v60, v9;
	v6 =	vmul.f32 v6, v49;
	[tilespmem:s5+$0xEA00] =	vst v11  }
.Ltmp1:
0x67: {  	v7 =	vadd.f32 v54, v47;
	v63 =	vadd.f32 v62, v5;
	v61 =	vmul.f32 v15, v14;
	[tilespmem:s5+$0xEA80] =	vst v4;
	(pc) =	sbr.rel @p0 .LBB2_3-.Ltmp1, $4  }
0x68: {  	[tilespmem:s5+$0xEB00] =	vst v9;
	v3 =	vadd.f32 v6, v3  }
0x69: {  	[tilespmem:s5+$0xEC00] =	vst v63;
	v7 =	vadd.f32 v61, v7  }
0x6a: {  	[tilespmem:s5+$0xEC80] =	vst v3  }
0x6b: {  	[tilespmem:s5+$0xEB80] =	vst v7  }
0x6c: {  	s1 =	sor.u32 s11, s1  }
0x6d: {  	s2 =	rddreg [dreg:$0x1];
	s1 =	sshrl.u32 s1, $0x3  }
0x6e: {  	s2 =	sadd.s32 s2, s1  }
0x6f: {  	[hbm4b:s2+s10] =	stream.linear.scatter [tilespmem:s4], [sflag:$0x2], $0x40, $0x38;
	[tilespmem:$0xEE00] =	vst v63  }
0x70: {  	_ =	swait.ge [sflag:s21], $0x40  }
0x71: {  	[sflag:s21] =	ssyncset.done $0x0  }
0x72: {  	[sflag:s21] =	ssyncadd.s32 $0xFFFFFFC0  }
0x73: {  	s3 =	rddreg [dreg:$0x2]  }
0x74: {  	s2 =	sadd.s32 s3, s1  }
0x75: {  	[hbm4b:s2+s10] =	stream.linear.scatter [tilespmem:s22], [sflag:$0x2], $0x40, $0x38;
	[tilespmem:$0xEE00] =	vst v63  }
0x76: {  	_ =	swait.ge [sflag:s21], $0x40  }
0x77: {  	[sflag:s21] =	ssyncset.done $0x0  }
0x78: {  	[sflag:s21] =	ssyncadd.s32 $0xFFFFFFC0  }
0x79: {  	s5 =	rddreg [dreg:$0x3]  }
0x7a: {  	s2 =	sadd.s32 s5, s1  }
0x7b: {  	[hbm4b:s2+s10] =	stream.linear.scatter [tilespmem:s15], [sflag:$0x2], $0x40, $0x38;
	[tilespmem:$0xEE00] =	vst v63  }
0x7c: {  	_ =	swait.ge [sflag:s21], $0x40  }
0x7d: {  	[sflag:s21] =	ssyncset.done $0x0  }
0x7e: {  	[sflag:s21] =	ssyncadd.s32 $0xFFFFFFC0  }
0x7f: {  	s6 =	rddreg [dreg:$0x4]  }
0x80: {  	s2 =	sadd.s32 s6, s1  }
0x81: {  	[hbm4b:s2+s10] =	stream.linear.scatter [tilespmem:s19], [sflag:$0x2], $0x40, $0x38;
	[tilespmem:$0xEE00] =	vst v63  }
0x82: {  	_ =	swait.ge [sflag:s21], $0x40  }
0x83: {  	[sflag:s21] =	ssyncset.done $0x0  }
0x84: {  	[sflag:s21] =	ssyncadd.s32 $0xFFFFFFC0  }
0x85: {  	s3 =	rddreg [dreg:$0x5]  }
0x86: {  	s2 =	sadd.s32 s3, s1  }
0x87: {  	[hbm4b:s2+s10] =	stream.linear.scatter [tilespmem:s20], [sflag:$0x2], $0x40, $0x38;
	[tilespmem:$0xEE00] =	vst v63  }
0x88: {  	_ =	swait.ge [sflag:s21], $0x40  }
0x89: {  	[sflag:s21] =	ssyncset.done $0x0  }
0x8a: {  	[sflag:s21] =	ssyncadd.s32 $0xFFFFFFC0  }
0x8b: {  	s5 =	rddreg [dreg:$0x6]  }
0x8c: {  	s2 =	sadd.s32 s5, s1  }
0x8d: {  	[hbm4b:s2+s10] =	stream.linear.scatter [tilespmem:s16], [sflag:$0x2], $0x40, $0x38;
	[tilespmem:$0xEE00] =	vst v63  }
0x8e: {  	_ =	swait.ge [sflag:s21], $0x40  }
0x8f: {  	[sflag:s21] =	ssyncset.done $0x0  }
0x90: {  	s6 =	sadd.s32 s8, s1;
	[sflag:s21] =	ssyncadd.s32 $0xFFFFFFC0  }
0x91: {  	[hbm4b:s6+s10] =	stream.linear.scatter [tilespmem:s17], [sflag:$0x2], $0x40, $0x38;
	[tilespmem:$0xEE00] =	vst v63  }
0x92: {  	s0 =	sadd.s32 $0x1, s0;
	_ =	swait.ge [sflag:s21], $0x40  }
0x93: {  	p0 =	sne.s32 s0, $0x4;
	[sflag:s21] =	ssyncset.done $0x0  }
.Ltmp2:
0x94: {  	s1 =	sadd.s32 s9, s1;
	[sflag:s21] =	ssyncadd.s32 $0xFFFFFFC0;
	(pc) =	sbr.rel @p0 .LBB2_2-.Ltmp2, $4  }
0x95: {  	[hbm4b:s1+s10] =	stream.linear.scatter [tilespmem:s18], [sflag:$0x2], $0x40, $0x38;
	[tilespmem:$0xEE00] =	vst v63  }
0x96: {  	_ =	swait.ge [sflag:s21], $0x40  }
0x97: {  	[sflag:s21] =	ssyncset.done $0x0  }
0x98: {  	[sflag:s21] =	ssyncadd.s32 $0xFFFFFFC0  }
0x99: {  	s1 =	rddreg [dreg:$0xe]  }
0x9a: {  	s0 =	rddreg [dreg:$0xd];
	s1 =	sadd.s32 $0x1, s1  }
0x9b: {  	p0 =	sne.s32 s1, s0  }
.Ltmp3:
0x9c: {  	_ = 	snop;
	(pc) =	sbr.rel @p0 .LBB2_1-.Ltmp3, $1  }
0x9d: {  	_ =	sdelay $0x3  }
0x9e: {  	_ =	sfence.sel $0x180000  }
0x9f: {  	[bflag:$0x0] =	sbarrier.arrive $0xFFFF  }
0xa0: {  	_ =	strace $0x90000059  }
0xa1: {  	s0 =	stileid.u32;
	[bflag:$0x2] =	sbarrier.arrive $0xFFFF  }
0xa2: {  	p0 =	sne.s32 s0, $0x0;
	s0 =	rddreg [dreg:$0x9]  }
0xa3: {  	s0 =	sadd.s32 @!p0 $0x100000, s0  }
0xa4: {  	[sflag:s0] =	ssyncadd.tile.s32 @!p0 $0x1;
	_ =	shalt  }
.Lfunc_end2:
_tile_overlayer_lowered:
.L_overlay_start_2:
0xa5: {  	(tag) =	ssettag $0x2  }
0xa6: {  	s0 =	rddreg [dreg:$0x0];
	s2 =	stileid.u32  }
0xa7: {  	s1 =	rddreg [dreg:$0x1];
	p0 =	sne.s32 s2, $0x0  }
0xa8: {  	s3 =	rddreg [dreg:$0x2];
	[bflag:$0x3] =	sbarrier.arrive $0xFFFF;
	s2 =	simm.s32 @!p0 $0x1C02  }
0xa9: {  	[timem:s3], [sflag:s2] =	dma.local @!p0 [hbm:s0], s1  }
0xaa: {  	s0 =	simm.s32 @!p0 $0x2  }
0xab: {  	_ =	swait.ge @!p0 [sflag:s0], s1  }
0xac: {  	s1 =	ssub.s32 @!p0 $0x0, s1;
	[sflag:s0] =	ssyncset.done @!p0 $0x0  }
0xad: {  	[sflag:s0] =	ssyncadd.s32 @!p0 s1  }
0xae: {  	[bflag:$0x3] =	sbarrier.arrive $0xFFFF  }
0xaf: {  	_ =	shalt  }

</sc_bundles>
